<compile_context>
chip_gen: v7x
topology: tpu7x:2x2x1
jax: 0.10.2.dev20260603
libtpu: 0.0.44.dev20260713+nightly
codegen_flags: <defaults>
</compile_context>

<pallas_src>
import jax
import jax.numpy as jnp
from jax import lax
from jax.experimental import pallas as pl
from jax.experimental.pallas import tpu as pltpu
from jax.experimental.pallas import tpu_sc as plsc

NC, NS, L = 2, 16, 16
NW = NC * NS
H = W = 2048
R_TC = 1920
RB = 64
SC_ROWS = H - R_TC
ROWS_PER_W = SC_ROWS // NW
NBUF = 2


def _tc_body(xref, oref):
    m = xref[0]
    idx = jnp.zeros((RB, W), jnp.int32)
    for c in range(1, 8):
        vc = xref[c]
        gt = vc > m
        m = jnp.where(gt, vc, m)
        idx = jnp.where(gt, jnp.full((RB, W), c, jnp.int32), idx)
    dx = xref[8]
    dy = xref[9]
    mag = jnp.sqrt(dx * dx + dy * dy)
    zero = jnp.zeros((RB, W), jnp.float32)
    for c in range(8):
        oref[c] = jnp.where(idx == c, mag, zero)


def _sc_compute_row(xb, ob):
    @plsc.parallel_loop(0, W // L, step=1, unroll=4)
    def grp(g):
        sl = pl.ds(g * L, L)
        m = xb[0, 0, sl]
        idx = jnp.zeros((L,), jnp.int32)
        for c in range(1, 8):
            vc = xb[c, 0, sl]
            gt = vc > m
            m = jnp.where(gt, vc, m)
            idx = jnp.where(gt, jnp.full((L,), c, jnp.int32), idx)
        dx = xb[8, 0, sl]
        dy = xb[9, 0, sl]
        s2 = dx * dx + dy * dy
        s2s = jnp.maximum(s2, jnp.full((L,), 1e-30, jnp.float32))
        ii = lax.bitcast_convert_type(s2s, jnp.int32)
        seed = jnp.full((L,), 0x5F3759DF, jnp.int32) - (ii >> 1)
        y = lax.bitcast_convert_type(seed, jnp.float32)
        half_s = s2s * 0.5
        for _ in range(3):
            y = y * (1.5 - half_s * y * y)
        mag = s2 * y
        zero = jnp.zeros((L,), jnp.float32)
        for c in range(8):
            ob[c, 0, sl] = jnp.where(idx == c, mag, zero)


def _sc_body(x_hbm, out_hbm, xbuf, obuf, *sems):
    isems = sems[:NBUF]
    osems = sems[NBUF:]
    cid = lax.axis_index("c")
    sid = lax.axis_index("s")
    wid = sid * NC + cid
    row0 = R_TC + wid * ROWS_PER_W
    orow0 = wid * ROWS_PER_W

    for k in range(NBUF):
        pltpu.async_copy(
            x_hbm.at[:, pl.ds(row0 + k, 1), :], xbuf.at[k], isems[k])

    def outer(jj, carry):
        for k in range(NBUF):
            i = jj * NBUF + k
            pltpu.make_async_copy(
                x_hbm.at[:, pl.ds(row0 + i, 1), :], xbuf.at[k],
                isems[k]).wait()

            @pl.when(jj > 0)
            def _():
                pltpu.make_async_copy(
                    obuf.at[k], out_hbm.at[:, pl.ds(orow0, 1), :],
                    osems[k]).wait()

            _sc_compute_row(xbuf.at[k], obuf.at[k])

            @pl.when(i + NBUF < ROWS_PER_W)
            def _():
                pltpu.async_copy(
                    x_hbm.at[:, pl.ds(row0 + i + NBUF, 1), :], xbuf.at[k],
                    isems[k])

            pltpu.async_copy(
                obuf.at[k], out_hbm.at[:, pl.ds(orow0 + i, 1), :], osems[k])
        return carry

    lax.fori_loop(0, ROWS_PER_W // NBUF, outer, 0, unroll=False)

    for k in range(NBUF):
        pltpu.make_async_copy(
            obuf.at[k], out_hbm.at[:, pl.ds(orow0, 1), :], osems[k]).wait()


@jax.jit
def _run(x3):
    sc_f = pl.kernel(
        _sc_body,
        out_type=jax.ShapeDtypeStruct((8, SC_ROWS, W), jnp.float32),
        mesh=plsc.VectorSubcoreMesh(
            core_axis_name="c", subcore_axis_name="s",
            num_cores=NC, num_subcores=NS,
        ),
        scratch_types=[
            pltpu.VMEM((NBUF, 10, 1, W), jnp.float32),
            pltpu.VMEM((NBUF, 8, 1, W), jnp.float32),
        ] + [pltpu.SemaphoreType.DMA] * (2 * NBUF),
    )
    sc_out = sc_f(x3)
    tc_out = pl.pallas_call(
        _tc_body,
        grid=(R_TC // RB,),
        in_specs=[pl.BlockSpec((10, RB, W), lambda i: (0, i, 0))],
        out_specs=pl.BlockSpec((8, RB, W), lambda i: (0, i, 0)),
        out_shape=jax.ShapeDtypeStruct((8, H, W), jnp.float32),
        compiler_params=pltpu.CompilerParams(
            dimension_semantics=("arbitrary",)),
    )(x3)
    return lax.dynamic_update_slice(tc_out, sc_out, (0, R_TC, 0))


def kernel(x):
    out = _run(x.reshape(10, H, W))
    return out.reshape(1, 8, H, W)

# --- scband reference (transcript-rebuilt; emitter-appended) ---
"""Pipeline reference for scband-histogram-layer-39505109189237 (READ-ONLY COPY).

The authoritative reference and input builder live on the scoring server;
editing this copy changes nothing except your own understanding.
"""

import jax, jax.numpy as jnp
import numpy as np


def setup_inputs(seed: int = 0) -> dict:
    key = jax.random.key(seed)
    x = jax.random.normal(key, (1, 10, 2048, 2048), dtype=jnp.float32)
    return {"x": x}


def reference(x):
    # Split into 8 cosine channels and 2 gradient (dx, dy) channels.
    cosines = x[:, :8, :, :]
    im_grads = x[:, 8:, :, :]
    _, _, m, n = cosines.shape

    # Per-pixel argmax over the 8 cosine channels (the winning bin).
    max_idx = jnp.argmax(cosines, axis=1).reshape(-1)

    # Pixel coordinate grids (ij indexing matches torch.meshgrid default).
    grid_x, grid_y = jnp.meshgrid(jnp.arange(m), jnp.arange(n), indexing="ij")
    m_idx = grid_x.reshape(-1)
    n_idx = grid_y.reshape(-1)

    # Binary occupancy tensor via scatter-set of 1.0 at the argmax channel.
    per_px_histogram = jnp.zeros_like(cosines)
    per_px_histogram = per_px_histogram.at[0, max_idx, m_idx, n_idx].set(1.0)

    # Gradient magnitude at every pixel (L2 norm over the 2 grad channels).
    grad_mag = jnp.linalg.norm(im_grads, axis=1)  # (1, M, N)

    # Weighted histogram: magnitude broadcast against the one-hot occupancy.
    per_px_histogram = grad_mag * per_px_histogram  # -> (1, 8, M, N)
    return per_px_histogram

if __name__ == "__main__":
    import jax
    _d = setup_inputs()
    print(jax.jit(kernel)(*tuple(_d.values())))

</pallas_src>

<mosaic_0001>
#map = affine_map<(d0, d1) -> (0, 0, 0)>
module attributes {stable_mosaic.version = 14 : i64} {
  func.func @_sc_body(%arg0: i32, %arg1: i32, %arg2: memref<10x2048x2048xf32, #tpu.memory_space<hbm>>, %arg3: memref<8x128x2048xf32, #tpu.memory_space<hbm>>, %arg4: memref<2x10x1x2048xf32, #tpu.memory_space<vmem>>, %arg5: memref<2x8x1x2048xf32, #tpu.memory_space<vmem>>, %arg6: memref<!tpu.dma_semaphore, #tpu.memory_space<semaphore_mem>>, %arg7: memref<!tpu.dma_semaphore, #tpu.memory_space<semaphore_mem>>, %arg8: memref<!tpu.dma_semaphore, #tpu.memory_space<semaphore_mem>>, %arg9: memref<!tpu.dma_semaphore, #tpu.memory_space<semaphore_mem>>) attributes {dimension_semantics = [#tpu.dimension_semantics<core_parallel>, #tpu.dimension_semantics<subcore_parallel>], iteration_bounds = array<i64: 2, 16>, scalar_prefetch = 0 : i64, scratch_operands = 6 : i64, tpu.core_type = #tpu.core_type<sc_vector_subcore>, window_params = [{transform_indices = #map}, {transform_indices = #map}]} {
    %mul3A = arith.constant 2 : i32
    %mul3A_0 = arith.muli %arg1, %mul3A : i32
    %add3A = arith.addi %mul3A_0, %arg0 : i32
    %mul3A_1 = arith.constant 4 : i32
    %mul3A_2 = arith.muli %add3A, %mul3A_1 : i32
    %add3A_3 = arith.constant 1920 : i32
    %add3A_4 = arith.addi %add3A_3, %mul3A_2 : i32
    %mul3A_5 = arith.constant 4 : i32
    %mul3A_6 = arith.muli %add3A, %mul3A_5 : i32
    %add3A_7 = arith.constant 0 : i32
    %add3A_8 = arith.addi %add3A_4, %add3A_7 : i32
    %dma_start3A = arith.constant 0 : i32
    %dma_start3A_9 = arith.constant 0 : i32
    %dma_start3A_10 = arith.constant 0 : i32
    %dma_start3A_11 = arith.constant 0 : i32
    %dma_start3A_12 = tpu.memref_slice %arg4[%dma_start3A, %dma_start3A_9, %dma_start3A_10, %dma_start3A_11] : memref<2x10x1x2048xf32, #tpu.memory_space<vmem>> -> memref<1x10x1x2048xf32, #tpu.memory_space<vmem>>
    %dma_start3A_13 = tpu.memref_squeeze %dma_start3A_12 : memref<1x10x1x2048xf32, #tpu.memory_space<vmem>> -> memref<10x1x2048xf32, #tpu.memory_space<vmem>>
    %dma_start3A_14 = arith.constant 0 : i32
    %dma_start3A_15 = arith.constant 0 : i32
    %dma_start3A_16 = tpu.memref_slice %arg2[%dma_start3A_14, %add3A_8, %dma_start3A_15] : memref<10x2048x2048xf32, #tpu.memory_space<hbm>> -> memref<10x1x2048xf32, #tpu.memory_space<hbm>>
    %dma_start3A_17 = arith.constant 0 : i32
    %dma_start3A_18 = arith.constant 0 : i32
    %dma_start3A_19 = arith.constant 0 : i32
    %dma_start3A_20 = tpu.memref_slice %arg4[%dma_start3A, %dma_start3A_17, %dma_start3A_18, %dma_start3A_19] : memref<2x10x1x2048xf32, #tpu.memory_space<vmem>> -> memref<1x10x1x2048xf32, #tpu.memory_space<vmem>>
    %dma_start3A_21 = tpu.memref_squeeze %dma_start3A_20 : memref<1x10x1x2048xf32, #tpu.memory_space<vmem>> -> memref<10x1x2048xf32, #tpu.memory_space<vmem>>
    %dma_start3A_22 = arith.constant 0 : i32
    %dma_start3A_23 = arith.constant 0 : i32
    %dma_start3A_24 = tpu.memref_slice %arg2[%dma_start3A_22, %add3A_8, %dma_start3A_23] : memref<10x2048x2048xf32, #tpu.memory_space<hbm>> -> memref<10x1x2048xf32, #tpu.memory_space<hbm>>
    tpu.enqueue_dma source(%dma_start3A_24 : memref<10x1x2048xf32, #tpu.memory_space<hbm>>) target(%dma_start3A_21 : memref<10x1x2048xf32, #tpu.memory_space<vmem>>) target_semaphore(%arg6 : memref<!tpu.dma_semaphore, #tpu.memory_space<semaphore_mem>>)
    %add3A_25 = arith.constant 1 : i32
    %add3A_26 = arith.addi %add3A_4, %add3A_25 : i32
    %dma_start3A_27 = arith.constant 1 : i32
    %dma_start3A_28 = arith.constant 0 : i32
    %dma_start3A_29 = arith.constant 0 : i32
    %dma_start3A_30 = arith.constant 0 : i32
    %dma_start3A_31 = tpu.memref_slice %arg4[%dma_start3A_27, %dma_start3A_28, %dma_start3A_29, %dma_start3A_30] : memref<2x10x1x2048xf32, #tpu.memory_space<vmem>> -> memref<1x10x1x2048xf32, #tpu.memory_space<vmem>>
    %dma_start3A_32 = tpu.memref_squeeze %dma_start3A_31 : memref<1x10x1x2048xf32, #tpu.memory_space<vmem>> -> memref<10x1x2048xf32, #tpu.memory_space<vmem>>
    %dma_start3A_33 = arith.constant 0 : i32
    %dma_start3A_34 = arith.constant 0 : i32
    %dma_start3A_35 = tpu.memref_slice %arg2[%dma_start3A_33, %add3A_26, %dma_start3A_34] : memref<10x2048x2048xf32, #tpu.memory_space<hbm>> -> memref<10x1x2048xf32, #tpu.memory_space<hbm>>
    %dma_start3A_36 = arith.constant 0 : i32
    %dma_start3A_37 = arith.constant 0 : i32
    %dma_start3A_38 = arith.constant 0 : i32
    %dma_start3A_39 = tpu.memref_slice %arg4[%dma_start3A_27, %dma_start3A_36, %dma_start3A_37, %dma_start3A_38] : memref<2x10x1x2048xf32, #tpu.memory_space<vmem>> -> memref<1x10x1x2048xf32, #tpu.memory_space<vmem>>
    %dma_start3A_40 = tpu.memref_squeeze %dma_start3A_39 : memref<1x10x1x2048xf32, #tpu.memory_space<vmem>> -> memref<10x1x2048xf32, #tpu.memory_space<vmem>>
    %dma_start3A_41 = arith.constant 0 : i32
    %dma_start3A_42 = arith.constant 0 : i32
    %dma_start3A_43 = tpu.memref_slice %arg2[%dma_start3A_41, %add3A_26, %dma_start3A_42] : memref<10x2048x2048xf32, #tpu.memory_space<hbm>> -> memref<10x1x2048xf32, #tpu.memory_space<hbm>>
    tpu.enqueue_dma source(%dma_start3A_43 : memref<10x1x2048xf32, #tpu.memory_space<hbm>>) target(%dma_start3A_40 : memref<10x1x2048xf32, #tpu.memory_space<vmem>>) target_semaphore(%arg7 : memref<!tpu.dma_semaphore, #tpu.memory_space<semaphore_mem>>)
    %scan3A = arith.constant 0 : i32
    %scan3A_44 = arith.constant 0 : i32
    %scan3A_45 = arith.constant 2 : i32
    %scan3A_46 = arith.addi %scan3A_44, %scan3A_45 : i32
    %scan3A_47 = arith.constant 1 : i32
    scf.for %scan3A_82 = %scan3A_44 to %scan3A_46 step %scan3A_47  : i32 {
      %mul3A_83 = arith.constant 2 : i32
      %mul3A_84 = arith.muli %scan3A_82, %mul3A_83 : i32
      %add3A_85 = arith.constant 0 : i32
      %add3A_86 = arith.addi %mul3A_84, %add3A_85 : i32
      %add3A_87 = arith.addi %add3A_4, %add3A_86 : i32
      %dma_wait3A_88 = arith.constant 0 : i32
      %dma_wait3A_89 = arith.constant 0 : i32
      %dma_wait3A_90 = arith.constant 0 : i32
      %dma_wait3A_91 = arith.constant 0 : i32
      %dma_wait3A_92 = tpu.memref_slice %arg4[%dma_wait3A_88, %dma_wait3A_89, %dma_wait3A_90, %dma_wait3A_91] : memref<2x10x1x2048xf32, #tpu.memory_space<vmem>> -> memref<1x10x1x2048xf32, #tpu.memory_space<vmem>>
      %dma_wait3A_93 = tpu.memref_squeeze %dma_wait3A_92 : memref<1x10x1x2048xf32, #tpu.memory_space<vmem>> -> memref<10x1x2048xf32, #tpu.memory_space<vmem>>
      %dma_wait3A_94 = arith.constant 0 : i32
      %dma_wait3A_95 = arith.constant 0 : i32
      %dma_wait3A_96 = tpu.memref_slice %arg2[%dma_wait3A_94, %add3A_87, %dma_wait3A_95] : memref<10x2048x2048xf32, #tpu.memory_space<hbm>> -> memref<10x1x2048xf32, #tpu.memory_space<hbm>>
      %dma_wait3A_97 = arith.constant 0 : i32
      %dma_wait3A_98 = arith.constant 0 : i32
      %dma_wait3A_99 = arith.constant 0 : i32
      %dma_wait3A_100 = tpu.memref_slice %arg4[%dma_wait3A_88, %dma_wait3A_97, %dma_wait3A_98, %dma_wait3A_99] : memref<2x10x1x2048xf32, #tpu.memory_space<vmem>> -> memref<1x10x1x2048xf32, #tpu.memory_space<vmem>>
      %dma_wait3A_101 = tpu.memref_squeeze %dma_wait3A_100 : memref<1x10x1x2048xf32, #tpu.memory_space<vmem>> -> memref<10x1x2048xf32, #tpu.memory_space<vmem>>
      %dma_wait3A_102 = arith.constant 0 : i32
      %dma_wait3A_103 = arith.constant 0 : i32
      %dma_wait3A_104 = tpu.memref_slice %arg2[%dma_wait3A_102, %add3A_87, %dma_wait3A_103] : memref<10x2048x2048xf32, #tpu.memory_space<hbm>> -> memref<10x1x2048xf32, #tpu.memory_space<hbm>>
      tpu.wait_dma2 semaphore(%arg6 : memref<!tpu.dma_semaphore, #tpu.memory_space<semaphore_mem>>) src(%dma_wait3A_104 : memref<10x1x2048xf32, #tpu.memory_space<hbm>>) dst(%dma_wait3A_101 : memref<10x1x2048xf32, #tpu.memory_space<vmem>>)
      %gt3A = arith.constant 0 : i32
      %gt3A_105 = arith.cmpi sgt, %scan3A_82, %gt3A : i32
      %convert_element_type3A = arith.extui %gt3A_105 : i1 to i32
      %cond3A = arith.constant 0 : i32
      %cond3A_106 = arith.cmpi ne, %convert_element_type3A, %cond3A : i32
      scf.if %cond3A_106 {
        %dma_wait3A_192 = arith.constant 0 : i32
        %dma_wait3A_193 = arith.constant 0 : i32
        %dma_wait3A_194 = arith.constant 0 : i32
        %dma_wait3A_195 = arith.constant 0 : i32
        %dma_wait3A_196 = tpu.memref_slice %arg5[%dma_wait3A_192, %dma_wait3A_193, %dma_wait3A_194, %dma_wait3A_195] : memref<2x8x1x2048xf32, #tpu.memory_space<vmem>> -> memref<1x8x1x2048xf32, #tpu.memory_space<vmem>>
        %dma_wait3A_197 = tpu.memref_squeeze %dma_wait3A_196 : memref<1x8x1x2048xf32, #tpu.memory_space<vmem>> -> memref<8x1x2048xf32, #tpu.memory_space<vmem>>
        %dma_wait3A_198 = arith.constant 0 : i32
        %dma_wait3A_199 = arith.constant 0 : i32
        %dma_wait3A_200 = tpu.memref_slice %arg3[%dma_wait3A_198, %mul3A_6, %dma_wait3A_199] : memref<8x128x2048xf32, #tpu.memory_space<hbm>> -> memref<8x1x2048xf32, #tpu.memory_space<hbm>>
        %dma_wait3A_201 = arith.constant 0 : i32
        %dma_wait3A_202 = arith.constant 0 : i32
        %dma_wait3A_203 = tpu.memref_slice %arg3[%dma_wait3A_201, %mul3A_6, %dma_wait3A_202] : memref<8x128x2048xf32, #tpu.memory_space<hbm>> -> memref<8x1x2048xf32, #tpu.memory_space<hbm>>
        %dma_wait3A_204 = arith.constant 0 : i32
        %dma_wait3A_205 = arith.constant 0 : i32
        %dma_wait3A_206 = arith.constant 0 : i32
        %dma_wait3A_207 = tpu.memref_slice %arg5[%dma_wait3A_192, %dma_wait3A_204, %dma_wait3A_205, %dma_wait3A_206] : memref<2x8x1x2048xf32, #tpu.memory_space<vmem>> -> memref<1x8x1x2048xf32, #tpu.memory_space<vmem>>
        %dma_wait3A_208 = tpu.memref_squeeze %dma_wait3A_207 : memref<1x8x1x2048xf32, #tpu.memory_space<vmem>> -> memref<8x1x2048xf32, #tpu.memory_space<vmem>>
        tpu.wait_dma2 semaphore(%arg8 : memref<!tpu.dma_semaphore, #tpu.memory_space<semaphore_mem>>) src(%dma_wait3A_208 : memref<8x1x2048xf32, #tpu.memory_space<vmem>>) dst(%dma_wait3A_203 : memref<8x1x2048xf32, #tpu.memory_space<hbm>>)
      } else {
      }
      %parallel_loop3A = arith.constant 0 : i32
      %parallel_loop3A_107 = arith.constant 128 : i32
      %parallel_loop3A_108 = arith.constant 1 : i32
      %parallel_loop3A_109 = arith.constant 0 : i32
      %parallel_loop3A_110 = arith.constant 0 : i32
      scf.for %parallel_loop3A_192 = %parallel_loop3A to %parallel_loop3A_107 step %parallel_loop3A_108  : i32 {
        %parallel_loop3A_193 = arith.constant 16 : i32
        %parallel_loop3A_194 = arith.muli %parallel_loop3A_192, %parallel_loop3A_193 : i32
        %parallel_loop3A_195 = arith.constant 0 : i32
        %parallel_loop3A_196 = arith.constant 0 : i32
        %parallel_loop3A_197 = arith.constant 0 : i32
        %parallel_loop3A_198 = arith.constant 0 : i32
        %parallel_loop3A_199 = arith.constant 0 : i32
        %parallel_loop3A_200 = tpu.memref_slice %arg4[%parallel_loop3A_109, %parallel_loop3A_197, %parallel_loop3A_198, %parallel_loop3A_199] : memref<2x10x1x2048xf32, #tpu.memory_space<vmem>> -> memref<1x10x1x2048xf32, #tpu.memory_space<vmem>>
        %parallel_loop3A_201 = tpu.memref_squeeze %parallel_loop3A_200 : memref<1x10x1x2048xf32, #tpu.memory_space<vmem>> -> memref<10x1x2048xf32, #tpu.memory_space<vmem>>
        %parallel_loop3A_202 = arith.index_cast %parallel_loop3A_195 : i32 to index
        %parallel_loop3A_203 = arith.index_cast %parallel_loop3A_196 : i32 to index
        %parallel_loop3A_204 = arith.index_cast %parallel_loop3A_194 : i32 to index
        %parallel_loop3A_205 = tpu.vector_load %parallel_loop3A_201[%parallel_loop3A_202, %parallel_loop3A_203, %parallel_loop3A_204] {strides = array<i32>} : memref<10x1x2048xf32, #tpu.memory_space<vmem>>, vector<1x1x16xf32>,
        %parallel_loop3A_206 = vector.shape_cast %parallel_loop3A_205 : vector<1x1x16xf32> to vector<16xf32>
        %parallel_loop3A_207 = arith.constant 0 : i32
        %parallel_loop3A_208 = vector.broadcast %parallel_loop3A_207 : i32 to vector<16xi32>
        %parallel_loop3A_209 = arith.constant 1 : i32
        %parallel_loop3A_210 = arith.constant 0 : i32
        %parallel_loop3A_211 = arith.constant 0 : i32
        %parallel_loop3A_212 = arith.constant 0 : i32
        %parallel_loop3A_213 = arith.constant 0 : i32
        %parallel_loop3A_214 = tpu.memref_slice %arg4[%parallel_loop3A_109, %parallel_loop3A_211, %parallel_loop3A_212, %parallel_loop3A_213] : memref<2x10x1x2048xf32, #tpu.memory_space<vmem>> -> memref<1x10x1x2048xf32, #tpu.memory_space<vmem>>
        %parallel_loop3A_215 = tpu.memref_squeeze %parallel_loop3A_214 : memref<1x10x1x2048xf32, #tpu.memory_space<vmem>> -> memref<10x1x2048xf32, #tpu.memory_space<vmem>>
        %parallel_loop3A_216 = arith.index_cast %parallel_loop3A_209 : i32 to index
        %parallel_loop3A_217 = arith.index_cast %parallel_loop3A_210 : i32 to index
        %parallel_loop3A_218 = arith.index_cast %parallel_loop3A_194 : i32 to index
        %parallel_loop3A_219 = tpu.vector_load %parallel_loop3A_215[%parallel_loop3A_216, %parallel_loop3A_217, %parallel_loop3A_218] {strides = array<i32>} : memref<10x1x2048xf32, #tpu.memory_space<vmem>>, vector<1x1x16xf32>,
        %parallel_loop3A_220 = vector.shape_cast %parallel_loop3A_219 : vector<1x1x16xf32> to vector<16xf32>
        %parallel_loop3A_221 = arith.cmpf ogt, %parallel_loop3A_220, %parallel_loop3A_206 : vector<16xf32>
        %parallel_loop3A_222 = arith.select %parallel_loop3A_221, %parallel_loop3A_220, %parallel_loop3A_206 : vector<16xi1>, vector<16xf32>
        %parallel_loop3A_223 = arith.constant 1 : i32
        %parallel_loop3A_224 = vector.broadcast %parallel_loop3A_223 : i32 to vector<16xi32>
        %parallel_loop3A_225 = arith.select %parallel_loop3A_221, %parallel_loop3A_224, %parallel_loop3A_208 : vector<16xi1>, vector<16xi32>
        %parallel_loop3A_226 = arith.constant 2 : i32
        %parallel_loop3A_227 = arith.constant 0 : i32
        %parallel_loop3A_228 = arith.constant 0 : i32
        %parallel_loop3A_229 = arith.constant 0 : i32
        %parallel_loop3A_230 = arith.constant 0 : i32
        %parallel_loop3A_231 = tpu.memref_slice %arg4[%parallel_loop3A_109, %parallel_loop3A_228, %parallel_loop3A_229, %parallel_loop3A_230] : memref<2x10x1x2048xf32, #tpu.memory_space<vmem>> -> memref<1x10x1x2048xf32, #tpu.memory_space<vmem>>
        %parallel_loop3A_232 = tpu.memref_squeeze %parallel_loop3A_231 : memref<1x10x1x2048xf32, #tpu.memory_space<vmem>> -> memref<10x1x2048xf32, #tpu.memory_space<vmem>>
        %parallel_loop3A_233 = arith.index_cast %parallel_loop3A_226 : i32 to index
        %parallel_loop3A_234 = arith.index_cast %parallel_loop3A_227 : i32 to index
        %parallel_loop3A_235 = arith.index_cast %parallel_loop3A_194 : i32 to index
        %parallel_loop3A_236 = tpu.vector_load %parallel_loop3A_232[%parallel_loop3A_233, %parallel_loop3A_234, %parallel_loop3A_235] {strides = array<i32>} : memref<10x1x2048xf32, #tpu.memory_space<vmem>>, vector<1x1x16xf32>,
        %parallel_loop3A_237 = vector.shape_cast %parallel_loop3A_236 : vector<1x1x16xf32> to vector<16xf32>
        %parallel_loop3A_238 = arith.cmpf ogt, %parallel_loop3A_237, %parallel_loop3A_222 : vector<16xf32>
        %parallel_loop3A_239 = arith.select %parallel_loop3A_238, %parallel_loop3A_237, %parallel_loop3A_222 : vector<16xi1>, vector<16xf32>
        %parallel_loop3A_240 = arith.constant 2 : i32
        %parallel_loop3A_241 = vector.broadcast %parallel_loop3A_240 : i32 to vector<16xi32>
        %parallel_loop3A_242 = arith.select %parallel_loop3A_238, %parallel_loop3A_241, %parallel_loop3A_225 : vector<16xi1>, vector<16xi32>
        %parallel_loop3A_243 = arith.constant 3 : i32
        %parallel_loop3A_244 = arith.constant 0 : i32
        %parallel_loop3A_245 = arith.constant 0 : i32
        %parallel_loop3A_246 = arith.constant 0 : i32
        %parallel_loop3A_247 = arith.constant 0 : i32
        %parallel_loop3A_248 = tpu.memref_slice %arg4[%parallel_loop3A_109, %parallel_loop3A_245, %parallel_loop3A_246, %parallel_loop3A_247] : memref<2x10x1x2048xf32, #tpu.memory_space<vmem>> -> memref<1x10x1x2048xf32, #tpu.memory_space<vmem>>
        %parallel_loop3A_249 = tpu.memref_squeeze %parallel_loop3A_248 : memref<1x10x1x2048xf32, #tpu.memory_space<vmem>> -> memref<10x1x2048xf32, #tpu.memory_space<vmem>>
        %parallel_loop3A_250 = arith.index_cast %parallel_loop3A_243 : i32 to index
        %parallel_loop3A_251 = arith.index_cast %parallel_loop3A_244 : i32 to index
        %parallel_loop3A_252 = arith.index_cast %parallel_loop3A_194 : i32 to index
        %parallel_loop3A_253 = tpu.vector_load %parallel_loop3A_249[%parallel_loop3A_250, %parallel_loop3A_251, %parallel_loop3A_252] {strides = array<i32>} : memref<10x1x2048xf32, #tpu.memory_space<vmem>>, vector<1x1x16xf32>,
        %parallel_loop3A_254 = vector.shape_cast %parallel_loop3A_253 : vector<1x1x16xf32> to vector<16xf32>
        %parallel_loop3A_255 = arith.cmpf ogt, %parallel_loop3A_254, %parallel_loop3A_239 : vector<16xf32>
        %parallel_loop3A_256 = arith.select %parallel_loop3A_255, %parallel_loop3A_254, %parallel_loop3A_239 : vector<16xi1>, vector<16xf32>
        %parallel_loop3A_257 = arith.constant 3 : i32
        %parallel_loop3A_258 = vector.broadcast %parallel_loop3A_257 : i32 to vector<16xi32>
        %parallel_loop3A_259 = arith.select %parallel_loop3A_255, %parallel_loop3A_258, %parallel_loop3A_242 : vector<16xi1>, vector<16xi32>
        %parallel_loop3A_260 = arith.constant 4 : i32
        %parallel_loop3A_261 = arith.constant 0 : i32
        %parallel_loop3A_262 = arith.constant 0 : i32
        %parallel_loop3A_263 = arith.constant 0 : i32
        %parallel_loop3A_264 = arith.constant 0 : i32
        %parallel_loop3A_265 = tpu.memref_slice %arg4[%parallel_loop3A_109, %parallel_loop3A_262, %parallel_loop3A_263, %parallel_loop3A_264] : memref<2x10x1x2048xf32, #tpu.memory_space<vmem>> -> memref<1x10x1x2048xf32, #tpu.memory_space<vmem>>
        %parallel_loop3A_266 = tpu.memref_squeeze %parallel_loop3A_265 : memref<1x10x1x2048xf32, #tpu.memory_space<vmem>> -> memref<10x1x2048xf32, #tpu.memory_space<vmem>>
        %parallel_loop3A_267 = arith.index_cast %parallel_loop3A_260 : i32 to index
        %parallel_loop3A_268 = arith.index_cast %parallel_loop3A_261 : i32 to index
        %parallel_loop3A_269 = arith.index_cast %parallel_loop3A_194 : i32 to index
        %parallel_loop3A_270 = tpu.vector_load %parallel_loop3A_266[%parallel_loop3A_267, %parallel_loop3A_268, %parallel_loop3A_269] {strides = array<i32>} : memref<10x1x2048xf32, #tpu.memory_space<vmem>>, vector<1x1x16xf32>,
        %parallel_loop3A_271 = vector.shape_cast %parallel_loop3A_270 : vector<1x1x16xf32> to vector<16xf32>
        %parallel_loop3A_272 = arith.cmpf ogt, %parallel_loop3A_271, %parallel_loop3A_256 : vector<16xf32>
        %parallel_loop3A_273 = arith.select %parallel_loop3A_272, %parallel_loop3A_271, %parallel_loop3A_256 : vector<16xi1>, vector<16xf32>
        %parallel_loop3A_274 = arith.constant 4 : i32
        %parallel_loop3A_275 = vector.broadcast %parallel_loop3A_274 : i32 to vector<16xi32>
        %parallel_loop3A_276 = arith.select %parallel_loop3A_272, %parallel_loop3A_275, %parallel_loop3A_259 : vector<16xi1>, vector<16xi32>
        %parallel_loop3A_277 = arith.constant 5 : i32
        %parallel_loop3A_278 = arith.constant 0 : i32
        %parallel_loop3A_279 = arith.constant 0 : i32
        %parallel_loop3A_280 = arith.constant 0 : i32
        %parallel_loop3A_281 = arith.constant 0 : i32
        %parallel_loop3A_282 = tpu.memref_slice %arg4[%parallel_loop3A_109, %parallel_loop3A_279, %parallel_loop3A_280, %parallel_loop3A_281] : memref<2x10x1x2048xf32, #tpu.memory_space<vmem>> -> memref<1x10x1x2048xf32, #tpu.memory_space<vmem>>
        %parallel_loop3A_283 = tpu.memref_squeeze %parallel_loop3A_282 : memref<1x10x1x2048xf32, #tpu.memory_space<vmem>> -> memref<10x1x2048xf32, #tpu.memory_space<vmem>>
        %parallel_loop3A_284 = arith.index_cast %parallel_loop3A_277 : i32 to index
        %parallel_loop3A_285 = arith.index_cast %parallel_loop3A_278 : i32 to index
        %parallel_loop3A_286 = arith.index_cast %parallel_loop3A_194 : i32 to index
        %parallel_loop3A_287 = tpu.vector_load %parallel_loop3A_283[%parallel_loop3A_284, %parallel_loop3A_285, %parallel_loop3A_286] {strides = array<i32>} : memref<10x1x2048xf32, #tpu.memory_space<vmem>>, vector<1x1x16xf32>,
        %parallel_loop3A_288 = vector.shape_cast %parallel_loop3A_287 : vector<1x1x16xf32> to vector<16xf32>
        %parallel_loop3A_289 = arith.cmpf ogt, %parallel_loop3A_288, %parallel_loop3A_273 : vector<16xf32>
        %parallel_loop3A_290 = arith.select %parallel_loop3A_289, %parallel_loop3A_288, %parallel_loop3A_273 : vector<16xi1>, vector<16xf32>
        %parallel_loop3A_291 = arith.constant 5 : i32
        %parallel_loop3A_292 = vector.broadcast %parallel_loop3A_291 : i32 to vector<16xi32>
        %parallel_loop3A_293 = arith.select %parallel_loop3A_289, %parallel_loop3A_292, %parallel_loop3A_276 : vector<16xi1>, vector<16xi32>
        %parallel_loop3A_294 = arith.constant 6 : i32
        %parallel_loop3A_295 = arith.constant 0 : i32
        %parallel_loop3A_296 = arith.constant 0 : i32
        %parallel_loop3A_297 = arith.constant 0 : i32
        %parallel_loop3A_298 = arith.constant 0 : i32
        %parallel_loop3A_299 = tpu.memref_slice %arg4[%parallel_loop3A_109, %parallel_loop3A_296, %parallel_loop3A_297, %parallel_loop3A_298] : memref<2x10x1x2048xf32, #tpu.memory_space<vmem>> -> memref<1x10x1x2048xf32, #tpu.memory_space<vmem>>
        %parallel_loop3A_300 = tpu.memref_squeeze %parallel_loop3A_299 : memref<1x10x1x2048xf32, #tpu.memory_space<vmem>> -> memref<10x1x2048xf32, #tpu.memory_space<vmem>>
        %parallel_loop3A_301 = arith.index_cast %parallel_loop3A_294 : i32 to index
        %parallel_loop3A_302 = arith.index_cast %parallel_loop3A_295 : i32 to index
        %parallel_loop3A_303 = arith.index_cast %parallel_loop3A_194 : i32 to index
        %parallel_loop3A_304 = tpu.vector_load %parallel_loop3A_300[%parallel_loop3A_301, %parallel_loop3A_302, %parallel_loop3A_303] {strides = array<i32>} : memref<10x1x2048xf32, #tpu.memory_space<vmem>>, vector<1x1x16xf32>,
        %parallel_loop3A_305 = vector.shape_cast %parallel_loop3A_304 : vector<1x1x16xf32> to vector<16xf32>
        %parallel_loop3A_306 = arith.cmpf ogt, %parallel_loop3A_305, %parallel_loop3A_290 : vector<16xf32>
        %parallel_loop3A_307 = arith.select %parallel_loop3A_306, %parallel_loop3A_305, %parallel_loop3A_290 : vector<16xi1>, vector<16xf32>
        %parallel_loop3A_308 = arith.constant 6 : i32
        %parallel_loop3A_309 = vector.broadcast %parallel_loop3A_308 : i32 to vector<16xi32>
        %parallel_loop3A_310 = arith.select %parallel_loop3A_306, %parallel_loop3A_309, %parallel_loop3A_293 : vector<16xi1>, vector<16xi32>
        %parallel_loop3A_311 = arith.constant 7 : i32
        %parallel_loop3A_312 = arith.constant 0 : i32
        %parallel_loop3A_313 = arith.constant 0 : i32
        %parallel_loop3A_314 = arith.constant 0 : i32
        %parallel_loop3A_315 = arith.constant 0 : i32
        %parallel_loop3A_316 = tpu.memref_slice %arg4[%parallel_loop3A_109, %parallel_loop3A_313, %parallel_loop3A_314, %parallel_loop3A_315] : memref<2x10x1x2048xf32, #tpu.memory_space<vmem>> -> memref<1x10x1x2048xf32, #tpu.memory_space<vmem>>
        %parallel_loop3A_317 = tpu.memref_squeeze %parallel_loop3A_316 : memref<1x10x1x2048xf32, #tpu.memory_space<vmem>> -> memref<10x1x2048xf32, #tpu.memory_space<vmem>>
        %parallel_loop3A_318 = arith.index_cast %parallel_loop3A_311 : i32 to index
        %parallel_loop3A_319 = arith.index_cast %parallel_loop3A_312 : i32 to index
        %parallel_loop3A_320 = arith.index_cast %parallel_loop3A_194 : i32 to index
        %parallel_loop3A_321 = tpu.vector_load %parallel_loop3A_317[%parallel_loop3A_318, %parallel_loop3A_319, %parallel_loop3A_320] {strides = array<i32>} : memref<10x1x2048xf32, #tpu.memory_space<vmem>>, vector<1x1x16xf32>,
        %parallel_loop3A_322 = vector.shape_cast %parallel_loop3A_321 : vector<1x1x16xf32> to vector<16xf32>
        %parallel_loop3A_323 = arith.cmpf ogt, %parallel_loop3A_322, %parallel_loop3A_307 : vector<16xf32>
        %parallel_loop3A_324 = arith.select %parallel_loop3A_323, %parallel_loop3A_322, %parallel_loop3A_307 : vector<16xi1>, vector<16xf32>
        %parallel_loop3A_325 = arith.constant 7 : i32
        %parallel_loop3A_326 = vector.broadcast %parallel_loop3A_325 : i32 to vector<16xi32>
        %parallel_loop3A_327 = arith.select %parallel_loop3A_323, %parallel_loop3A_326, %parallel_loop3A_310 : vector<16xi1>, vector<16xi32>
        %parallel_loop3A_328 = arith.constant 8 : i32
        %parallel_loop3A_329 = arith.constant 0 : i32
        %parallel_loop3A_330 = arith.constant 0 : i32
        %parallel_loop3A_331 = arith.constant 0 : i32
        %parallel_loop3A_332 = arith.constant 0 : i32
        %parallel_loop3A_333 = tpu.memref_slice %arg4[%parallel_loop3A_109, %parallel_loop3A_330, %parallel_loop3A_331, %parallel_loop3A_332] : memref<2x10x1x2048xf32, #tpu.memory_space<vmem>> -> memref<1x10x1x2048xf32, #tpu.memory_space<vmem>>
        %parallel_loop3A_334 = tpu.memref_squeeze %parallel_loop3A_333 : memref<1x10x1x2048xf32, #tpu.memory_space<vmem>> -> memref<10x1x2048xf32, #tpu.memory_space<vmem>>
        %parallel_loop3A_335 = arith.index_cast %parallel_loop3A_328 : i32 to index
        %parallel_loop3A_336 = arith.index_cast %parallel_loop3A_329 : i32 to index
        %parallel_loop3A_337 = arith.index_cast %parallel_loop3A_194 : i32 to index
        %parallel_loop3A_338 = tpu.vector_load %parallel_loop3A_334[%parallel_loop3A_335, %parallel_loop3A_336, %parallel_loop3A_337] {strides = array<i32>} : memref<10x1x2048xf32, #tpu.memory_space<vmem>>, vector<1x1x16xf32>,
        %parallel_loop3A_339 = vector.shape_cast %parallel_loop3A_338 : vector<1x1x16xf32> to vector<16xf32>
        %parallel_loop3A_340 = arith.constant 9 : i32
        %parallel_loop3A_341 = arith.constant 0 : i32
        %parallel_loop3A_342 = arith.constant 0 : i32
        %parallel_loop3A_343 = arith.constant 0 : i32
        %parallel_loop3A_344 = arith.constant 0 : i32
        %parallel_loop3A_345 = tpu.memref_slice %arg4[%parallel_loop3A_109, %parallel_loop3A_342, %parallel_loop3A_343, %parallel_loop3A_344] : memref<2x10x1x2048xf32, #tpu.memory_space<vmem>> -> memref<1x10x1x2048xf32, #tpu.memory_space<vmem>>
        %parallel_loop3A_346 = tpu.memref_squeeze %parallel_loop3A_345 : memref<1x10x1x2048xf32, #tpu.memory_space<vmem>> -> memref<10x1x2048xf32, #tpu.memory_space<vmem>>
        %parallel_loop3A_347 = arith.index_cast %parallel_loop3A_340 : i32 to index
        %parallel_loop3A_348 = arith.index_cast %parallel_loop3A_341 : i32 to index
        %parallel_loop3A_349 = arith.index_cast %parallel_loop3A_194 : i32 to index
        %parallel_loop3A_350 = tpu.vector_load %parallel_loop3A_346[%parallel_loop3A_347, %parallel_loop3A_348, %parallel_loop3A_349] {strides = array<i32>} : memref<10x1x2048xf32, #tpu.memory_space<vmem>>, vector<1x1x16xf32>,
        %parallel_loop3A_351 = vector.shape_cast %parallel_loop3A_350 : vector<1x1x16xf32> to vector<16xf32>
        %parallel_loop3A_352 = arith.mulf %parallel_loop3A_339, %parallel_loop3A_339 : vector<16xf32>
        %parallel_loop3A_353 = arith.mulf %parallel_loop3A_351, %parallel_loop3A_351 : vector<16xf32>
        %parallel_loop3A_354 = arith.addf %parallel_loop3A_352, %parallel_loop3A_353 : vector<16xf32>
        %parallel_loop3A_355 = arith.constant 1.000000e-30 : f32
        %parallel_loop3A_356 = vector.broadcast %parallel_loop3A_355 : f32 to vector<16xf32>
        %parallel_loop3A_357 = arith.maximumf %parallel_loop3A_354, %parallel_loop3A_356 : vector<16xf32>
        %parallel_loop3A_358 = tpu.bitcast %parallel_loop3A_357 : vector<16xf32> -> vector<16xi32>
        %parallel_loop3A_359 = arith.constant 1597463007 : i32
        %parallel_loop3A_360 = vector.broadcast %parallel_loop3A_359 : i32 to vector<16xi32>
        %parallel_loop3A_361 = arith.constant 1 : i32
        %parallel_loop3A_362 = vector.broadcast %parallel_loop3A_361 : i32 to vector<16xi32>
        %parallel_loop3A_363 = arith.shrsi %parallel_loop3A_358, %parallel_loop3A_362 : vector<16xi32>
        %parallel_loop3A_364 = arith.subi %parallel_loop3A_360, %parallel_loop3A_363 : vector<16xi32>
        %parallel_loop3A_365 = tpu.bitcast %parallel_loop3A_364 : vector<16xi32> -> vector<16xf32>
        %parallel_loop3A_366 = arith.constant 5.000000e-01 : f32
        %parallel_loop3A_367 = vector.broadcast %parallel_loop3A_366 : f32 to vector<16xf32>
        %parallel_loop3A_368 = arith.mulf %parallel_loop3A_357, %parallel_loop3A_367 : vector<16xf32>
        %parallel_loop3A_369 = arith.mulf %parallel_loop3A_368, %parallel_loop3A_365 : vector<16xf32>
        %parallel_loop3A_370 = arith.mulf %parallel_loop3A_369, %parallel_loop3A_365 : vector<16xf32>
        %parallel_loop3A_371 = arith.constant 1.500000e+00 : f32
        %parallel_loop3A_372 = vector.broadcast %parallel_loop3A_371 : f32 to vector<16xf32>
        %parallel_loop3A_373 = arith.subf %parallel_loop3A_372, %parallel_loop3A_370 : vector<16xf32>
        %parallel_loop3A_374 = arith.mulf %parallel_loop3A_365, %parallel_loop3A_373 : vector<16xf32>
        %parallel_loop3A_375 = arith.mulf %parallel_loop3A_368, %parallel_loop3A_374 : vector<16xf32>
        %parallel_loop3A_376 = arith.mulf %parallel_loop3A_375, %parallel_loop3A_374 : vector<16xf32>
        %parallel_loop3A_377 = arith.constant 1.500000e+00 : f32
        %parallel_loop3A_378 = vector.broadcast %parallel_loop3A_377 : f32 to vector<16xf32>
        %parallel_loop3A_379 = arith.subf %parallel_loop3A_378, %parallel_loop3A_376 : vector<16xf32>
        %parallel_loop3A_380 = arith.mulf %parallel_loop3A_374, %parallel_loop3A_379 : vector<16xf32>
        %parallel_loop3A_381 = arith.mulf %parallel_loop3A_368, %parallel_loop3A_380 : vector<16xf32>
        %parallel_loop3A_382 = arith.mulf %parallel_loop3A_381, %parallel_loop3A_380 : vector<16xf32>
        %parallel_loop3A_383 = arith.constant 1.500000e+00 : f32
        %parallel_loop3A_384 = vector.broadcast %parallel_loop3A_383 : f32 to vector<16xf32>
        %parallel_loop3A_385 = arith.subf %parallel_loop3A_384, %parallel_loop3A_382 : vector<16xf32>
        %parallel_loop3A_386 = arith.mulf %parallel_loop3A_380, %parallel_loop3A_385 : vector<16xf32>
        %parallel_loop3A_387 = arith.mulf %parallel_loop3A_354, %parallel_loop3A_386 : vector<16xf32>
        %parallel_loop3A_388 = arith.constant 0.000000e+00 : f32
        %parallel_loop3A_389 = vector.broadcast %parallel_loop3A_388 : f32 to vector<16xf32>
        %parallel_loop3A_390 = arith.constant 0 : i32
        %parallel_loop3A_391 = vector.broadcast %parallel_loop3A_390 : i32 to vector<16xi32>
        %parallel_loop3A_392 = arith.cmpi eq, %parallel_loop3A_327, %parallel_loop3A_391 : vector<16xi32>
        %parallel_loop3A_393 = arith.select %parallel_loop3A_392, %parallel_loop3A_387, %parallel_loop3A_389 : vector<16xi1>, vector<16xf32>
        %parallel_loop3A_394 = arith.constant 0 : i32
        %parallel_loop3A_395 = arith.constant 0 : i32
        %parallel_loop3A_396 = arith.constant 0 : i32
        %parallel_loop3A_397 = arith.constant 0 : i32
        %parallel_loop3A_398 = arith.constant 0 : i32
        %parallel_loop3A_399 = tpu.memref_slice %arg5[%parallel_loop3A_110, %parallel_loop3A_396, %parallel_loop3A_397, %parallel_loop3A_398] : memref<2x8x1x2048xf32, #tpu.memory_space<vmem>> -> memref<1x8x1x2048xf32, #tpu.memory_space<vmem>>
        %parallel_loop3A_400 = tpu.memref_squeeze %parallel_loop3A_399 : memref<1x8x1x2048xf32, #tpu.memory_space<vmem>> -> memref<8x1x2048xf32, #tpu.memory_space<vmem>>
        %parallel_loop3A_401 = arith.index_cast %parallel_loop3A_394 : i32 to index
        %parallel_loop3A_402 = arith.index_cast %parallel_loop3A_395 : i32 to index
        %parallel_loop3A_403 = arith.index_cast %parallel_loop3A_194 : i32 to index
        %parallel_loop3A_404 = tpu.vector_load %parallel_loop3A_400[%parallel_loop3A_401, %parallel_loop3A_402, %parallel_loop3A_403] {strides = array<i32>} : memref<8x1x2048xf32, #tpu.memory_space<vmem>>, vector<1x1x16xf32>,
        %parallel_loop3A_405 = vector.shape_cast %parallel_loop3A_404 : vector<1x1x16xf32> to vector<16xf32>
        %parallel_loop3A_406 = vector.shape_cast %parallel_loop3A_393 : vector<16xf32> to vector<1x1x16xf32>
        tpu.vector_store %parallel_loop3A_400[%parallel_loop3A_401, %parallel_loop3A_402, %parallel_loop3A_403], %parallel_loop3A_406 {strides = array<i32>} : memref<8x1x2048xf32, #tpu.memory_space<vmem>>, vector<1x1x16xf32>,
        %parallel_loop3A_407 = arith.constant 1 : i32
        %parallel_loop3A_408 = vector.broadcast %parallel_loop3A_407 : i32 to vector<16xi32>
        %parallel_loop3A_409 = arith.cmpi eq, %parallel_loop3A_327, %parallel_loop3A_408 : vector<16xi32>
        %parallel_loop3A_410 = arith.select %parallel_loop3A_409, %parallel_loop3A_387, %parallel_loop3A_389 : vector<16xi1>, vector<16xf32>
        %parallel_loop3A_411 = arith.constant 1 : i32
        %parallel_loop3A_412 = arith.constant 0 : i32
        %parallel_loop3A_413 = arith.constant 0 : i32
        %parallel_loop3A_414 = arith.constant 0 : i32
        %parallel_loop3A_415 = arith.constant 0 : i32
        %parallel_loop3A_416 = tpu.memref_slice %arg5[%parallel_loop3A_110, %parallel_loop3A_413, %parallel_loop3A_414, %parallel_loop3A_415] : memref<2x8x1x2048xf32, #tpu.memory_space<vmem>> -> memref<1x8x1x2048xf32, #tpu.memory_space<vmem>>
        %parallel_loop3A_417 = tpu.memref_squeeze %parallel_loop3A_416 : memref<1x8x1x2048xf32, #tpu.memory_space<vmem>> -> memref<8x1x2048xf32, #tpu.memory_space<vmem>>
        %parallel_loop3A_418 = arith.index_cast %parallel_loop3A_411 : i32 to index
        %parallel_loop3A_419 = arith.index_cast %parallel_loop3A_412 : i32 to index
        %parallel_loop3A_420 = arith.index_cast %parallel_loop3A_194 : i32 to index
        %parallel_loop3A_421 = tpu.vector_load %parallel_loop3A_417[%parallel_loop3A_418, %parallel_loop3A_419, %parallel_loop3A_420] {strides = array<i32>} : memref<8x1x2048xf32, #tpu.memory_space<vmem>>, vector<1x1x16xf32>,
        %parallel_loop3A_422 = vector.shape_cast %parallel_loop3A_421 : vector<1x1x16xf32> to vector<16xf32>
        %parallel_loop3A_423 = vector.shape_cast %parallel_loop3A_410 : vector<16xf32> to vector<1x1x16xf32>
        tpu.vector_store %parallel_loop3A_417[%parallel_loop3A_418, %parallel_loop3A_419, %parallel_loop3A_420], %parallel_loop3A_423 {strides = array<i32>} : memref<8x1x2048xf32, #tpu.memory_space<vmem>>, vector<1x1x16xf32>,
        %parallel_loop3A_424 = arith.constant 2 : i32
        %parallel_loop3A_425 = vector.broadcast %parallel_loop3A_424 : i32 to vector<16xi32>
        %parallel_loop3A_426 = arith.cmpi eq, %parallel_loop3A_327, %parallel_loop3A_425 : vector<16xi32>
        %parallel_loop3A_427 = arith.select %parallel_loop3A_426, %parallel_loop3A_387, %parallel_loop3A_389 : vector<16xi1>, vector<16xf32>
        %parallel_loop3A_428 = arith.constant 2 : i32
        %parallel_loop3A_429 = arith.constant 0 : i32
        %parallel_loop3A_430 = arith.constant 0 : i32
        %parallel_loop3A_431 = arith.constant 0 : i32
        %parallel_loop3A_432 = arith.constant 0 : i32
        %parallel_loop3A_433 = tpu.memref_slice %arg5[%parallel_loop3A_110, %parallel_loop3A_430, %parallel_loop3A_431, %parallel_loop3A_432] : memref<2x8x1x2048xf32, #tpu.memory_space<vmem>> -> memref<1x8x1x2048xf32, #tpu.memory_space<vmem>>
        %parallel_loop3A_434 = tpu.memref_squeeze %parallel_loop3A_433 : memref<1x8x1x2048xf32, #tpu.memory_space<vmem>> -> memref<8x1x2048xf32, #tpu.memory_space<vmem>>
        %parallel_loop3A_435 = arith.index_cast %parallel_loop3A_428 : i32 to index
        %parallel_loop3A_436 = arith.index_cast %parallel_loop3A_429 : i32 to index
        %parallel_loop3A_437 = arith.index_cast %parallel_loop3A_194 : i32 to index
        %parallel_loop3A_438 = tpu.vector_load %parallel_loop3A_434[%parallel_loop3A_435, %parallel_loop3A_436, %parallel_loop3A_437] {strides = array<i32>} : memref<8x1x2048xf32, #tpu.memory_space<vmem>>, vector<1x1x16xf32>,
        %parallel_loop3A_439 = vector.shape_cast %parallel_loop3A_438 : vector<1x1x16xf32> to vector<16xf32>
        %parallel_loop3A_440 = vector.shape_cast %parallel_loop3A_427 : vector<16xf32> to vector<1x1x16xf32>
        tpu.vector_store %parallel_loop3A_434[%parallel_loop3A_435, %parallel_loop3A_436, %parallel_loop3A_437], %parallel_loop3A_440 {strides = array<i32>} : memref<8x1x2048xf32, #tpu.memory_space<vmem>>, vector<1x1x16xf32>,
        %parallel_loop3A_441 = arith.constant 3 : i32
        %parallel_loop3A_442 = vector.broadcast %parallel_loop3A_441 : i32 to vector<16xi32>
        %parallel_loop3A_443 = arith.cmpi eq, %parallel_loop3A_327, %parallel_loop3A_442 : vector<16xi32>
        %parallel_loop3A_444 = arith.select %parallel_loop3A_443, %parallel_loop3A_387, %parallel_loop3A_389 : vector<16xi1>, vector<16xf32>
        %parallel_loop3A_445 = arith.constant 3 : i32
        %parallel_loop3A_446 = arith.constant 0 : i32
        %parallel_loop3A_447 = arith.constant 0 : i32
        %parallel_loop3A_448 = arith.constant 0 : i32
        %parallel_loop3A_449 = arith.constant 0 : i32
        %parallel_loop3A_450 = tpu.memref_slice %arg5[%parallel_loop3A_110, %parallel_loop3A_447, %parallel_loop3A_448, %parallel_loop3A_449] : memref<2x8x1x2048xf32, #tpu.memory_space<vmem>> -> memref<1x8x1x2048xf32, #tpu.memory_space<vmem>>
        %parallel_loop3A_451 = tpu.memref_squeeze %parallel_loop3A_450 : memref<1x8x1x2048xf32, #tpu.memory_space<vmem>> -> memref<8x1x2048xf32, #tpu.memory_space<vmem>>
        %parallel_loop3A_452 = arith.index_cast %parallel_loop3A_445 : i32 to index
        %parallel_loop3A_453 = arith.index_cast %parallel_loop3A_446 : i32 to index
        %parallel_loop3A_454 = arith.index_cast %parallel_loop3A_194 : i32 to index
        %parallel_loop3A_455 = tpu.vector_load %parallel_loop3A_451[%parallel_loop3A_452, %parallel_loop3A_453, %parallel_loop3A_454] {strides = array<i32>} : memref<8x1x2048xf32, #tpu.memory_space<vmem>>, vector<1x1x16xf32>,
        %parallel_loop3A_456 = vector.shape_cast %parallel_loop3A_455 : vector<1x1x16xf32> to vector<16xf32>
        %parallel_loop3A_457 = vector.shape_cast %parallel_loop3A_444 : vector<16xf32> to vector<1x1x16xf32>
        tpu.vector_store %parallel_loop3A_451[%parallel_loop3A_452, %parallel_loop3A_453, %parallel_loop3A_454], %parallel_loop3A_457 {strides = array<i32>} : memref<8x1x2048xf32, #tpu.memory_space<vmem>>, vector<1x1x16xf32>,
        %parallel_loop3A_458 = arith.constant 4 : i32
        %parallel_loop3A_459 = vector.broadcast %parallel_loop3A_458 : i32 to vector<16xi32>
        %parallel_loop3A_460 = arith.cmpi eq, %parallel_loop3A_327, %parallel_loop3A_459 : vector<16xi32>
        %parallel_loop3A_461 = arith.select %parallel_loop3A_460, %parallel_loop3A_387, %parallel_loop3A_389 : vector<16xi1>, vector<16xf32>
        %parallel_loop3A_462 = arith.constant 4 : i32
        %parallel_loop3A_463 = arith.constant 0 : i32
        %parallel_loop3A_464 = arith.constant 0 : i32
        %parallel_loop3A_465 = arith.constant 0 : i32
        %parallel_loop3A_466 = arith.constant 0 : i32
        %parallel_loop3A_467 = tpu.memref_slice %arg5[%parallel_loop3A_110, %parallel_loop3A_464, %parallel_loop3A_465, %parallel_loop3A_466] : memref<2x8x1x2048xf32, #tpu.memory_space<vmem>> -> memref<1x8x1x2048xf32, #tpu.memory_space<vmem>>
        %parallel_loop3A_468 = tpu.memref_squeeze %parallel_loop3A_467 : memref<1x8x1x2048xf32, #tpu.memory_space<vmem>> -> memref<8x1x2048xf32, #tpu.memory_space<vmem>>
        %parallel_loop3A_469 = arith.index_cast %parallel_loop3A_462 : i32 to index
        %parallel_loop3A_470 = arith.index_cast %parallel_loop3A_463 : i32 to index
        %parallel_loop3A_471 = arith.index_cast %parallel_loop3A_194 : i32 to index
        %parallel_loop3A_472 = tpu.vector_load %parallel_loop3A_468[%parallel_loop3A_469, %parallel_loop3A_470, %parallel_loop3A_471] {strides = array<i32>} : memref<8x1x2048xf32, #tpu.memory_space<vmem>>, vector<1x1x16xf32>,
        %parallel_loop3A_473 = vector.shape_cast %parallel_loop3A_472 : vector<1x1x16xf32> to vector<16xf32>
        %parallel_loop3A_474 = vector.shape_cast %parallel_loop3A_461 : vector<16xf32> to vector<1x1x16xf32>
        tpu.vector_store %parallel_loop3A_468[%parallel_loop3A_469, %parallel_loop3A_470, %parallel_loop3A_471], %parallel_loop3A_474 {strides = array<i32>} : memref<8x1x2048xf32, #tpu.memory_space<vmem>>, vector<1x1x16xf32>,
        %parallel_loop3A_475 = arith.constant 5 : i32
        %parallel_loop3A_476 = vector.broadcast %parallel_loop3A_475 : i32 to vector<16xi32>
        %parallel_loop3A_477 = arith.cmpi eq, %parallel_loop3A_327, %parallel_loop3A_476 : vector<16xi32>
        %parallel_loop3A_478 = arith.select %parallel_loop3A_477, %parallel_loop3A_387, %parallel_loop3A_389 : vector<16xi1>, vector<16xf32>
        %parallel_loop3A_479 = arith.constant 5 : i32
        %parallel_loop3A_480 = arith.constant 0 : i32
        %parallel_loop3A_481 = arith.constant 0 : i32
        %parallel_loop3A_482 = arith.constant 0 : i32
        %parallel_loop3A_483 = arith.constant 0 : i32
        %parallel_loop3A_484 = tpu.memref_slice %arg5[%parallel_loop3A_110, %parallel_loop3A_481, %parallel_loop3A_482, %parallel_loop3A_483] : memref<2x8x1x2048xf32, #tpu.memory_space<vmem>> -> memref<1x8x1x2048xf32, #tpu.memory_space<vmem>>
        %parallel_loop3A_485 = tpu.memref_squeeze %parallel_loop3A_484 : memref<1x8x1x2048xf32, #tpu.memory_space<vmem>> -> memref<8x1x2048xf32, #tpu.memory_space<vmem>>
        %parallel_loop3A_486 = arith.index_cast %parallel_loop3A_479 : i32 to index
        %parallel_loop3A_487 = arith.index_cast %parallel_loop3A_480 : i32 to index
        %parallel_loop3A_488 = arith.index_cast %parallel_loop3A_194 : i32 to index
        %parallel_loop3A_489 = tpu.vector_load %parallel_loop3A_485[%parallel_loop3A_486, %parallel_loop3A_487, %parallel_loop3A_488] {strides = array<i32>} : memref<8x1x2048xf32, #tpu.memory_space<vmem>>, vector<1x1x16xf32>,
        %parallel_loop3A_490 = vector.shape_cast %parallel_loop3A_489 : vector<1x1x16xf32> to vector<16xf32>
        %parallel_loop3A_491 = vector.shape_cast %parallel_loop3A_478 : vector<16xf32> to vector<1x1x16xf32>
        tpu.vector_store %parallel_loop3A_485[%parallel_loop3A_486, %parallel_loop3A_487, %parallel_loop3A_488], %parallel_loop3A_491 {strides = array<i32>} : memref<8x1x2048xf32, #tpu.memory_space<vmem>>, vector<1x1x16xf32>,
        %parallel_loop3A_492 = arith.constant 6 : i32
        %parallel_loop3A_493 = vector.broadcast %parallel_loop3A_492 : i32 to vector<16xi32>
        %parallel_loop3A_494 = arith.cmpi eq, %parallel_loop3A_327, %parallel_loop3A_493 : vector<16xi32>
        %parallel_loop3A_495 = arith.select %parallel_loop3A_494, %parallel_loop3A_387, %parallel_loop3A_389 : vector<16xi1>, vector<16xf32>
        %parallel_loop3A_496 = arith.constant 6 : i32
        %parallel_loop3A_497 = arith.constant 0 : i32
        %parallel_loop3A_498 = arith.constant 0 : i32
        %parallel_loop3A_499 = arith.constant 0 : i32
        %parallel_loop3A_500 = arith.constant 0 : i32
        %parallel_loop3A_501 = tpu.memref_slice %arg5[%parallel_loop3A_110, %parallel_loop3A_498, %parallel_loop3A_499, %parallel_loop3A_500] : memref<2x8x1x2048xf32, #tpu.memory_space<vmem>> -> memref<1x8x1x2048xf32, #tpu.memory_space<vmem>>
        %parallel_loop3A_502 = tpu.memref_squeeze %parallel_loop3A_501 : memref<1x8x1x2048xf32, #tpu.memory_space<vmem>> -> memref<8x1x2048xf32, #tpu.memory_space<vmem>>
        %parallel_loop3A_503 = arith.index_cast %parallel_loop3A_496 : i32 to index
        %parallel_loop3A_504 = arith.index_cast %parallel_loop3A_497 : i32 to index
        %parallel_loop3A_505 = arith.index_cast %parallel_loop3A_194 : i32 to index
        %parallel_loop3A_506 = tpu.vector_load %parallel_loop3A_502[%parallel_loop3A_503, %parallel_loop3A_504, %parallel_loop3A_505] {strides = array<i32>} : memref<8x1x2048xf32, #tpu.memory_space<vmem>>, vector<1x1x16xf32>,
        %parallel_loop3A_507 = vector.shape_cast %parallel_loop3A_506 : vector<1x1x16xf32> to vector<16xf32>
        %parallel_loop3A_508 = vector.shape_cast %parallel_loop3A_495 : vector<16xf32> to vector<1x1x16xf32>
        tpu.vector_store %parallel_loop3A_502[%parallel_loop3A_503, %parallel_loop3A_504, %parallel_loop3A_505], %parallel_loop3A_508 {strides = array<i32>} : memref<8x1x2048xf32, #tpu.memory_space<vmem>>, vector<1x1x16xf32>,
        %parallel_loop3A_509 = arith.constant 7 : i32
        %parallel_loop3A_510 = vector.broadcast %parallel_loop3A_509 : i32 to vector<16xi32>
        %parallel_loop3A_511 = arith.cmpi eq, %parallel_loop3A_327, %parallel_loop3A_510 : vector<16xi32>
        %parallel_loop3A_512 = arith.select %parallel_loop3A_511, %parallel_loop3A_387, %parallel_loop3A_389 : vector<16xi1>, vector<16xf32>
        %parallel_loop3A_513 = arith.constant 7 : i32
        %parallel_loop3A_514 = arith.constant 0 : i32
        %parallel_loop3A_515 = arith.constant 0 : i32
        %parallel_loop3A_516 = arith.constant 0 : i32
        %parallel_loop3A_517 = arith.constant 0 : i32
        %parallel_loop3A_518 = tpu.memref_slice %arg5[%parallel_loop3A_110, %parallel_loop3A_515, %parallel_loop3A_516, %parallel_loop3A_517] : memref<2x8x1x2048xf32, #tpu.memory_space<vmem>> -> memref<1x8x1x2048xf32, #tpu.memory_space<vmem>>
        %parallel_loop3A_519 = tpu.memref_squeeze %parallel_loop3A_518 : memref<1x8x1x2048xf32, #tpu.memory_space<vmem>> -> memref<8x1x2048xf32, #tpu.memory_space<vmem>>
        %parallel_loop3A_520 = arith.index_cast %parallel_loop3A_513 : i32 to index
        %parallel_loop3A_521 = arith.index_cast %parallel_loop3A_514 : i32 to index
        %parallel_loop3A_522 = arith.index_cast %parallel_loop3A_194 : i32 to index
        %parallel_loop3A_523 = tpu.vector_load %parallel_loop3A_519[%parallel_loop3A_520, %parallel_loop3A_521, %parallel_loop3A_522] {strides = array<i32>} : memref<8x1x2048xf32, #tpu.memory_space<vmem>>, vector<1x1x16xf32>,
        %parallel_loop3A_524 = vector.shape_cast %parallel_loop3A_523 : vector<1x1x16xf32> to vector<16xf32>
        %parallel_loop3A_525 = vector.shape_cast %parallel_loop3A_512 : vector<16xf32> to vector<1x1x16xf32>
        tpu.vector_store %parallel_loop3A_519[%parallel_loop3A_520, %parallel_loop3A_521, %parallel_loop3A_522], %parallel_loop3A_525 {strides = array<i32>} : memref<8x1x2048xf32, #tpu.memory_space<vmem>>, vector<1x1x16xf32>,
      } {sc.loop_unroll_factor = 4 : i64, sc.parallel_access}
      %add3A_111 = arith.constant 2 : i32
      %add3A_112 = arith.addi %add3A_86, %add3A_111 : i32
      %lt3A = arith.constant 4 : i32
      %lt3A_113 = arith.cmpi slt, %add3A_112, %lt3A : i32
      %convert_element_type3A_114 = arith.extui %lt3A_113 : i1 to i32
      %cond3A_115 = arith.constant 0 : i32
      %cond3A_116 = arith.cmpi ne, %convert_element_type3A_114, %cond3A_115 : i32
      scf.if %cond3A_116 {
        %add3A_192 = arith.addi %add3A_4, %add3A_86 : i32
        %add3A_193 = arith.constant 2 : i32
        %add3A_194 = arith.addi %add3A_192, %add3A_193 : i32
        %dma_start3A_195 = arith.constant 0 : i32
        %dma_start3A_196 = arith.constant 0 : i32
        %dma_start3A_197 = arith.constant 0 : i32
        %dma_start3A_198 = arith.constant 0 : i32
        %dma_start3A_199 = tpu.memref_slice %arg4[%dma_start3A_195, %dma_start3A_196, %dma_start3A_197, %dma_start3A_198] : memref<2x10x1x2048xf32, #tpu.memory_space<vmem>> -> memref<1x10x1x2048xf32, #tpu.memory_space<vmem>>
        %dma_start3A_200 = tpu.memref_squeeze %dma_start3A_199 : memref<1x10x1x2048xf32, #tpu.memory_space<vmem>> -> memref<10x1x2048xf32, #tpu.memory_space<vmem>>
        %dma_start3A_201 = arith.constant 0 : i32
        %dma_start3A_202 = arith.constant 0 : i32
        %dma_start3A_203 = tpu.memref_slice %arg2[%dma_start3A_201, %add3A_194, %dma_start3A_202] : memref<10x2048x2048xf32, #tpu.memory_space<hbm>> -> memref<10x1x2048xf32, #tpu.memory_space<hbm>>
        %dma_start3A_204 = arith.constant 0 : i32
        %dma_start3A_205 = arith.constant 0 : i32
        %dma_start3A_206 = arith.constant 0 : i32
        %dma_start3A_207 = tpu.memref_slice %arg4[%dma_start3A_195, %dma_start3A_204, %dma_start3A_205, %dma_start3A_206] : memref<2x10x1x2048xf32, #tpu.memory_space<vmem>> -> memref<1x10x1x2048xf32, #tpu.memory_space<vmem>>
        %dma_start3A_208 = tpu.memref_squeeze %dma_start3A_207 : memref<1x10x1x2048xf32, #tpu.memory_space<vmem>> -> memref<10x1x2048xf32, #tpu.memory_space<vmem>>
        %dma_start3A_209 = arith.constant 0 : i32
        %dma_start3A_210 = arith.constant 0 : i32
        %dma_start3A_211 = tpu.memref_slice %arg2[%dma_start3A_209, %add3A_194, %dma_start3A_210] : memref<10x2048x2048xf32, #tpu.memory_space<hbm>> -> memref<10x1x2048xf32, #tpu.memory_space<hbm>>
        tpu.enqueue_dma source(%dma_start3A_211 : memref<10x1x2048xf32, #tpu.memory_space<hbm>>) target(%dma_start3A_208 : memref<10x1x2048xf32, #tpu.memory_space<vmem>>) target_semaphore(%arg6 : memref<!tpu.dma_semaphore, #tpu.memory_space<semaphore_mem>>)
      } else {
      }
      %add3A_117 = arith.addi %mul3A_6, %add3A_86 : i32
      %dma_start3A_118 = arith.constant 0 : i32
      %dma_start3A_119 = arith.constant 0 : i32
      %dma_start3A_120 = arith.constant 0 : i32
      %dma_start3A_121 = arith.constant 0 : i32
      %dma_start3A_122 = tpu.memref_slice %arg5[%dma_start3A_118, %dma_start3A_119, %dma_start3A_120, %dma_start3A_121] : memref<2x8x1x2048xf32, #tpu.memory_space<vmem>> -> memref<1x8x1x2048xf32, #tpu.memory_space<vmem>>
      %dma_start3A_123 = tpu.memref_squeeze %dma_start3A_122 : memref<1x8x1x2048xf32, #tpu.memory_space<vmem>> -> memref<8x1x2048xf32, #tpu.memory_space<vmem>>
      %dma_start3A_124 = arith.constant 0 : i32
      %dma_start3A_125 = arith.constant 0 : i32
      %dma_start3A_126 = tpu.memref_slice %arg3[%dma_start3A_124, %add3A_117, %dma_start3A_125] : memref<8x128x2048xf32, #tpu.memory_space<hbm>> -> memref<8x1x2048xf32, #tpu.memory_space<hbm>>
      %dma_start3A_127 = arith.constant 0 : i32
      %dma_start3A_128 = arith.constant 0 : i32
      %dma_start3A_129 = tpu.memref_slice %arg3[%dma_start3A_127, %add3A_117, %dma_start3A_128] : memref<8x128x2048xf32, #tpu.memory_space<hbm>> -> memref<8x1x2048xf32, #tpu.memory_space<hbm>>
      %dma_start3A_130 = arith.constant 0 : i32
      %dma_start3A_131 = arith.constant 0 : i32
      %dma_start3A_132 = arith.constant 0 : i32
      %dma_start3A_133 = tpu.memref_slice %arg5[%dma_start3A_118, %dma_start3A_130, %dma_start3A_131, %dma_start3A_132] : memref<2x8x1x2048xf32, #tpu.memory_space<vmem>> -> memref<1x8x1x2048xf32, #tpu.memory_space<vmem>>
      %dma_start3A_134 = tpu.memref_squeeze %dma_start3A_133 : memref<1x8x1x2048xf32, #tpu.memory_space<vmem>> -> memref<8x1x2048xf32, #tpu.memory_space<vmem>>
      tpu.enqueue_dma source(%dma_start3A_134 : memref<8x1x2048xf32, #tpu.memory_space<vmem>>) target(%dma_start3A_129 : memref<8x1x2048xf32, #tpu.memory_space<hbm>>) target_semaphore(%arg8 : memref<!tpu.dma_semaphore, #tpu.memory_space<semaphore_mem>>)
      %mul3A_135 = arith.constant 2 : i32
      %mul3A_136 = arith.muli %scan3A_82, %mul3A_135 : i32
      %add3A_137 = arith.constant 1 : i32
      %add3A_138 = arith.addi %mul3A_136, %add3A_137 : i32
      %add3A_139 = arith.addi %add3A_4, %add3A_138 : i32
      %dma_wait3A_140 = arith.constant 1 : i32
      %dma_wait3A_141 = arith.constant 0 : i32
      %dma_wait3A_142 = arith.constant 0 : i32
      %dma_wait3A_143 = arith.constant 0 : i32
      %dma_wait3A_144 = tpu.memref_slice %arg4[%dma_wait3A_140, %dma_wait3A_141, %dma_wait3A_142, %dma_wait3A_143] : memref<2x10x1x2048xf32, #tpu.memory_space<vmem>> -> memref<1x10x1x2048xf32, #tpu.memory_space<vmem>>
      %dma_wait3A_145 = tpu.memref_squeeze %dma_wait3A_144 : memref<1x10x1x2048xf32, #tpu.memory_space<vmem>> -> memref<10x1x2048xf32, #tpu.memory_space<vmem>>
      %dma_wait3A_146 = arith.constant 0 : i32
      %dma_wait3A_147 = arith.constant 0 : i32
      %dma_wait3A_148 = tpu.memref_slice %arg2[%dma_wait3A_146, %add3A_139, %dma_wait3A_147] : memref<10x2048x2048xf32, #tpu.memory_space<hbm>> -> memref<10x1x2048xf32, #tpu.memory_space<hbm>>
      %dma_wait3A_149 = arith.constant 0 : i32
      %dma_wait3A_150 = arith.constant 0 : i32
      %dma_wait3A_151 = arith.constant 0 : i32
      %dma_wait3A_152 = tpu.memref_slice %arg4[%dma_wait3A_140, %dma_wait3A_149, %dma_wait3A_150, %dma_wait3A_151] : memref<2x10x1x2048xf32, #tpu.memory_space<vmem>> -> memref<1x10x1x2048xf32, #tpu.memory_space<vmem>>
      %dma_wait3A_153 = tpu.memref_squeeze %dma_wait3A_152 : memref<1x10x1x2048xf32, #tpu.memory_space<vmem>> -> memref<10x1x2048xf32, #tpu.memory_space<vmem>>
      %dma_wait3A_154 = arith.constant 0 : i32
      %dma_wait3A_155 = arith.constant 0 : i32
      %dma_wait3A_156 = tpu.memref_slice %arg2[%dma_wait3A_154, %add3A_139, %dma_wait3A_155] : memref<10x2048x2048xf32, #tpu.memory_space<hbm>> -> memref<10x1x2048xf32, #tpu.memory_space<hbm>>
      tpu.wait_dma2 semaphore(%arg7 : memref<!tpu.dma_semaphore, #tpu.memory_space<semaphore_mem>>) src(%dma_wait3A_156 : memref<10x1x2048xf32, #tpu.memory_space<hbm>>) dst(%dma_wait3A_153 : memref<10x1x2048xf32, #tpu.memory_space<vmem>>)
      %gt3A_157 = arith.constant 0 : i32
      %gt3A_158 = arith.cmpi sgt, %scan3A_82, %gt3A_157 : i32
      %convert_element_type3A_159 = arith.extui %gt3A_158 : i1 to i32
      %cond3A_160 = arith.constant 0 : i32
      %cond3A_161 = arith.cmpi ne, %convert_element_type3A_159, %cond3A_160 : i32
      scf.if %cond3A_161 {
        %dma_wait3A_192 = arith.constant 1 : i32
        %dma_wait3A_193 = arith.constant 0 : i32
        %dma_wait3A_194 = arith.constant 0 : i32
        %dma_wait3A_195 = arith.constant 0 : i32
        %dma_wait3A_196 = tpu.memref_slice %arg5[%dma_wait3A_192, %dma_wait3A_193, %dma_wait3A_194, %dma_wait3A_195] : memref<2x8x1x2048xf32, #tpu.memory_space<vmem>> -> memref<1x8x1x2048xf32, #tpu.memory_space<vmem>>
        %dma_wait3A_197 = tpu.memref_squeeze %dma_wait3A_196 : memref<1x8x1x2048xf32, #tpu.memory_space<vmem>> -> memref<8x1x2048xf32, #tpu.memory_space<vmem>>
        %dma_wait3A_198 = arith.constant 0 : i32
        %dma_wait3A_199 = arith.constant 0 : i32
        %dma_wait3A_200 = tpu.memref_slice %arg3[%dma_wait3A_198, %mul3A_6, %dma_wait3A_199] : memref<8x128x2048xf32, #tpu.memory_space<hbm>> -> memref<8x1x2048xf32, #tpu.memory_space<hbm>>
        %dma_wait3A_201 = arith.constant 0 : i32
        %dma_wait3A_202 = arith.constant 0 : i32
        %dma_wait3A_203 = tpu.memref_slice %arg3[%dma_wait3A_201, %mul3A_6, %dma_wait3A_202] : memref<8x128x2048xf32, #tpu.memory_space<hbm>> -> memref<8x1x2048xf32, #tpu.memory_space<hbm>>
        %dma_wait3A_204 = arith.constant 0 : i32
        %dma_wait3A_205 = arith.constant 0 : i32
        %dma_wait3A_206 = arith.constant 0 : i32
        %dma_wait3A_207 = tpu.memref_slice %arg5[%dma_wait3A_192, %dma_wait3A_204, %dma_wait3A_205, %dma_wait3A_206] : memref<2x8x1x2048xf32, #tpu.memory_space<vmem>> -> memref<1x8x1x2048xf32, #tpu.memory_space<vmem>>
        %dma_wait3A_208 = tpu.memref_squeeze %dma_wait3A_207 : memref<1x8x1x2048xf32, #tpu.memory_space<vmem>> -> memref<8x1x2048xf32, #tpu.memory_space<vmem>>
        tpu.wait_dma2 semaphore(%arg9 : memref<!tpu.dma_semaphore, #tpu.memory_space<semaphore_mem>>) src(%dma_wait3A_208 : memref<8x1x2048xf32, #tpu.memory_space<vmem>>) dst(%dma_wait3A_203 : memref<8x1x2048xf32, #tpu.memory_space<hbm>>)
      } else {
      }
      %parallel_loop3A_162 = arith.constant 0 : i32
      %parallel_loop3A_163 = arith.constant 128 : i32
      %parallel_loop3A_164 = arith.constant 1 : i32
      %parallel_loop3A_165 = arith.constant 1 : i32
      %parallel_loop3A_166 = arith.constant 1 : i32
      scf.for %parallel_loop3A_192 = %parallel_loop3A_162 to %parallel_loop3A_163 step %parallel_loop3A_164  : i32 {
        %parallel_loop3A_193 = arith.constant 16 : i32
        %parallel_loop3A_194 = arith.muli %parallel_loop3A_192, %parallel_loop3A_193 : i32
        %parallel_loop3A_195 = arith.constant 0 : i32
        %parallel_loop3A_196 = arith.constant 0 : i32
        %parallel_loop3A_197 = arith.constant 0 : i32
        %parallel_loop3A_198 = arith.constant 0 : i32
        %parallel_loop3A_199 = arith.constant 0 : i32
        %parallel_loop3A_200 = tpu.memref_slice %arg4[%parallel_loop3A_165, %parallel_loop3A_197, %parallel_loop3A_198, %parallel_loop3A_199] : memref<2x10x1x2048xf32, #tpu.memory_space<vmem>> -> memref<1x10x1x2048xf32, #tpu.memory_space<vmem>>
        %parallel_loop3A_201 = tpu.memref_squeeze %parallel_loop3A_200 : memref<1x10x1x2048xf32, #tpu.memory_space<vmem>> -> memref<10x1x2048xf32, #tpu.memory_space<vmem>>
        %parallel_loop3A_202 = arith.index_cast %parallel_loop3A_195 : i32 to index
        %parallel_loop3A_203 = arith.index_cast %parallel_loop3A_196 : i32 to index
        %parallel_loop3A_204 = arith.index_cast %parallel_loop3A_194 : i32 to index
        %parallel_loop3A_205 = tpu.vector_load %parallel_loop3A_201[%parallel_loop3A_202, %parallel_loop3A_203, %parallel_loop3A_204] {strides = array<i32>} : memref<10x1x2048xf32, #tpu.memory_space<vmem>>, vector<1x1x16xf32>,
        %parallel_loop3A_206 = vector.shape_cast %parallel_loop3A_205 : vector<1x1x16xf32> to vector<16xf32>
        %parallel_loop3A_207 = arith.constant 0 : i32
        %parallel_loop3A_208 = vector.broadcast %parallel_loop3A_207 : i32 to vector<16xi32>
        %parallel_loop3A_209 = arith.constant 1 : i32
        %parallel_loop3A_210 = arith.constant 0 : i32
        %parallel_loop3A_211 = arith.constant 0 : i32
        %parallel_loop3A_212 = arith.constant 0 : i32
        %parallel_loop3A_213 = arith.constant 0 : i32
        %parallel_loop3A_214 = tpu.memref_slice %arg4[%parallel_loop3A_165, %parallel_loop3A_211, %parallel_loop3A_212, %parallel_loop3A_213] : memref<2x10x1x2048xf32, #tpu.memory_space<vmem>> -> memref<1x10x1x2048xf32, #tpu.memory_space<vmem>>
        %parallel_loop3A_215 = tpu.memref_squeeze %parallel_loop3A_214 : memref<1x10x1x2048xf32, #tpu.memory_space<vmem>> -> memref<10x1x2048xf32, #tpu.memory_space<vmem>>
        %parallel_loop3A_216 = arith.index_cast %parallel_loop3A_209 : i32 to index
        %parallel_loop3A_217 = arith.index_cast %parallel_loop3A_210 : i32 to index
        %parallel_loop3A_218 = arith.index_cast %parallel_loop3A_194 : i32 to index
        %parallel_loop3A_219 = tpu.vector_load %parallel_loop3A_215[%parallel_loop3A_216, %parallel_loop3A_217, %parallel_loop3A_218] {strides = array<i32>} : memref<10x1x2048xf32, #tpu.memory_space<vmem>>, vector<1x1x16xf32>,
        %parallel_loop3A_220 = vector.shape_cast %parallel_loop3A_219 : vector<1x1x16xf32> to vector<16xf32>
        %parallel_loop3A_221 = arith.cmpf ogt, %parallel_loop3A_220, %parallel_loop3A_206 : vector<16xf32>
        %parallel_loop3A_222 = arith.select %parallel_loop3A_221, %parallel_loop3A_220, %parallel_loop3A_206 : vector<16xi1>, vector<16xf32>
        %parallel_loop3A_223 = arith.constant 1 : i32
        %parallel_loop3A_224 = vector.broadcast %parallel_loop3A_223 : i32 to vector<16xi32>
        %parallel_loop3A_225 = arith.select %parallel_loop3A_221, %parallel_loop3A_224, %parallel_loop3A_208 : vector<16xi1>, vector<16xi32>
        %parallel_loop3A_226 = arith.constant 2 : i32
        %parallel_loop3A_227 = arith.constant 0 : i32
        %parallel_loop3A_228 = arith.constant 0 : i32
        %parallel_loop3A_229 = arith.constant 0 : i32
        %parallel_loop3A_230 = arith.constant 0 : i32
        %parallel_loop3A_231 = tpu.memref_slice %arg4[%parallel_loop3A_165, %parallel_loop3A_228, %parallel_loop3A_229, %parallel_loop3A_230] : memref<2x10x1x2048xf32, #tpu.memory_space<vmem>> -> memref<1x10x1x2048xf32, #tpu.memory_space<vmem>>
        %parallel_loop3A_232 = tpu.memref_squeeze %parallel_loop3A_231 : memref<1x10x1x2048xf32, #tpu.memory_space<vmem>> -> memref<10x1x2048xf32, #tpu.memory_space<vmem>>
        %parallel_loop3A_233 = arith.index_cast %parallel_loop3A_226 : i32 to index
        %parallel_loop3A_234 = arith.index_cast %parallel_loop3A_227 : i32 to index
        %parallel_loop3A_235 = arith.index_cast %parallel_loop3A_194 : i32 to index
        %parallel_loop3A_236 = tpu.vector_load %parallel_loop3A_232[%parallel_loop3A_233, %parallel_loop3A_234, %parallel_loop3A_235] {strides = array<i32>} : memref<10x1x2048xf32, #tpu.memory_space<vmem>>, vector<1x1x16xf32>,
        %parallel_loop3A_237 = vector.shape_cast %parallel_loop3A_236 : vector<1x1x16xf32> to vector<16xf32>
        %parallel_loop3A_238 = arith.cmpf ogt, %parallel_loop3A_237, %parallel_loop3A_222 : vector<16xf32>
        %parallel_loop3A_239 = arith.select %parallel_loop3A_238, %parallel_loop3A_237, %parallel_loop3A_222 : vector<16xi1>, vector<16xf32>
        %parallel_loop3A_240 = arith.constant 2 : i32
        %parallel_loop3A_241 = vector.broadcast %parallel_loop3A_240 : i32 to vector<16xi32>
        %parallel_loop3A_242 = arith.select %parallel_loop3A_238, %parallel_loop3A_241, %parallel_loop3A_225 : vector<16xi1>, vector<16xi32>
        %parallel_loop3A_243 = arith.constant 3 : i32
        %parallel_loop3A_244 = arith.constant 0 : i32
        %parallel_loop3A_245 = arith.constant 0 : i32
        %parallel_loop3A_246 = arith.constant 0 : i32
        %parallel_loop3A_247 = arith.constant 0 : i32
        %parallel_loop3A_248 = tpu.memref_slice %arg4[%parallel_loop3A_165, %parallel_loop3A_245, %parallel_loop3A_246, %parallel_loop3A_247] : memref<2x10x1x2048xf32, #tpu.memory_space<vmem>> -> memref<1x10x1x2048xf32, #tpu.memory_space<vmem>>
        %parallel_loop3A_249 = tpu.memref_squeeze %parallel_loop3A_248 : memref<1x10x1x2048xf32, #tpu.memory_space<vmem>> -> memref<10x1x2048xf32, #tpu.memory_space<vmem>>
        %parallel_loop3A_250 = arith.index_cast %parallel_loop3A_243 : i32 to index
        %parallel_loop3A_251 = arith.index_cast %parallel_loop3A_244 : i32 to index
        %parallel_loop3A_252 = arith.index_cast %parallel_loop3A_194 : i32 to index
        %parallel_loop3A_253 = tpu.vector_load %parallel_loop3A_249[%parallel_loop3A_250, %parallel_loop3A_251, %parallel_loop3A_252] {strides = array<i32>} : memref<10x1x2048xf32, #tpu.memory_space<vmem>>, vector<1x1x16xf32>,
        %parallel_loop3A_254 = vector.shape_cast %parallel_loop3A_253 : vector<1x1x16xf32> to vector<16xf32>
        %parallel_loop3A_255 = arith.cmpf ogt, %parallel_loop3A_254, %parallel_loop3A_239 : vector<16xf32>
        %parallel_loop3A_256 = arith.select %parallel_loop3A_255, %parallel_loop3A_254, %parallel_loop3A_239 : vector<16xi1>, vector<16xf32>
        %parallel_loop3A_257 = arith.constant 3 : i32
        %parallel_loop3A_258 = vector.broadcast %parallel_loop3A_257 : i32 to vector<16xi32>
        %parallel_loop3A_259 = arith.select %parallel_loop3A_255, %parallel_loop3A_258, %parallel_loop3A_242 : vector<16xi1>, vector<16xi32>
        %parallel_loop3A_260 = arith.constant 4 : i32
        %parallel_loop3A_261 = arith.constant 0 : i32
        %parallel_loop3A_262 = arith.constant 0 : i32
        %parallel_loop3A_263 = arith.constant 0 : i32
        %parallel_loop3A_264 = arith.constant 0 : i32
        %parallel_loop3A_265 = tpu.memref_slice %arg4[%parallel_loop3A_165, %parallel_loop3A_262, %parallel_loop3A_263, %parallel_loop3A_264] : memref<2x10x1x2048xf32, #tpu.memory_space<vmem>> -> memref<1x10x1x2048xf32, #tpu.memory_space<vmem>>
        %parallel_loop3A_266 = tpu.memref_squeeze %parallel_loop3A_265 : memref<1x10x1x2048xf32, #tpu.memory_space<vmem>> -> memref<10x1x2048xf32, #tpu.memory_space<vmem>>
        %parallel_loop3A_267 = arith.index_cast %parallel_loop3A_260 : i32 to index
        %parallel_loop3A_268 = arith.index_cast %parallel_loop3A_261 : i32 to index
        %parallel_loop3A_269 = arith.index_cast %parallel_loop3A_194 : i32 to index
        %parallel_loop3A_270 = tpu.vector_load %parallel_loop3A_266[%parallel_loop3A_267, %parallel_loop3A_268, %parallel_loop3A_269] {strides = array<i32>} : memref<10x1x2048xf32, #tpu.memory_space<vmem>>, vector<1x1x16xf32>,
        %parallel_loop3A_271 = vector.shape_cast %parallel_loop3A_270 : vector<1x1x16xf32> to vector<16xf32>
        %parallel_loop3A_272 = arith.cmpf ogt, %parallel_loop3A_271, %parallel_loop3A_256 : vector<16xf32>
        %parallel_loop3A_273 = arith.select %parallel_loop3A_272, %parallel_loop3A_271, %parallel_loop3A_256 : vector<16xi1>, vector<16xf32>
        %parallel_loop3A_274 = arith.constant 4 : i32
        %parallel_loop3A_275 = vector.broadcast %parallel_loop3A_274 : i32 to vector<16xi32>
        %parallel_loop3A_276 = arith.select %parallel_loop3A_272, %parallel_loop3A_275, %parallel_loop3A_259 : vector<16xi1>, vector<16xi32>
        %parallel_loop3A_277 = arith.constant 5 : i32
        %parallel_loop3A_278 = arith.constant 0 : i32
        %parallel_loop3A_279 = arith.constant 0 : i32
        %parallel_loop3A_280 = arith.constant 0 : i32
        %parallel_loop3A_281 = arith.constant 0 : i32
        %parallel_loop3A_282 = tpu.memref_slice %arg4[%parallel_loop3A_165, %parallel_loop3A_279, %parallel_loop3A_280, %parallel_loop3A_281] : memref<2x10x1x2048xf32, #tpu.memory_space<vmem>> -> memref<1x10x1x2048xf32, #tpu.memory_space<vmem>>
        %parallel_loop3A_283 = tpu.memref_squeeze %parallel_loop3A_282 : memref<1x10x1x2048xf32, #tpu.memory_space<vmem>> -> memref<10x1x2048xf32, #tpu.memory_space<vmem>>
        %parallel_loop3A_284 = arith.index_cast %parallel_loop3A_277 : i32 to index
        %parallel_loop3A_285 = arith.index_cast %parallel_loop3A_278 : i32 to index
        %parallel_loop3A_286 = arith.index_cast %parallel_loop3A_194 : i32 to index
        %parallel_loop3A_287 = tpu.vector_load %parallel_loop3A_283[%parallel_loop3A_284, %parallel_loop3A_285, %parallel_loop3A_286] {strides = array<i32>} : memref<10x1x2048xf32, #tpu.memory_space<vmem>>, vector<1x1x16xf32>,
        %parallel_loop3A_288 = vector.shape_cast %parallel_loop3A_287 : vector<1x1x16xf32> to vector<16xf32>
        %parallel_loop3A_289 = arith.cmpf ogt, %parallel_loop3A_288, %parallel_loop3A_273 : vector<16xf32>
        %parallel_loop3A_290 = arith.select %parallel_loop3A_289, %parallel_loop3A_288, %parallel_loop3A_273 : vector<16xi1>, vector<16xf32>
        %parallel_loop3A_291 = arith.constant 5 : i32
        %parallel_loop3A_292 = vector.broadcast %parallel_loop3A_291 : i32 to vector<16xi32>
        %parallel_loop3A_293 = arith.select %parallel_loop3A_289, %parallel_loop3A_292, %parallel_loop3A_276 : vector<16xi1>, vector<16xi32>
        %parallel_loop3A_294 = arith.constant 6 : i32
        %parallel_loop3A_295 = arith.constant 0 : i32
        %parallel_loop3A_296 = arith.constant 0 : i32
        %parallel_loop3A_297 = arith.constant 0 : i32
        %parallel_loop3A_298 = arith.constant 0 : i32
        %parallel_loop3A_299 = tpu.memref_slice %arg4[%parallel_loop3A_165, %parallel_loop3A_296, %parallel_loop3A_297, %parallel_loop3A_298] : memref<2x10x1x2048xf32, #tpu.memory_space<vmem>> -> memref<1x10x1x2048xf32, #tpu.memory_space<vmem>>
        %parallel_loop3A_300 = tpu.memref_squeeze %parallel_loop3A_299 : memref<1x10x1x2048xf32, #tpu.memory_space<vmem>> -> memref<10x1x2048xf32, #tpu.memory_space<vmem>>
        %parallel_loop3A_301 = arith.index_cast %parallel_loop3A_294 : i32 to index
        %parallel_loop3A_302 = arith.index_cast %parallel_loop3A_295 : i32 to index
        %parallel_loop3A_303 = arith.index_cast %parallel_loop3A_194 : i32 to index
        %parallel_loop3A_304 = tpu.vector_load %parallel_loop3A_300[%parallel_loop3A_301, %parallel_loop3A_302, %parallel_loop3A_303] {strides = array<i32>} : memref<10x1x2048xf32, #tpu.memory_space<vmem>>, vector<1x1x16xf32>,
        %parallel_loop3A_305 = vector.shape_cast %parallel_loop3A_304 : vector<1x1x16xf32> to vector<16xf32>
        %parallel_loop3A_306 = arith.cmpf ogt, %parallel_loop3A_305, %parallel_loop3A_290 : vector<16xf32>
        %parallel_loop3A_307 = arith.select %parallel_loop3A_306, %parallel_loop3A_305, %parallel_loop3A_290 : vector<16xi1>, vector<16xf32>
        %parallel_loop3A_308 = arith.constant 6 : i32
        %parallel_loop3A_309 = vector.broadcast %parallel_loop3A_308 : i32 to vector<16xi32>
        %parallel_loop3A_310 = arith.select %parallel_loop3A_306, %parallel_loop3A_309, %parallel_loop3A_293 : vector<16xi1>, vector<16xi32>
        %parallel_loop3A_311 = arith.constant 7 : i32
        %parallel_loop3A_312 = arith.constant 0 : i32
        %parallel_loop3A_313 = arith.constant 0 : i32
        %parallel_loop3A_314 = arith.constant 0 : i32
        %parallel_loop3A_315 = arith.constant 0 : i32
        %parallel_loop3A_316 = tpu.memref_slice %arg4[%parallel_loop3A_165, %parallel_loop3A_313, %parallel_loop3A_314, %parallel_loop3A_315] : memref<2x10x1x2048xf32, #tpu.memory_space<vmem>> -> memref<1x10x1x2048xf32, #tpu.memory_space<vmem>>
        %parallel_loop3A_317 = tpu.memref_squeeze %parallel_loop3A_316 : memref<1x10x1x2048xf32, #tpu.memory_space<vmem>> -> memref<10x1x2048xf32, #tpu.memory_space<vmem>>
        %parallel_loop3A_318 = arith.index_cast %parallel_loop3A_311 : i32 to index
        %parallel_loop3A_319 = arith.index_cast %parallel_loop3A_312 : i32 to index
        %parallel_loop3A_320 = arith.index_cast %parallel_loop3A_194 : i32 to index
        %parallel_loop3A_321 = tpu.vector_load %parallel_loop3A_317[%parallel_loop3A_318, %parallel_loop3A_319, %parallel_loop3A_320] {strides = array<i32>} : memref<10x1x2048xf32, #tpu.memory_space<vmem>>, vector<1x1x16xf32>,
        %parallel_loop3A_322 = vector.shape_cast %parallel_loop3A_321 : vector<1x1x16xf32> to vector<16xf32>
        %parallel_loop3A_323 = arith.cmpf ogt, %parallel_loop3A_322, %parallel_loop3A_307 : vector<16xf32>
        %parallel_loop3A_324 = arith.select %parallel_loop3A_323, %parallel_loop3A_322, %parallel_loop3A_307 : vector<16xi1>, vector<16xf32>
        %parallel_loop3A_325 = arith.constant 7 : i32
        %parallel_loop3A_326 = vector.broadcast %parallel_loop3A_325 : i32 to vector<16xi32>
        %parallel_loop3A_327 = arith.select %parallel_loop3A_323, %parallel_loop3A_326, %parallel_loop3A_310 : vector<16xi1>, vector<16xi32>
        %parallel_loop3A_328 = arith.constant 8 : i32
        %parallel_loop3A_329 = arith.constant 0 : i32
        %parallel_loop3A_330 = arith.constant 0 : i32
        %parallel_loop3A_331 = arith.constant 0 : i32
        %parallel_loop3A_332 = arith.constant 0 : i32
        %parallel_loop3A_333 = tpu.memref_slice %arg4[%parallel_loop3A_165, %parallel_loop3A_330, %parallel_loop3A_331, %parallel_loop3A_332] : memref<2x10x1x2048xf32, #tpu.memory_space<vmem>> -> memref<1x10x1x2048xf32, #tpu.memory_space<vmem>>
        %parallel_loop3A_334 = tpu.memref_squeeze %parallel_loop3A_333 : memref<1x10x1x2048xf32, #tpu.memory_space<vmem>> -> memref<10x1x2048xf32, #tpu.memory_space<vmem>>
        %parallel_loop3A_335 = arith.index_cast %parallel_loop3A_328 : i32 to index
        %parallel_loop3A_336 = arith.index_cast %parallel_loop3A_329 : i32 to index
        %parallel_loop3A_337 = arith.index_cast %parallel_loop3A_194 : i32 to index
        %parallel_loop3A_338 = tpu.vector_load %parallel_loop3A_334[%parallel_loop3A_335, %parallel_loop3A_336, %parallel_loop3A_337] {strides = array<i32>} : memref<10x1x2048xf32, #tpu.memory_space<vmem>>, vector<1x1x16xf32>,
        %parallel_loop3A_339 = vector.shape_cast %parallel_loop3A_338 : vector<1x1x16xf32> to vector<16xf32>
        %parallel_loop3A_340 = arith.constant 9 : i32
        %parallel_loop3A_341 = arith.constant 0 : i32
        %parallel_loop3A_342 = arith.constant 0 : i32
        %parallel_loop3A_343 = arith.constant 0 : i32
        %parallel_loop3A_344 = arith.constant 0 : i32
        %parallel_loop3A_345 = tpu.memref_slice %arg4[%parallel_loop3A_165, %parallel_loop3A_342, %parallel_loop3A_343, %parallel_loop3A_344] : memref<2x10x1x2048xf32, #tpu.memory_space<vmem>> -> memref<1x10x1x2048xf32, #tpu.memory_space<vmem>>
        %parallel_loop3A_346 = tpu.memref_squeeze %parallel_loop3A_345 : memref<1x10x1x2048xf32, #tpu.memory_space<vmem>> -> memref<10x1x2048xf32, #tpu.memory_space<vmem>>
        %parallel_loop3A_347 = arith.index_cast %parallel_loop3A_340 : i32 to index
        %parallel_loop3A_348 = arith.index_cast %parallel_loop3A_341 : i32 to index
        %parallel_loop3A_349 = arith.index_cast %parallel_loop3A_194 : i32 to index
        %parallel_loop3A_350 = tpu.vector_load %parallel_loop3A_346[%parallel_loop3A_347, %parallel_loop3A_348, %parallel_loop3A_349] {strides = array<i32>} : memref<10x1x2048xf32, #tpu.memory_space<vmem>>, vector<1x1x16xf32>,
        %parallel_loop3A_351 = vector.shape_cast %parallel_loop3A_350 : vector<1x1x16xf32> to vector<16xf32>
        %parallel_loop3A_352 = arith.mulf %parallel_loop3A_339, %parallel_loop3A_339 : vector<16xf32>
        %parallel_loop3A_353 = arith.mulf %parallel_loop3A_351, %parallel_loop3A_351 : vector<16xf32>
        %parallel_loop3A_354 = arith.addf %parallel_loop3A_352, %parallel_loop3A_353 : vector<16xf32>
        %parallel_loop3A_355 = arith.constant 1.000000e-30 : f32
        %parallel_loop3A_356 = vector.broadcast %parallel_loop3A_355 : f32 to vector<16xf32>
        %parallel_loop3A_357 = arith.maximumf %parallel_loop3A_354, %parallel_loop3A_356 : vector<16xf32>
        %parallel_loop3A_358 = tpu.bitcast %parallel_loop3A_357 : vector<16xf32> -> vector<16xi32>
        %parallel_loop3A_359 = arith.constant 1597463007 : i32
        %parallel_loop3A_360 = vector.broadcast %parallel_loop3A_359 : i32 to vector<16xi32>
        %parallel_loop3A_361 = arith.constant 1 : i32
        %parallel_loop3A_362 = vector.broadcast %parallel_loop3A_361 : i32 to vector<16xi32>
        %parallel_loop3A_363 = arith.shrsi %parallel_loop3A_358, %parallel_loop3A_362 : vector<16xi32>
        %parallel_loop3A_364 = arith.subi %parallel_loop3A_360, %parallel_loop3A_363 : vector<16xi32>
        %parallel_loop3A_365 = tpu.bitcast %parallel_loop3A_364 : vector<16xi32> -> vector<16xf32>
        %parallel_loop3A_366 = arith.constant 5.000000e-01 : f32
        %parallel_loop3A_367 = vector.broadcast %parallel_loop3A_366 : f32 to vector<16xf32>
        %parallel_loop3A_368 = arith.mulf %parallel_loop3A_357, %parallel_loop3A_367 : vector<16xf32>
        %parallel_loop3A_369 = arith.mulf %parallel_loop3A_368, %parallel_loop3A_365 : vector<16xf32>
        %parallel_loop3A_370 = arith.mulf %parallel_loop3A_369, %parallel_loop3A_365 : vector<16xf32>
        %parallel_loop3A_371 = arith.constant 1.500000e+00 : f32
        %parallel_loop3A_372 = vector.broadcast %parallel_loop3A_371 : f32 to vector<16xf32>
        %parallel_loop3A_373 = arith.subf %parallel_loop3A_372, %parallel_loop3A_370 : vector<16xf32>
        %parallel_loop3A_374 = arith.mulf %parallel_loop3A_365, %parallel_loop3A_373 : vector<16xf32>
        %parallel_loop3A_375 = arith.mulf %parallel_loop3A_368, %parallel_loop3A_374 : vector<16xf32>
        %parallel_loop3A_376 = arith.mulf %parallel_loop3A_375, %parallel_loop3A_374 : vector<16xf32>
        %parallel_loop3A_377 = arith.constant 1.500000e+00 : f32
        %parallel_loop3A_378 = vector.broadcast %parallel_loop3A_377 : f32 to vector<16xf32>
        %parallel_loop3A_379 = arith.subf %parallel_loop3A_378, %parallel_loop3A_376 : vector<16xf32>
        %parallel_loop3A_380 = arith.mulf %parallel_loop3A_374, %parallel_loop3A_379 : vector<16xf32>
        %parallel_loop3A_381 = arith.mulf %parallel_loop3A_368, %parallel_loop3A_380 : vector<16xf32>
        %parallel_loop3A_382 = arith.mulf %parallel_loop3A_381, %parallel_loop3A_380 : vector<16xf32>
        %parallel_loop3A_383 = arith.constant 1.500000e+00 : f32
        %parallel_loop3A_384 = vector.broadcast %parallel_loop3A_383 : f32 to vector<16xf32>
        %parallel_loop3A_385 = arith.subf %parallel_loop3A_384, %parallel_loop3A_382 : vector<16xf32>
        %parallel_loop3A_386 = arith.mulf %parallel_loop3A_380, %parallel_loop3A_385 : vector<16xf32>
        %parallel_loop3A_387 = arith.mulf %parallel_loop3A_354, %parallel_loop3A_386 : vector<16xf32>
        %parallel_loop3A_388 = arith.constant 0.000000e+00 : f32
        %parallel_loop3A_389 = vector.broadcast %parallel_loop3A_388 : f32 to vector<16xf32>
        %parallel_loop3A_390 = arith.constant 0 : i32
        %parallel_loop3A_391 = vector.broadcast %parallel_loop3A_390 : i32 to vector<16xi32>
        %parallel_loop3A_392 = arith.cmpi eq, %parallel_loop3A_327, %parallel_loop3A_391 : vector<16xi32>
        %parallel_loop3A_393 = arith.select %parallel_loop3A_392, %parallel_loop3A_387, %parallel_loop3A_389 : vector<16xi1>, vector<16xf32>
        %parallel_loop3A_394 = arith.constant 0 : i32
        %parallel_loop3A_395 = arith.constant 0 : i32
        %parallel_loop3A_396 = arith.constant 0 : i32
        %parallel_loop3A_397 = arith.constant 0 : i32
        %parallel_loop3A_398 = arith.constant 0 : i32
        %parallel_loop3A_399 = tpu.memref_slice %arg5[%parallel_loop3A_166, %parallel_loop3A_396, %parallel_loop3A_397, %parallel_loop3A_398] : memref<2x8x1x2048xf32, #tpu.memory_space<vmem>> -> memref<1x8x1x2048xf32, #tpu.memory_space<vmem>>
        %parallel_loop3A_400 = tpu.memref_squeeze %parallel_loop3A_399 : memref<1x8x1x2048xf32, #tpu.memory_space<vmem>> -> memref<8x1x2048xf32, #tpu.memory_space<vmem>>
        %parallel_loop3A_401 = arith.index_cast %parallel_loop3A_394 : i32 to index
        %parallel_loop3A_402 = arith.index_cast %parallel_loop3A_395 : i32 to index
        %parallel_loop3A_403 = arith.index_cast %parallel_loop3A_194 : i32 to index
        %parallel_loop3A_404 = tpu.vector_load %parallel_loop3A_400[%parallel_loop3A_401, %parallel_loop3A_402, %parallel_loop3A_403] {strides = array<i32>} : memref<8x1x2048xf32, #tpu.memory_space<vmem>>, vector<1x1x16xf32>,
        %parallel_loop3A_405 = vector.shape_cast %parallel_loop3A_404 : vector<1x1x16xf32> to vector<16xf32>
        %parallel_loop3A_406 = vector.shape_cast %parallel_loop3A_393 : vector<16xf32> to vector<1x1x16xf32>
        tpu.vector_store %parallel_loop3A_400[%parallel_loop3A_401, %parallel_loop3A_402, %parallel_loop3A_403], %parallel_loop3A_406 {strides = array<i32>} : memref<8x1x2048xf32, #tpu.memory_space<vmem>>, vector<1x1x16xf32>,
        %parallel_loop3A_407 = arith.constant 1 : i32
        %parallel_loop3A_408 = vector.broadcast %parallel_loop3A_407 : i32 to vector<16xi32>
        %parallel_loop3A_409 = arith.cmpi eq, %parallel_loop3A_327, %parallel_loop3A_408 : vector<16xi32>
        %parallel_loop3A_410 = arith.select %parallel_loop3A_409, %parallel_loop3A_387, %parallel_loop3A_389 : vector<16xi1>, vector<16xf32>
        %parallel_loop3A_411 = arith.constant 1 : i32
        %parallel_loop3A_412 = arith.constant 0 : i32
        %parallel_loop3A_413 = arith.constant 0 : i32
        %parallel_loop3A_414 = arith.constant 0 : i32
        %parallel_loop3A_415 = arith.constant 0 : i32
        %parallel_loop3A_416 = tpu.memref_slice %arg5[%parallel_loop3A_166, %parallel_loop3A_413, %parallel_loop3A_414, %parallel_loop3A_415] : memref<2x8x1x2048xf32, #tpu.memory_space<vmem>> -> memref<1x8x1x2048xf32, #tpu.memory_space<vmem>>
        %parallel_loop3A_417 = tpu.memref_squeeze %parallel_loop3A_416 : memref<1x8x1x2048xf32, #tpu.memory_space<vmem>> -> memref<8x1x2048xf32, #tpu.memory_space<vmem>>
        %parallel_loop3A_418 = arith.index_cast %parallel_loop3A_411 : i32 to index
        %parallel_loop3A_419 = arith.index_cast %parallel_loop3A_412 : i32 to index
        %parallel_loop3A_420 = arith.index_cast %parallel_loop3A_194 : i32 to index
        %parallel_loop3A_421 = tpu.vector_load %parallel_loop3A_417[%parallel_loop3A_418, %parallel_loop3A_419, %parallel_loop3A_420] {strides = array<i32>} : memref<8x1x2048xf32, #tpu.memory_space<vmem>>, vector<1x1x16xf32>,
        %parallel_loop3A_422 = vector.shape_cast %parallel_loop3A_421 : vector<1x1x16xf32> to vector<16xf32>
        %parallel_loop3A_423 = vector.shape_cast %parallel_loop3A_410 : vector<16xf32> to vector<1x1x16xf32>
        tpu.vector_store %parallel_loop3A_417[%parallel_loop3A_418, %parallel_loop3A_419, %parallel_loop3A_420], %parallel_loop3A_423 {strides = array<i32>} : memref<8x1x2048xf32, #tpu.memory_space<vmem>>, vector<1x1x16xf32>,
        %parallel_loop3A_424 = arith.constant 2 : i32
        %parallel_loop3A_425 = vector.broadcast %parallel_loop3A_424 : i32 to vector<16xi32>
        %parallel_loop3A_426 = arith.cmpi eq, %parallel_loop3A_327, %parallel_loop3A_425 : vector<16xi32>
        %parallel_loop3A_427 = arith.select %parallel_loop3A_426, %parallel_loop3A_387, %parallel_loop3A_389 : vector<16xi1>, vector<16xf32>
        %parallel_loop3A_428 = arith.constant 2 : i32
        %parallel_loop3A_429 = arith.constant 0 : i32
        %parallel_loop3A_430 = arith.constant 0 : i32
        %parallel_loop3A_431 = arith.constant 0 : i32
        %parallel_loop3A_432 = arith.constant 0 : i32
        %parallel_loop3A_433 = tpu.memref_slice %arg5[%parallel_loop3A_166, %parallel_loop3A_430, %parallel_loop3A_431, %parallel_loop3A_432] : memref<2x8x1x2048xf32, #tpu.memory_space<vmem>> -> memref<1x8x1x2048xf32, #tpu.memory_space<vmem>>
        %parallel_loop3A_434 = tpu.memref_squeeze %parallel_loop3A_433 : memref<1x8x1x2048xf32, #tpu.memory_space<vmem>> -> memref<8x1x2048xf32, #tpu.memory_space<vmem>>
        %parallel_loop3A_435 = arith.index_cast %parallel_loop3A_428 : i32 to index
        %parallel_loop3A_436 = arith.index_cast %parallel_loop3A_429 : i32 to index
        %parallel_loop3A_437 = arith.index_cast %parallel_loop3A_194 : i32 to index
        %parallel_loop3A_438 = tpu.vector_load %parallel_loop3A_434[%parallel_loop3A_435, %parallel_loop3A_436, %parallel_loop3A_437] {strides = array<i32>} : memref<8x1x2048xf32, #tpu.memory_space<vmem>>, vector<1x1x16xf32>,
        %parallel_loop3A_439 = vector.shape_cast %parallel_loop3A_438 : vector<1x1x16xf32> to vector<16xf32>
        %parallel_loop3A_440 = vector.shape_cast %parallel_loop3A_427 : vector<16xf32> to vector<1x1x16xf32>
        tpu.vector_store %parallel_loop3A_434[%parallel_loop3A_435, %parallel_loop3A_436, %parallel_loop3A_437], %parallel_loop3A_440 {strides = array<i32>} : memref<8x1x2048xf32, #tpu.memory_space<vmem>>, vector<1x1x16xf32>,
        %parallel_loop3A_441 = arith.constant 3 : i32
        %parallel_loop3A_442 = vector.broadcast %parallel_loop3A_441 : i32 to vector<16xi32>
        %parallel_loop3A_443 = arith.cmpi eq, %parallel_loop3A_327, %parallel_loop3A_442 : vector<16xi32>
        %parallel_loop3A_444 = arith.select %parallel_loop3A_443, %parallel_loop3A_387, %parallel_loop3A_389 : vector<16xi1>, vector<16xf32>
        %parallel_loop3A_445 = arith.constant 3 : i32
        %parallel_loop3A_446 = arith.constant 0 : i32
        %parallel_loop3A_447 = arith.constant 0 : i32
        %parallel_loop3A_448 = arith.constant 0 : i32
        %parallel_loop3A_449 = arith.constant 0 : i32
        %parallel_loop3A_450 = tpu.memref_slice %arg5[%parallel_loop3A_166, %parallel_loop3A_447, %parallel_loop3A_448, %parallel_loop3A_449] : memref<2x8x1x2048xf32, #tpu.memory_space<vmem>> -> memref<1x8x1x2048xf32, #tpu.memory_space<vmem>>
        %parallel_loop3A_451 = tpu.memref_squeeze %parallel_loop3A_450 : memref<1x8x1x2048xf32, #tpu.memory_space<vmem>> -> memref<8x1x2048xf32, #tpu.memory_space<vmem>>
        %parallel_loop3A_452 = arith.index_cast %parallel_loop3A_445 : i32 to index
        %parallel_loop3A_453 = arith.index_cast %parallel_loop3A_446 : i32 to index
        %parallel_loop3A_454 = arith.index_cast %parallel_loop3A_194 : i32 to index
        %parallel_loop3A_455 = tpu.vector_load %parallel_loop3A_451[%parallel_loop3A_452, %parallel_loop3A_453, %parallel_loop3A_454] {strides = array<i32>} : memref<8x1x2048xf32, #tpu.memory_space<vmem>>, vector<1x1x16xf32>,
        %parallel_loop3A_456 = vector.shape_cast %parallel_loop3A_455 : vector<1x1x16xf32> to vector<16xf32>
        %parallel_loop3A_457 = vector.shape_cast %parallel_loop3A_444 : vector<16xf32> to vector<1x1x16xf32>
        tpu.vector_store %parallel_loop3A_451[%parallel_loop3A_452, %parallel_loop3A_453, %parallel_loop3A_454], %parallel_loop3A_457 {strides = array<i32>} : memref<8x1x2048xf32, #tpu.memory_space<vmem>>, vector<1x1x16xf32>,
        %parallel_loop3A_458 = arith.constant 4 : i32
        %parallel_loop3A_459 = vector.broadcast %parallel_loop3A_458 : i32 to vector<16xi32>
        %parallel_loop3A_460 = arith.cmpi eq, %parallel_loop3A_327, %parallel_loop3A_459 : vector<16xi32>
        %parallel_loop3A_461 = arith.select %parallel_loop3A_460, %parallel_loop3A_387, %parallel_loop3A_389 : vector<16xi1>, vector<16xf32>
        %parallel_loop3A_462 = arith.constant 4 : i32
        %parallel_loop3A_463 = arith.constant 0 : i32
        %parallel_loop3A_464 = arith.constant 0 : i32
        %parallel_loop3A_465 = arith.constant 0 : i32
        %parallel_loop3A_466 = arith.constant 0 : i32
        %parallel_loop3A_467 = tpu.memref_slice %arg5[%parallel_loop3A_166, %parallel_loop3A_464, %parallel_loop3A_465, %parallel_loop3A_466] : memref<2x8x1x2048xf32, #tpu.memory_space<vmem>> -> memref<1x8x1x2048xf32, #tpu.memory_space<vmem>>
        %parallel_loop3A_468 = tpu.memref_squeeze %parallel_loop3A_467 : memref<1x8x1x2048xf32, #tpu.memory_space<vmem>> -> memref<8x1x2048xf32, #tpu.memory_space<vmem>>
        %parallel_loop3A_469 = arith.index_cast %parallel_loop3A_462 : i32 to index
        %parallel_loop3A_470 = arith.index_cast %parallel_loop3A_463 : i32 to index
        %parallel_loop3A_471 = arith.index_cast %parallel_loop3A_194 : i32 to index
        %parallel_loop3A_472 = tpu.vector_load %parallel_loop3A_468[%parallel_loop3A_469, %parallel_loop3A_470, %parallel_loop3A_471] {strides = array<i32>} : memref<8x1x2048xf32, #tpu.memory_space<vmem>>, vector<1x1x16xf32>,
        %parallel_loop3A_473 = vector.shape_cast %parallel_loop3A_472 : vector<1x1x16xf32> to vector<16xf32>
        %parallel_loop3A_474 = vector.shape_cast %parallel_loop3A_461 : vector<16xf32> to vector<1x1x16xf32>
        tpu.vector_store %parallel_loop3A_468[%parallel_loop3A_469, %parallel_loop3A_470, %parallel_loop3A_471], %parallel_loop3A_474 {strides = array<i32>} : memref<8x1x2048xf32, #tpu.memory_space<vmem>>, vector<1x1x16xf32>,
        %parallel_loop3A_475 = arith.constant 5 : i32
        %parallel_loop3A_476 = vector.broadcast %parallel_loop3A_475 : i32 to vector<16xi32>
        %parallel_loop3A_477 = arith.cmpi eq, %parallel_loop3A_327, %parallel_loop3A_476 : vector<16xi32>
        %parallel_loop3A_478 = arith.select %parallel_loop3A_477, %parallel_loop3A_387, %parallel_loop3A_389 : vector<16xi1>, vector<16xf32>
        %parallel_loop3A_479 = arith.constant 5 : i32
        %parallel_loop3A_480 = arith.constant 0 : i32
        %parallel_loop3A_481 = arith.constant 0 : i32
        %parallel_loop3A_482 = arith.constant 0 : i32
        %parallel_loop3A_483 = arith.constant 0 : i32
        %parallel_loop3A_484 = tpu.memref_slice %arg5[%parallel_loop3A_166, %parallel_loop3A_481, %parallel_loop3A_482, %parallel_loop3A_483] : memref<2x8x1x2048xf32, #tpu.memory_space<vmem>> -> memref<1x8x1x2048xf32, #tpu.memory_space<vmem>>
        %parallel_loop3A_485 = tpu.memref_squeeze %parallel_loop3A_484 : memref<1x8x1x2048xf32, #tpu.memory_space<vmem>> -> memref<8x1x2048xf32, #tpu.memory_space<vmem>>
        %parallel_loop3A_486 = arith.index_cast %parallel_loop3A_479 : i32 to index
        %parallel_loop3A_487 = arith.index_cast %parallel_loop3A_480 : i32 to index
        %parallel_loop3A_488 = arith.index_cast %parallel_loop3A_194 : i32 to index
        %parallel_loop3A_489 = tpu.vector_load %parallel_loop3A_485[%parallel_loop3A_486, %parallel_loop3A_487, %parallel_loop3A_488] {strides = array<i32>} : memref<8x1x2048xf32, #tpu.memory_space<vmem>>, vector<1x1x16xf32>,
        %parallel_loop3A_490 = vector.shape_cast %parallel_loop3A_489 : vector<1x1x16xf32> to vector<16xf32>
        %parallel_loop3A_491 = vector.shape_cast %parallel_loop3A_478 : vector<16xf32> to vector<1x1x16xf32>
        tpu.vector_store %parallel_loop3A_485[%parallel_loop3A_486, %parallel_loop3A_487, %parallel_loop3A_488], %parallel_loop3A_491 {strides = array<i32>} : memref<8x1x2048xf32, #tpu.memory_space<vmem>>, vector<1x1x16xf32>,
        %parallel_loop3A_492 = arith.constant 6 : i32
        %parallel_loop3A_493 = vector.broadcast %parallel_loop3A_492 : i32 to vector<16xi32>
        %parallel_loop3A_494 = arith.cmpi eq, %parallel_loop3A_327, %parallel_loop3A_493 : vector<16xi32>
        %parallel_loop3A_495 = arith.select %parallel_loop3A_494, %parallel_loop3A_387, %parallel_loop3A_389 : vector<16xi1>, vector<16xf32>
        %parallel_loop3A_496 = arith.constant 6 : i32
        %parallel_loop3A_497 = arith.constant 0 : i32
        %parallel_loop3A_498 = arith.constant 0 : i32
        %parallel_loop3A_499 = arith.constant 0 : i32
        %parallel_loop3A_500 = arith.constant 0 : i32
        %parallel_loop3A_501 = tpu.memref_slice %arg5[%parallel_loop3A_166, %parallel_loop3A_498, %parallel_loop3A_499, %parallel_loop3A_500] : memref<2x8x1x2048xf32, #tpu.memory_space<vmem>> -> memref<1x8x1x2048xf32, #tpu.memory_space<vmem>>
        %parallel_loop3A_502 = tpu.memref_squeeze %parallel_loop3A_501 : memref<1x8x1x2048xf32, #tpu.memory_space<vmem>> -> memref<8x1x2048xf32, #tpu.memory_space<vmem>>
        %parallel_loop3A_503 = arith.index_cast %parallel_loop3A_496 : i32 to index
        %parallel_loop3A_504 = arith.index_cast %parallel_loop3A_497 : i32 to index
        %parallel_loop3A_505 = arith.index_cast %parallel_loop3A_194 : i32 to index
        %parallel_loop3A_506 = tpu.vector_load %parallel_loop3A_502[%parallel_loop3A_503, %parallel_loop3A_504, %parallel_loop3A_505] {strides = array<i32>} : memref<8x1x2048xf32, #tpu.memory_space<vmem>>, vector<1x1x16xf32>,
        %parallel_loop3A_507 = vector.shape_cast %parallel_loop3A_506 : vector<1x1x16xf32> to vector<16xf32>
        %parallel_loop3A_508 = vector.shape_cast %parallel_loop3A_495 : vector<16xf32> to vector<1x1x16xf32>
        tpu.vector_store %parallel_loop3A_502[%parallel_loop3A_503, %parallel_loop3A_504, %parallel_loop3A_505], %parallel_loop3A_508 {strides = array<i32>} : memref<8x1x2048xf32, #tpu.memory_space<vmem>>, vector<1x1x16xf32>,
        %parallel_loop3A_509 = arith.constant 7 : i32
        %parallel_loop3A_510 = vector.broadcast %parallel_loop3A_509 : i32 to vector<16xi32>
        %parallel_loop3A_511 = arith.cmpi eq, %parallel_loop3A_327, %parallel_loop3A_510 : vector<16xi32>
        %parallel_loop3A_512 = arith.select %parallel_loop3A_511, %parallel_loop3A_387, %parallel_loop3A_389 : vector<16xi1>, vector<16xf32>
        %parallel_loop3A_513 = arith.constant 7 : i32
        %parallel_loop3A_514 = arith.constant 0 : i32
        %parallel_loop3A_515 = arith.constant 0 : i32
        %parallel_loop3A_516 = arith.constant 0 : i32
        %parallel_loop3A_517 = arith.constant 0 : i32
        %parallel_loop3A_518 = tpu.memref_slice %arg5[%parallel_loop3A_166, %parallel_loop3A_515, %parallel_loop3A_516, %parallel_loop3A_517] : memref<2x8x1x2048xf32, #tpu.memory_space<vmem>> -> memref<1x8x1x2048xf32, #tpu.memory_space<vmem>>
        %parallel_loop3A_519 = tpu.memref_squeeze %parallel_loop3A_518 : memref<1x8x1x2048xf32, #tpu.memory_space<vmem>> -> memref<8x1x2048xf32, #tpu.memory_space<vmem>>
        %parallel_loop3A_520 = arith.index_cast %parallel_loop3A_513 : i32 to index
        %parallel_loop3A_521 = arith.index_cast %parallel_loop3A_514 : i32 to index
        %parallel_loop3A_522 = arith.index_cast %parallel_loop3A_194 : i32 to index
        %parallel_loop3A_523 = tpu.vector_load %parallel_loop3A_519[%parallel_loop3A_520, %parallel_loop3A_521, %parallel_loop3A_522] {strides = array<i32>} : memref<8x1x2048xf32, #tpu.memory_space<vmem>>, vector<1x1x16xf32>,
        %parallel_loop3A_524 = vector.shape_cast %parallel_loop3A_523 : vector<1x1x16xf32> to vector<16xf32>
        %parallel_loop3A_525 = vector.shape_cast %parallel_loop3A_512 : vector<16xf32> to vector<1x1x16xf32>
        tpu.vector_store %parallel_loop3A_519[%parallel_loop3A_520, %parallel_loop3A_521, %parallel_loop3A_522], %parallel_loop3A_525 {strides = array<i32>} : memref<8x1x2048xf32, #tpu.memory_space<vmem>>, vector<1x1x16xf32>,
      } {sc.loop_unroll_factor = 4 : i64, sc.parallel_access}
      %add3A_167 = arith.constant 2 : i32
      %add3A_168 = arith.addi %add3A_138, %add3A_167 : i32
      %lt3A_169 = arith.constant 4 : i32
      %lt3A_170 = arith.cmpi slt, %add3A_168, %lt3A_169 : i32
      %convert_element_type3A_171 = arith.extui %lt3A_170 : i1 to i32
      %cond3A_172 = arith.constant 0 : i32
      %cond3A_173 = arith.cmpi ne, %convert_element_type3A_171, %cond3A_172 : i32
      scf.if %cond3A_173 {
        %add3A_192 = arith.addi %add3A_4, %add3A_138 : i32
        %add3A_193 = arith.constant 2 : i32
        %add3A_194 = arith.addi %add3A_192, %add3A_193 : i32
        %dma_start3A_195 = arith.constant 1 : i32
        %dma_start3A_196 = arith.constant 0 : i32
        %dma_start3A_197 = arith.constant 0 : i32
        %dma_start3A_198 = arith.constant 0 : i32
        %dma_start3A_199 = tpu.memref_slice %arg4[%dma_start3A_195, %dma_start3A_196, %dma_start3A_197, %dma_start3A_198] : memref<2x10x1x2048xf32, #tpu.memory_space<vmem>> -> memref<1x10x1x2048xf32, #tpu.memory_space<vmem>>
        %dma_start3A_200 = tpu.memref_squeeze %dma_start3A_199 : memref<1x10x1x2048xf32, #tpu.memory_space<vmem>> -> memref<10x1x2048xf32, #tpu.memory_space<vmem>>
        %dma_start3A_201 = arith.constant 0 : i32
        %dma_start3A_202 = arith.constant 0 : i32
        %dma_start3A_203 = tpu.memref_slice %arg2[%dma_start3A_201, %add3A_194, %dma_start3A_202] : memref<10x2048x2048xf32, #tpu.memory_space<hbm>> -> memref<10x1x2048xf32, #tpu.memory_space<hbm>>
        %dma_start3A_204 = arith.constant 0 : i32
        %dma_start3A_205 = arith.constant 0 : i32
        %dma_start3A_206 = arith.constant 0 : i32
        %dma_start3A_207 = tpu.memref_slice %arg4[%dma_start3A_195, %dma_start3A_204, %dma_start3A_205, %dma_start3A_206] : memref<2x10x1x2048xf32, #tpu.memory_space<vmem>> -> memref<1x10x1x2048xf32, #tpu.memory_space<vmem>>
        %dma_start3A_208 = tpu.memref_squeeze %dma_start3A_207 : memref<1x10x1x2048xf32, #tpu.memory_space<vmem>> -> memref<10x1x2048xf32, #tpu.memory_space<vmem>>
        %dma_start3A_209 = arith.constant 0 : i32
        %dma_start3A_210 = arith.constant 0 : i32
        %dma_start3A_211 = tpu.memref_slice %arg2[%dma_start3A_209, %add3A_194, %dma_start3A_210] : memref<10x2048x2048xf32, #tpu.memory_space<hbm>> -> memref<10x1x2048xf32, #tpu.memory_space<hbm>>
        tpu.enqueue_dma source(%dma_start3A_211 : memref<10x1x2048xf32, #tpu.memory_space<hbm>>) target(%dma_start3A_208 : memref<10x1x2048xf32, #tpu.memory_space<vmem>>) target_semaphore(%arg7 : memref<!tpu.dma_semaphore, #tpu.memory_space<semaphore_mem>>)
      } else {
      }
      %add3A_174 = arith.addi %mul3A_6, %add3A_138 : i32
      %dma_start3A_175 = arith.constant 1 : i32
      %dma_start3A_176 = arith.constant 0 : i32
      %dma_start3A_177 = arith.constant 0 : i32
      %dma_start3A_178 = arith.constant 0 : i32
      %dma_start3A_179 = tpu.memref_slice %arg5[%dma_start3A_175, %dma_start3A_176, %dma_start3A_177, %dma_start3A_178] : memref<2x8x1x2048xf32, #tpu.memory_space<vmem>> -> memref<1x8x1x2048xf32, #tpu.memory_space<vmem>>
      %dma_start3A_180 = tpu.memref_squeeze %dma_start3A_179 : memref<1x8x1x2048xf32, #tpu.memory_space<vmem>> -> memref<8x1x2048xf32, #tpu.memory_space<vmem>>
      %dma_start3A_181 = arith.constant 0 : i32
      %dma_start3A_182 = arith.constant 0 : i32
      %dma_start3A_183 = tpu.memref_slice %arg3[%dma_start3A_181, %add3A_174, %dma_start3A_182] : memref<8x128x2048xf32, #tpu.memory_space<hbm>> -> memref<8x1x2048xf32, #tpu.memory_space<hbm>>
      %dma_start3A_184 = arith.constant 0 : i32
      %dma_start3A_185 = arith.constant 0 : i32
      %dma_start3A_186 = tpu.memref_slice %arg3[%dma_start3A_184, %add3A_174, %dma_start3A_185] : memref<8x128x2048xf32, #tpu.memory_space<hbm>> -> memref<8x1x2048xf32, #tpu.memory_space<hbm>>
      %dma_start3A_187 = arith.constant 0 : i32
      %dma_start3A_188 = arith.constant 0 : i32
      %dma_start3A_189 = arith.constant 0 : i32
      %dma_start3A_190 = tpu.memref_slice %arg5[%dma_start3A_175, %dma_start3A_187, %dma_start3A_188, %dma_start3A_189] : memref<2x8x1x2048xf32, #tpu.memory_space<vmem>> -> memref<1x8x1x2048xf32, #tpu.memory_space<vmem>>
      %dma_start3A_191 = tpu.memref_squeeze %dma_start3A_190 : memref<1x8x1x2048xf32, #tpu.memory_space<vmem>> -> memref<8x1x2048xf32, #tpu.memory_space<vmem>>
      tpu.enqueue_dma source(%dma_start3A_191 : memref<8x1x2048xf32, #tpu.memory_space<vmem>>) target(%dma_start3A_186 : memref<8x1x2048xf32, #tpu.memory_space<hbm>>) target_semaphore(%arg9 : memref<!tpu.dma_semaphore, #tpu.memory_space<semaphore_mem>>)
    }
    %scan3A_48 = arith.constant 2 : i32
    %dma_wait3A = arith.constant 0 : i32
    %dma_wait3A_49 = arith.constant 0 : i32
    %dma_wait3A_50 = arith.constant 0 : i32
    %dma_wait3A_51 = arith.constant 0 : i32
    %dma_wait3A_52 = tpu.memref_slice %arg5[%dma_wait3A, %dma_wait3A_49, %dma_wait3A_50, %dma_wait3A_51] : memref<2x8x1x2048xf32, #tpu.memory_space<vmem>> -> memref<1x8x1x2048xf32, #tpu.memory_space<vmem>>
    %dma_wait3A_53 = tpu.memref_squeeze %dma_wait3A_52 : memref<1x8x1x2048xf32, #tpu.memory_space<vmem>> -> memref<8x1x2048xf32, #tpu.memory_space<vmem>>
    %dma_wait3A_54 = arith.constant 0 : i32
    %dma_wait3A_55 = arith.constant 0 : i32
    %dma_wait3A_56 = tpu.memref_slice %arg3[%dma_wait3A_54, %mul3A_6, %dma_wait3A_55] : memref<8x128x2048xf32, #tpu.memory_space<hbm>> -> memref<8x1x2048xf32, #tpu.memory_space<hbm>>
    %dma_wait3A_57 = arith.constant 0 : i32
    %dma_wait3A_58 = arith.constant 0 : i32
    %dma_wait3A_59 = tpu.memref_slice %arg3[%dma_wait3A_57, %mul3A_6, %dma_wait3A_58] : memref<8x128x2048xf32, #tpu.memory_space<hbm>> -> memref<8x1x2048xf32, #tpu.memory_space<hbm>>
    %dma_wait3A_60 = arith.constant 0 : i32
    %dma_wait3A_61 = arith.constant 0 : i32
    %dma_wait3A_62 = arith.constant 0 : i32
    %dma_wait3A_63 = tpu.memref_slice %arg5[%dma_wait3A, %dma_wait3A_60, %dma_wait3A_61, %dma_wait3A_62] : memref<2x8x1x2048xf32, #tpu.memory_space<vmem>> -> memref<1x8x1x2048xf32, #tpu.memory_space<vmem>>
    %dma_wait3A_64 = tpu.memref_squeeze %dma_wait3A_63 : memref<1x8x1x2048xf32, #tpu.memory_space<vmem>> -> memref<8x1x2048xf32, #tpu.memory_space<vmem>>
    tpu.wait_dma2 semaphore(%arg8 : memref<!tpu.dma_semaphore, #tpu.memory_space<semaphore_mem>>) src(%dma_wait3A_64 : memref<8x1x2048xf32, #tpu.memory_space<vmem>>) dst(%dma_wait3A_59 : memref<8x1x2048xf32, #tpu.memory_space<hbm>>)
    %dma_wait3A_65 = arith.constant 1 : i32
    %dma_wait3A_66 = arith.constant 0 : i32
    %dma_wait3A_67 = arith.constant 0 : i32
    %dma_wait3A_68 = arith.constant 0 : i32
    %dma_wait3A_69 = tpu.memref_slice %arg5[%dma_wait3A_65, %dma_wait3A_66, %dma_wait3A_67, %dma_wait3A_68] : memref<2x8x1x2048xf32, #tpu.memory_space<vmem>> -> memref<1x8x1x2048xf32, #tpu.memory_space<vmem>>
    %dma_wait3A_70 = tpu.memref_squeeze %dma_wait3A_69 : memref<1x8x1x2048xf32, #tpu.memory_space<vmem>> -> memref<8x1x2048xf32, #tpu.memory_space<vmem>>
    %dma_wait3A_71 = arith.constant 0 : i32
    %dma_wait3A_72 = arith.constant 0 : i32
    %dma_wait3A_73 = tpu.memref_slice %arg3[%dma_wait3A_71, %mul3A_6, %dma_wait3A_72] : memref<8x128x2048xf32, #tpu.memory_space<hbm>> -> memref<8x1x2048xf32, #tpu.memory_space<hbm>>
    %dma_wait3A_74 = arith.constant 0 : i32
    %dma_wait3A_75 = arith.constant 0 : i32
    %dma_wait3A_76 = tpu.memref_slice %arg3[%dma_wait3A_74, %mul3A_6, %dma_wait3A_75] : memref<8x128x2048xf32, #tpu.memory_space<hbm>> -> memref<8x1x2048xf32, #tpu.memory_space<hbm>>
    %dma_wait3A_77 = arith.constant 0 : i32
    %dma_wait3A_78 = arith.constant 0 : i32
    %dma_wait3A_79 = arith.constant 0 : i32
    %dma_wait3A_80 = tpu.memref_slice %arg5[%dma_wait3A_65, %dma_wait3A_77, %dma_wait3A_78, %dma_wait3A_79] : memref<2x8x1x2048xf32, #tpu.memory_space<vmem>> -> memref<1x8x1x2048xf32, #tpu.memory_space<vmem>>
    %dma_wait3A_81 = tpu.memref_squeeze %dma_wait3A_80 : memref<1x8x1x2048xf32, #tpu.memory_space<vmem>> -> memref<8x1x2048xf32, #tpu.memory_space<vmem>>
    tpu.wait_dma2 semaphore(%arg9 : memref<!tpu.dma_semaphore, #tpu.memory_space<semaphore_mem>>) src(%dma_wait3A_81 : memref<8x1x2048xf32, #tpu.memory_space<vmem>>) dst(%dma_wait3A_76 : memref<8x1x2048xf32, #tpu.memory_space<hbm>>)
    return
  }
}

module attributes {stable_mosaic.version = 14 : i64} {
  func.func @_tc_body(%arg0: i32, %arg1: memref<10x64x2048xf32, #tpu.memory_space<vmem>>, %arg2: memref<8x64x2048xf32, #tpu.memory_space<vmem>>) attributes {dimension_semantics = [#tpu.dimension_semantics<arbitrary>], iteration_bounds = array<i64: 30>, scalar_prefetch = 0 : i64, scratch_operands = 0 : i64, tpu.core_type = #tpu.core_type<tc>, window_params = [{transform_indices = @transform_0, window_bounds = array<i64: 10, 64, 2048>}, {transform_indices = @transform_1, window_bounds = array<i64: 8, 64, 2048>}]} {
    %get3A = arith.constant 0 : index
    %get3A_0 = arith.constant 0 : index
    %get3A_1 = arith.constant 0 : index
    %get3A_2 = vector.load %arg1[%get3A, %get3A_0, %get3A_1] : memref<10x64x2048xf32, #tpu.memory_space<vmem>>, vector<1x64x2048xf32>
    %get3A_3 = vector.shape_cast %get3A_2 : vector<1x64x2048xf32> to vector<64x2048xf32>
    %broadcast_in_dim3A = arith.constant 0 : i32
    %broadcast_in_dim3A_4 = vector.broadcast %broadcast_in_dim3A : i32 to vector<64x2048xi32>
    %get3A_5 = arith.constant 1 : index
    %get3A_6 = arith.constant 0 : index
    %get3A_7 = arith.constant 0 : index
    %get3A_8 = vector.load %arg1[%get3A_5, %get3A_6, %get3A_7] : memref<10x64x2048xf32, #tpu.memory_space<vmem>>, vector<1x64x2048xf32>
    %get3A_9 = vector.shape_cast %get3A_8 : vector<1x64x2048xf32> to vector<64x2048xf32>
    %gt3A = arith.cmpf ogt, %get3A_9, %get3A_3 : vector<64x2048xf32>
    %select_n3A = arith.select %gt3A, %get3A_9, %get3A_3 : vector<64x2048xi1>, vector<64x2048xf32>
    %broadcast_in_dim3A_10 = arith.constant 1 : i32
    %broadcast_in_dim3A_11 = vector.broadcast %broadcast_in_dim3A_10 : i32 to vector<64x2048xi32>
    %select_n3A_12 = arith.select %gt3A, %broadcast_in_dim3A_11, %broadcast_in_dim3A_4 : vector<64x2048xi1>, vector<64x2048xi32>
    %get3A_13 = arith.constant 2 : index
    %get3A_14 = arith.constant 0 : index
    %get3A_15 = arith.constant 0 : index
    %get3A_16 = vector.load %arg1[%get3A_13, %get3A_14, %get3A_15] : memref<10x64x2048xf32, #tpu.memory_space<vmem>>, vector<1x64x2048xf32>
    %get3A_17 = vector.shape_cast %get3A_16 : vector<1x64x2048xf32> to vector<64x2048xf32>
    %gt3A_18 = arith.cmpf ogt, %get3A_17, %select_n3A : vector<64x2048xf32>
    %select_n3A_19 = arith.select %gt3A_18, %get3A_17, %select_n3A : vector<64x2048xi1>, vector<64x2048xf32>
    %broadcast_in_dim3A_20 = arith.constant 2 : i32
    %broadcast_in_dim3A_21 = vector.broadcast %broadcast_in_dim3A_20 : i32 to vector<64x2048xi32>
    %select_n3A_22 = arith.select %gt3A_18, %broadcast_in_dim3A_21, %select_n3A_12 : vector<64x2048xi1>, vector<64x2048xi32>
    %get3A_23 = arith.constant 3 : index
    %get3A_24 = arith.constant 0 : index
    %get3A_25 = arith.constant 0 : index
    %get3A_26 = vector.load %arg1[%get3A_23, %get3A_24, %get3A_25] : memref<10x64x2048xf32, #tpu.memory_space<vmem>>, vector<1x64x2048xf32>
    %get3A_27 = vector.shape_cast %get3A_26 : vector<1x64x2048xf32> to vector<64x2048xf32>
    %gt3A_28 = arith.cmpf ogt, %get3A_27, %select_n3A_19 : vector<64x2048xf32>
    %select_n3A_29 = arith.select %gt3A_28, %get3A_27, %select_n3A_19 : vector<64x2048xi1>, vector<64x2048xf32>
    %broadcast_in_dim3A_30 = arith.constant 3 : i32
    %broadcast_in_dim3A_31 = vector.broadcast %broadcast_in_dim3A_30 : i32 to vector<64x2048xi32>
    %select_n3A_32 = arith.select %gt3A_28, %broadcast_in_dim3A_31, %select_n3A_22 : vector<64x2048xi1>, vector<64x2048xi32>
    %get3A_33 = arith.constant 4 : index
    %get3A_34 = arith.constant 0 : index
    %get3A_35 = arith.constant 0 : index
    %get3A_36 = vector.load %arg1[%get3A_33, %get3A_34, %get3A_35] : memref<10x64x2048xf32, #tpu.memory_space<vmem>>, vector<1x64x2048xf32>
    %get3A_37 = vector.shape_cast %get3A_36 : vector<1x64x2048xf32> to vector<64x2048xf32>
    %gt3A_38 = arith.cmpf ogt, %get3A_37, %select_n3A_29 : vector<64x2048xf32>
    %select_n3A_39 = arith.select %gt3A_38, %get3A_37, %select_n3A_29 : vector<64x2048xi1>, vector<64x2048xf32>
    %broadcast_in_dim3A_40 = arith.constant 4 : i32
    %broadcast_in_dim3A_41 = vector.broadcast %broadcast_in_dim3A_40 : i32 to vector<64x2048xi32>
    %select_n3A_42 = arith.select %gt3A_38, %broadcast_in_dim3A_41, %select_n3A_32 : vector<64x2048xi1>, vector<64x2048xi32>
    %get3A_43 = arith.constant 5 : index
    %get3A_44 = arith.constant 0 : index
    %get3A_45 = arith.constant 0 : index
    %get3A_46 = vector.load %arg1[%get3A_43, %get3A_44, %get3A_45] : memref<10x64x2048xf32, #tpu.memory_space<vmem>>, vector<1x64x2048xf32>
    %get3A_47 = vector.shape_cast %get3A_46 : vector<1x64x2048xf32> to vector<64x2048xf32>
    %gt3A_48 = arith.cmpf ogt, %get3A_47, %select_n3A_39 : vector<64x2048xf32>
    %select_n3A_49 = arith.select %gt3A_48, %get3A_47, %select_n3A_39 : vector<64x2048xi1>, vector<64x2048xf32>
    %broadcast_in_dim3A_50 = arith.constant 5 : i32
    %broadcast_in_dim3A_51 = vector.broadcast %broadcast_in_dim3A_50 : i32 to vector<64x2048xi32>
    %select_n3A_52 = arith.select %gt3A_48, %broadcast_in_dim3A_51, %select_n3A_42 : vector<64x2048xi1>, vector<64x2048xi32>
    %get3A_53 = arith.constant 6 : index
    %get3A_54 = arith.constant 0 : index
    %get3A_55 = arith.constant 0 : index
    %get3A_56 = vector.load %arg1[%get3A_53, %get3A_54, %get3A_55] : memref<10x64x2048xf32, #tpu.memory_space<vmem>>, vector<1x64x2048xf32>
    %get3A_57 = vector.shape_cast %get3A_56 : vector<1x64x2048xf32> to vector<64x2048xf32>
    %gt3A_58 = arith.cmpf ogt, %get3A_57, %select_n3A_49 : vector<64x2048xf32>
    %select_n3A_59 = arith.select %gt3A_58, %get3A_57, %select_n3A_49 : vector<64x2048xi1>, vector<64x2048xf32>
    %broadcast_in_dim3A_60 = arith.constant 6 : i32
    %broadcast_in_dim3A_61 = vector.broadcast %broadcast_in_dim3A_60 : i32 to vector<64x2048xi32>
    %select_n3A_62 = arith.select %gt3A_58, %broadcast_in_dim3A_61, %select_n3A_52 : vector<64x2048xi1>, vector<64x2048xi32>
    %get3A_63 = arith.constant 7 : index
    %get3A_64 = arith.constant 0 : index
    %get3A_65 = arith.constant 0 : index
    %get3A_66 = vector.load %arg1[%get3A_63, %get3A_64, %get3A_65] : memref<10x64x2048xf32, #tpu.memory_space<vmem>>, vector<1x64x2048xf32>
    %get3A_67 = vector.shape_cast %get3A_66 : vector<1x64x2048xf32> to vector<64x2048xf32>
    %gt3A_68 = arith.cmpf ogt, %get3A_67, %select_n3A_59 : vector<64x2048xf32>
    %broadcast_in_dim3A_69 = arith.constant 7 : i32
    %broadcast_in_dim3A_70 = vector.broadcast %broadcast_in_dim3A_69 : i32 to vector<64x2048xi32>
    %select_n3A_71 = arith.select %gt3A_68, %broadcast_in_dim3A_70, %select_n3A_62 : vector<64x2048xi1>, vector<64x2048xi32>
    %get3A_72 = arith.constant 8 : index
    %get3A_73 = arith.constant 0 : index
    %get3A_74 = arith.constant 0 : index
    %get3A_75 = vector.load %arg1[%get3A_72, %get3A_73, %get3A_74] : memref<10x64x2048xf32, #tpu.memory_space<vmem>>, vector<1x64x2048xf32>
    %get3A_76 = vector.shape_cast %get3A_75 : vector<1x64x2048xf32> to vector<64x2048xf32>
    %get3A_77 = arith.constant 9 : index
    %get3A_78 = arith.constant 0 : index
    %get3A_79 = arith.constant 0 : index
    %get3A_80 = vector.load %arg1[%get3A_77, %get3A_78, %get3A_79] : memref<10x64x2048xf32, #tpu.memory_space<vmem>>, vector<1x64x2048xf32>
    %get3A_81 = vector.shape_cast %get3A_80 : vector<1x64x2048xf32> to vector<64x2048xf32>
    %mul3A = arith.mulf %get3A_76, %get3A_76 : vector<64x2048xf32>
    %mul3A_82 = arith.mulf %get3A_81, %get3A_81 : vector<64x2048xf32>
    %add3A = arith.addf %mul3A, %mul3A_82 : vector<64x2048xf32>
    %sqrt3A = math.sqrt %add3A : vector<64x2048xf32>
    %broadcast_in_dim3A_83 = arith.constant 0.000000e+00 : f32
    %broadcast_in_dim3A_84 = vector.broadcast %broadcast_in_dim3A_83 : f32 to vector<64x2048xf32>
    %eq3A = arith.constant 0 : i32
    %eq3A_85 = vector.broadcast %eq3A : i32 to vector<64x2048xi32>
    %eq3A_86 = arith.cmpi eq, %select_n3A_71, %eq3A_85 : vector<64x2048xi32>
    %select_n3A_87 = arith.select %eq3A_86, %sqrt3A, %broadcast_in_dim3A_84 : vector<64x2048xi1>, vector<64x2048xf32>
    %swap3A = arith.constant 0 : index
    %swap3A_88 = arith.constant 0 : index
    %swap3A_89 = arith.constant 0 : index
    %swap3A_90 = vector.load %arg2[%swap3A, %swap3A_88, %swap3A_89] : memref<8x64x2048xf32, #tpu.memory_space<vmem>>, vector<1x64x2048xf32>
    %swap3A_91 = vector.shape_cast %swap3A_90 : vector<1x64x2048xf32> to vector<64x2048xf32>
    %swap3A_92 = vector.shape_cast %select_n3A_87 : vector<64x2048xf32> to vector<1x64x2048xf32>
    tpu.vector_store %arg2[%swap3A, %swap3A_88, %swap3A_89], %swap3A_92 {strides = array<i32>} : memref<8x64x2048xf32, #tpu.memory_space<vmem>>, vector<1x64x2048xf32>,
    %eq3A_93 = arith.constant 1 : i32
    %eq3A_94 = vector.broadcast %eq3A_93 : i32 to vector<64x2048xi32>
    %eq3A_95 = arith.cmpi eq, %select_n3A_71, %eq3A_94 : vector<64x2048xi32>
    %select_n3A_96 = arith.select %eq3A_95, %sqrt3A, %broadcast_in_dim3A_84 : vector<64x2048xi1>, vector<64x2048xf32>
    %swap3A_97 = arith.constant 1 : index
    %swap3A_98 = arith.constant 0 : index
    %swap3A_99 = arith.constant 0 : index
    %swap3A_100 = vector.load %arg2[%swap3A_97, %swap3A_98, %swap3A_99] : memref<8x64x2048xf32, #tpu.memory_space<vmem>>, vector<1x64x2048xf32>
    %swap3A_101 = vector.shape_cast %swap3A_100 : vector<1x64x2048xf32> to vector<64x2048xf32>
    %swap3A_102 = vector.shape_cast %select_n3A_96 : vector<64x2048xf32> to vector<1x64x2048xf32>
    tpu.vector_store %arg2[%swap3A_97, %swap3A_98, %swap3A_99], %swap3A_102 {strides = array<i32>} : memref<8x64x2048xf32, #tpu.memory_space<vmem>>, vector<1x64x2048xf32>,
    %eq3A_103 = arith.constant 2 : i32
    %eq3A_104 = vector.broadcast %eq3A_103 : i32 to vector<64x2048xi32>
    %eq3A_105 = arith.cmpi eq, %select_n3A_71, %eq3A_104 : vector<64x2048xi32>
    %select_n3A_106 = arith.select %eq3A_105, %sqrt3A, %broadcast_in_dim3A_84 : vector<64x2048xi1>, vector<64x2048xf32>
    %swap3A_107 = arith.constant 2 : index
    %swap3A_108 = arith.constant 0 : index
    %swap3A_109 = arith.constant 0 : index
    %swap3A_110 = vector.load %arg2[%swap3A_107, %swap3A_108, %swap3A_109] : memref<8x64x2048xf32, #tpu.memory_space<vmem>>, vector<1x64x2048xf32>
    %swap3A_111 = vector.shape_cast %swap3A_110 : vector<1x64x2048xf32> to vector<64x2048xf32>
    %swap3A_112 = vector.shape_cast %select_n3A_106 : vector<64x2048xf32> to vector<1x64x2048xf32>
    tpu.vector_store %arg2[%swap3A_107, %swap3A_108, %swap3A_109], %swap3A_112 {strides = array<i32>} : memref<8x64x2048xf32, #tpu.memory_space<vmem>>, vector<1x64x2048xf32>,
    %eq3A_113 = arith.constant 3 : i32
    %eq3A_114 = vector.broadcast %eq3A_113 : i32 to vector<64x2048xi32>
    %eq3A_115 = arith.cmpi eq, %select_n3A_71, %eq3A_114 : vector<64x2048xi32>
    %select_n3A_116 = arith.select %eq3A_115, %sqrt3A, %broadcast_in_dim3A_84 : vector<64x2048xi1>, vector<64x2048xf32>
    %swap3A_117 = arith.constant 3 : index
    %swap3A_118 = arith.constant 0 : index
    %swap3A_119 = arith.constant 0 : index
    %swap3A_120 = vector.load %arg2[%swap3A_117, %swap3A_118, %swap3A_119] : memref<8x64x2048xf32, #tpu.memory_space<vmem>>, vector<1x64x2048xf32>
    %swap3A_121 = vector.shape_cast %swap3A_120 : vector<1x64x2048xf32> to vector<64x2048xf32>
    %swap3A_122 = vector.shape_cast %select_n3A_116 : vector<64x2048xf32> to vector<1x64x2048xf32>
    tpu.vector_store %arg2[%swap3A_117, %swap3A_118, %swap3A_119], %swap3A_122 {strides = array<i32>} : memref<8x64x2048xf32, #tpu.memory_space<vmem>>, vector<1x64x2048xf32>,
    %eq3A_123 = arith.constant 4 : i32
    %eq3A_124 = vector.broadcast %eq3A_123 : i32 to vector<64x2048xi32>
    %eq3A_125 = arith.cmpi eq, %select_n3A_71, %eq3A_124 : vector<64x2048xi32>
    %select_n3A_126 = arith.select %eq3A_125, %sqrt3A, %broadcast_in_dim3A_84 : vector<64x2048xi1>, vector<64x2048xf32>
    %swap3A_127 = arith.constant 4 : index
    %swap3A_128 = arith.constant 0 : index
    %swap3A_129 = arith.constant 0 : index
    %swap3A_130 = vector.load %arg2[%swap3A_127, %swap3A_128, %swap3A_129] : memref<8x64x2048xf32, #tpu.memory_space<vmem>>, vector<1x64x2048xf32>
    %swap3A_131 = vector.shape_cast %swap3A_130 : vector<1x64x2048xf32> to vector<64x2048xf32>
    %swap3A_132 = vector.shape_cast %select_n3A_126 : vector<64x2048xf32> to vector<1x64x2048xf32>
    tpu.vector_store %arg2[%swap3A_127, %swap3A_128, %swap3A_129], %swap3A_132 {strides = array<i32>} : memref<8x64x2048xf32, #tpu.memory_space<vmem>>, vector<1x64x2048xf32>,
    %eq3A_133 = arith.constant 5 : i32
    %eq3A_134 = vector.broadcast %eq3A_133 : i32 to vector<64x2048xi32>
    %eq3A_135 = arith.cmpi eq, %select_n3A_71, %eq3A_134 : vector<64x2048xi32>
    %select_n3A_136 = arith.select %eq3A_135, %sqrt3A, %broadcast_in_dim3A_84 : vector<64x2048xi1>, vector<64x2048xf32>
    %swap3A_137 = arith.constant 5 : index
    %swap3A_138 = arith.constant 0 : index
    %swap3A_139 = arith.constant 0 : index
    %swap3A_140 = vector.load %arg2[%swap3A_137, %swap3A_138, %swap3A_139] : memref<8x64x2048xf32, #tpu.memory_space<vmem>>, vector<1x64x2048xf32>
    %swap3A_141 = vector.shape_cast %swap3A_140 : vector<1x64x2048xf32> to vector<64x2048xf32>
    %swap3A_142 = vector.shape_cast %select_n3A_136 : vector<64x2048xf32> to vector<1x64x2048xf32>
    tpu.vector_store %arg2[%swap3A_137, %swap3A_138, %swap3A_139], %swap3A_142 {strides = array<i32>} : memref<8x64x2048xf32, #tpu.memory_space<vmem>>, vector<1x64x2048xf32>,
    %eq3A_143 = arith.constant 6 : i32
    %eq3A_144 = vector.broadcast %eq3A_143 : i32 to vector<64x2048xi32>
    %eq3A_145 = arith.cmpi eq, %select_n3A_71, %eq3A_144 : vector<64x2048xi32>
    %select_n3A_146 = arith.select %eq3A_145, %sqrt3A, %broadcast_in_dim3A_84 : vector<64x2048xi1>, vector<64x2048xf32>
    %swap3A_147 = arith.constant 6 : index
    %swap3A_148 = arith.constant 0 : index
    %swap3A_149 = arith.constant 0 : index
    %swap3A_150 = vector.load %arg2[%swap3A_147, %swap3A_148, %swap3A_149] : memref<8x64x2048xf32, #tpu.memory_space<vmem>>, vector<1x64x2048xf32>
    %swap3A_151 = vector.shape_cast %swap3A_150 : vector<1x64x2048xf32> to vector<64x2048xf32>
    %swap3A_152 = vector.shape_cast %select_n3A_146 : vector<64x2048xf32> to vector<1x64x2048xf32>
    tpu.vector_store %arg2[%swap3A_147, %swap3A_148, %swap3A_149], %swap3A_152 {strides = array<i32>} : memref<8x64x2048xf32, #tpu.memory_space<vmem>>, vector<1x64x2048xf32>,
    %eq3A_153 = arith.constant 7 : i32
    %eq3A_154 = vector.broadcast %eq3A_153 : i32 to vector<64x2048xi32>
    %eq3A_155 = arith.cmpi eq, %select_n3A_71, %eq3A_154 : vector<64x2048xi32>
    %select_n3A_156 = arith.select %eq3A_155, %sqrt3A, %broadcast_in_dim3A_84 : vector<64x2048xi1>, vector<64x2048xf32>
    %swap3A_157 = arith.constant 7 : index
    %swap3A_158 = arith.constant 0 : index
    %swap3A_159 = arith.constant 0 : index
    %swap3A_160 = vector.load %arg2[%swap3A_157, %swap3A_158, %swap3A_159] : memref<8x64x2048xf32, #tpu.memory_space<vmem>>, vector<1x64x2048xf32>
    %swap3A_161 = vector.shape_cast %swap3A_160 : vector<1x64x2048xf32> to vector<64x2048xf32>
    %swap3A_162 = vector.shape_cast %select_n3A_156 : vector<64x2048xf32> to vector<1x64x2048xf32>
    tpu.vector_store %arg2[%swap3A_157, %swap3A_158, %swap3A_159], %swap3A_162 {strides = array<i32>} : memref<8x64x2048xf32, #tpu.memory_space<vmem>>, vector<1x64x2048xf32>,
    return
  }
  func.func @transform_0(%arg0: i32) -> (i32, i32, i32) {
    %c0_i32 = arith.constant 0 : i32
    %c0_i32_0 = arith.constant 0 : i32
    %c0_i32_1 = arith.constant 0 : i32
    return %c0_i32, %arg0, %c0_i32_0 : i32, i32, i32
  }
  func.func @transform_1(%arg0: i32) -> (i32, i32, i32) {
    %c0_i32 = arith.constant 0 : i32
    %c0_i32_0 = arith.constant 0 : i32
    %c0_i32_1 = arith.constant 0 : i32
    return %c0_i32, %arg0, %c0_i32_0 : i32, i32, i32
  }
}

</mosaic_0001>

<sc_bundles>
// kernel: _run.4.cloned.1.call-start
scs
__scs_entry_jumppad:
0x0: {  	(pc) =	sbr.rel $0x88, $3  }
0x1: {  	(tag) =	ssettag $0x0;
	lr =	simm.s32 $0x1  }
0x2: {  	[smem:$0x3FA0] =	sst lr;
	_ =	strace $0xD0000000  }
0x3: {  	_ = 	snop  }
0x4: {  	_ = 	snop  }
0x5: {  	_ = 	snop  }
0x6: {  	_ = 	snop  }
0x7: {  	_ = 	snop  }
__scs_overlays_trampoline_lowered:
0x8: {  	[smem:$0x3FAF] =	sst s0  }
0x9: {  	[smem:$0x3FB0] =	sst s1  }
0xa: {  	[smem:$0x3FB1] =	sst s2  }
0xb: {  	[smem:$0x3FB2] =	sst s3  }
0xc: {  	[smem:$0x3FB3] =	sst s4  }
0xd: {  	[smem:$0x3FB4] =	sst s5  }
0xe: {  	[smem:$0x3FB5] =	sst s6  }
0xf: {  	[smem:$0x3FB6] =	sst s7  }
0x10: {  	[smem:$0x3FB7] =	sst s8  }
0x11: {  	[smem:$0x3FB8] =	sst s9;
	s0 =	simm.s32 @!p0 $0x0  }
0x12: {  	s1 =	sld [smem:$0x3F9E];
	s0 =	simm.s32 @p0 $0x1  }
0x13: {  	[smem:$0x3FB9] =	sst s0;
	s0 =	simm.s32 @!p1 $0x0  }
0x14: {  	s2 =	sld [smem:$0x3F9D];
	s0 =	simm.s32 @p1 $0x1  }
0x15: {  	[smem:$0x3FBA] =	sst s0;
	s0 =	simm.s32 @!p2 $0x0  }
0x16: {  	s3 =	sld [smem:$0x3FDB];
	s0 =	simm.s32 @p2 $0x1  }
0x17: {  	s4 =	simm.s32 $0x1BF5;
	[smem:$0x3FBC] =	sst s0  }
0x18: {  	s0 =	sld [smem:$0x3F9F];
	_ =	swait.ge [sflag:s4], $0x0  }
0x19: {  	s7 =	sld [smem:$0x3FA0]  }
0x1a: {  	s8 =	sadd.s32 $0xFFFFE003, lr  }
0x1b: {  	s9 =	sadd.s32 $0xFFFFFEF7, lr;
	s5 =	simm.s32 $0xFFFFFFFF;
	p2 =	slt.u32 s8, $0xFFFFF086  }
0x1c: {  	p1 =	slt.u32 s9, $0xF7A;
	s5 =	simm.s32 @!p2 $0x0  }
0x1d: {  	s5 =	simm.s32 @p1 $0x1;
	p0 =	seq.s32 s7, s2  }
0x1e: {  	s7 =	smul.u32 @!p0 $0xF7A, s2;
	p2 =	seq.s32 @!p0 s5, $0x0  }
0x1f: {  	s9 =	smul.u32 $0xF7A, s1;
	s8 =	simm.s32 @!p0 $0x1BF5;
	p2 =	por !p2, p0  }
0x20: {  	[sflag:s8] =	ssyncset.s32 @!p0 $0xFFFFF086;
	s6 =	sadd.s32 @!p0 s3, s7;
	s7 =	simm.s32 @!p0 $0x108  }
0x21: {  	s3 =	sadd.s32 s3, s9;
	s6 =	sadd.s32 @!p0 $0x88, s6;
	s7 =	simm.s32 @p2 $0x1082  }
0x22: {  	[simem:s7], [sflag:s8] =	dma.local @!p0 [hbm:s6], $0xF7A  }
0x23: {  	s9 =	sor.u32 $0xD0000000, s2;
	s6 =	simm.s32 $0x108;
	_ =	swait.ge @!p0 [sflag:s8], $0x0  }
0x24: {  	s3 =	sadd.s32 $0x88, s3;
	s6 =	simm.s32 @!p1 $0x1082;
	[sflag:s4] =	ssyncset.s32 $0xFFFFF086  }
0x25: {  	[simem:s6], [sflag:s4] =	dma.local [hbm:s3], $0xF7A  }
0x26: {  	[smem:$0x3FA0] =	sst s1;
	(tag) =	ssettag s2;
	_ =	strace s9  }
0x27: {  	s1 =	sld [smem:$0x3FB0]  }
0x28: {  	s2 =	sld [smem:$0x3FB1]  }
0x29: {  	s4 =	sld [smem:$0x3FB3]  }
0x2a: {  	p0 =	seq.s32 s5, $0x0;
	s5 =	sld [smem:$0x3FB4]  }
0x2b: {  	s6 =	sld [smem:$0x3FB5]  }
0x2c: {  	s7 =	sld [smem:$0x3FB6]  }
0x2d: {  	s3 =	simm.s32 $0x108;
	s8 =	sld [smem:$0x3FB7]  }
0x2e: {  	s3 =	simm.s32 @!p0 $0x1082;
	s9 =	sld [smem:$0x3FB8]  }
0x2f: {  	lr =	sadd.s32 s0, s3;
	s0 =	sld [smem:$0x3FAF]  }
0x30: {  	s3 =	sld [smem:$0x3FB2]  }
0x31: {  	[smem:$0x3FBB] =	sst s10  }
0x32: {  	s10 =	sld [smem:$0x3FB9];
	_ =	sdelay $0x3  }
0x33: {  	p0 =	seq.s32 s10, $0x1;
	s10 =	sld [smem:$0x3FBB];
	_ =	sdelay $0x3  }
0x34: {  	[smem:$0x3FBB] =	sst s10  }
0x35: {  	s10 =	sld [smem:$0x3FBA];
	_ =	sdelay $0x3  }
0x36: {  	p1 =	seq.s32 s10, $0x1;
	s10 =	sld [smem:$0x3FBB];
	_ =	sdelay $0x3  }
0x37: {  	[smem:$0x3FBB] =	sst s10  }
0x38: {  	s10 =	sld [smem:$0x3FBC]  }
0x39: {  	_ = 	snop;
	(pc) =	sbr.ind lr, $3  }
0x3a: {  	_ = 	snop  }
0x3b: {  	_ = 	snop  }
0x3c: {  	p2 =	seq.s32 s10, $0x1;
	s10 =	sld [smem:$0x3FBB]  }
0x3d: {  	_ =	shalt  }
0x3e: {  	_ =	shalt  }
0x3f: {  	_ =	shalt  }
0x40: {  	_ =	shalt  }
0x41: {  	_ =	shalt  }
0x42: {  	_ =	shalt  }
0x43: {  	_ =	shalt  }
0x44: {  	_ =	shalt  }
0x45: {  	_ =	shalt  }
0x46: {  	_ =	shalt  }
0x47: {  	_ =	shalt  }
0x48: {  	_ =	shalt  }
0x49: {  	_ =	shalt  }
0x4a: {  	_ =	shalt  }
0x4b: {  	_ =	shalt  }
0x4c: {  	_ =	shalt  }
0x4d: {  	_ =	shalt  }
0x4e: {  	_ =	shalt  }
0x4f: {  	_ =	shalt  }
0x50: {  	_ =	shalt  }
0x51: {  	_ =	shalt  }
0x52: {  	_ =	shalt  }
0x53: {  	_ =	shalt  }
0x54: {  	_ =	shalt  }
0x55: {  	_ =	shalt  }
0x56: {  	_ =	shalt  }
0x57: {  	_ =	shalt  }
0x58: {  	_ =	shalt  }
0x59: {  	_ =	shalt  }
0x5a: {  	_ =	shalt  }
0x5b: {  	_ =	shalt  }
0x5c: {  	_ =	shalt  }
0x5d: {  	_ =	shalt  }
0x5e: {  	_ =	shalt  }
0x5f: {  	_ =	shalt  }
0x60: {  	_ =	shalt  }
0x61: {  	_ =	shalt  }
0x62: {  	_ =	shalt  }
0x63: {  	_ =	shalt  }
0x64: {  	_ =	shalt  }
0x65: {  	_ =	shalt  }
0x66: {  	_ =	shalt  }
0x67: {  	_ =	shalt  }
0x68: {  	_ =	shalt  }
0x69: {  	_ =	shalt  }
0x6a: {  	_ =	shalt  }
0x6b: {  	_ =	shalt  }
0x6c: {  	_ =	shalt  }
0x6d: {  	_ =	shalt  }
0x6e: {  	_ =	shalt  }
0x6f: {  	_ =	shalt  }
0x70: {  	_ =	shalt  }
0x71: {  	_ =	shalt  }
0x72: {  	_ =	shalt  }
0x73: {  	_ =	shalt  }
0x74: {  	_ =	shalt  }
0x75: {  	_ =	shalt  }
0x76: {  	_ =	shalt  }
0x77: {  	_ =	shalt  }
0x78: {  	_ =	shalt  }
0x79: {  	_ =	shalt  }
0x7a: {  	_ =	shalt  }
0x7b: {  	_ =	shalt  }
0x7c: {  	_ =	shalt  }
0x7d: {  	_ =	shalt  }
0x7e: {  	_ =	shalt  }
0x7f: {  	_ =	shalt  }
0x80: {  	_ =	shalt  }
0x81: {  	_ =	shalt  }
0x82: {  	_ =	shalt  }
0x83: {  	_ =	shalt  }
0x84: {  	_ =	shalt  }
0x85: {  	_ =	shalt  }
0x86: {  	_ =	shalt  }
0x87: {  	_ =	shalt  }
.Lfunc_end0:
.L_simem_size_0:
called_computation_lowered:
.L_overlay_start_0:
0x88: {  	s2 =	sld [smem:$0x3FD9]  }
0x89: {  	s3 =	sld [smem:$0x3FFE];
	_ =	sdelay $0x1  }
0x8a: {  	s1 =	srdreg.scid  }
0x8b: {  	s0 =	sand.u32 $0x1, s1  }
0x8c: {  	s17 =	sshll.u32 s0, $0xA;
	s2 =	sadd.s32 s3, s2  }
0x8d: {  	s2 =	sadd.s32 s2, s17  }
0x8e: {  	[smem:$0x3FC7] =	sst s2  }
0x8f: {  	_ = 	snop  }
0x90: {  	s2 =	sld [smem:$0x3FC9];
	(tm) =	ssettm $0x1  }
0x91: {  	s18 =	sld [smem:$0x3FFB];
	_ =	sdelay $0x3  }
0x92: {  	_ =	strace s18  }
0x93: {  	s3 =	sld [smem:$0x3FFC];
	_ =	sdelay $0x3  }
0x94: {  	_ =	strace s3  }
0x95: {  	s3 =	sld [smem:$0x3FFD];
	_ =	sdelay $0x3  }
0x96: {  	_ =	strace s3  }
0x97: {  	_ =	strace $0x8FFFFFFF  }
0x98: {  	s19 =	sld [smem:$0x3FDB];
	_ =	sdelay $0x1  }
0x99: {  	s4 =	simm.s32 $_scs_section_size  }
0x9a: {  	s5 =	simm.s32 $_size__tile_overlayer_lowered;
	s6 =	simm.s32 $_tile_overlayer_lowered  }
0x9b: {  	s22 =	simm.s32 $0x1BFF;
	s21 =	sshll.u32 s6, $0x1;
	s3 =	sadd.s32 s4, s19  }
0x9c: {  	s7 =	simm.s32 $0x0;
	s20 =	sshll.u32 s5, $0x1;
	s5 =	sadd.s32 s21, s3  }
0x9d: {  	[timem:s7], [sflag:s22] =	dma.local [hbm:s5], s20  }
0x9e: {  	_ =	swait.ge [sflag:s22], s20  }
0x9f: {  	s4 =	ssub.s32 $0x0, s20;
	[sflag:s22] =	ssyncset.done $0x0  }
0xa0: {  	[sflag:s22] =	ssyncadd.s32 s4;
	_ =	sdelay $0x1  }
0xa1: {  	s23 =	simm.s32 $0x1B8B  }
0xa2: {  	_ =	swait.ge [sflag:s23], $0x1  }
0xa3: {  	[sflag:s23] =	ssyncset.done $0x0  }
0xa4: {  	s25 =	simm.s32 $0x1B8E;
	s24 =	sld [smem:$0x3FFE];
	[sflag:s23] =	ssyncadd.s32 $0xFFFFFFFF  }
0xa5: {  	s26 =	simm.s32 $execute0_lowered;
	[smem:$0x3FD2] =	sst s25  }
0xa6: {  	s5 =	sshll.u32 s26, $0x1;
	_ =	strace $0x80000046;
	[dreg:$0x1] =	wrdreg $0xFFFFFFFF  }
0xa7: {  	s28 =	simm.s32 $_size_execute0_lowered;
	s3 =	sadd.s32 s3, s5;
	[dreg:$0x0] =	wrdreg $0x0  }
0xa8: {  	s5 =	sshll.u32 s28, $0x1;
	[dreg:$0x2] =	wrdreg s3  }
0xa9: {  	[dreg:$0x3] =	wrdreg s5  }
0xaa: {  	[dreg:$0x4] =	wrdreg $0xC0  }
0xab: {  	_ =	task [dreg:s7], $0x5FFFF  }
0xac: {  	[dreg:$0x1] =	wrdreg $0xFFFFFFFF  }
0xad: {  	[dreg:$0x0] =	wrdreg $0x60  }
0xae: {  	[dreg:$0x2] =	wrdreg s2  }
0xaf: {  	[dreg:$0x3] =	wrdreg s24  }
0xb0: {  	[dreg:$0x4] =	wrdreg $0x9  }
0xb1: {  	_ =	task.clear_ibuf [dreg:s7], $0x5FFFF;
	_ =	strace $0x90000046  }
0xb2: {  	s29 =	simm.s32 $0x9;
	_ =	strace $0x80000048  }
0xb3: {  	_ =	swait.ge [sflag:s29], $0x1  }
0xb4: {  	[sflag:s29] =	ssyncadd.s32 $0xFFFFFFFF  }
0xb5: {  	_ =	strace $0x90000048  }
0xb6: {  	_ =	sfence  }
0xb7: {  	s30 =	sld [smem:$0x0];
	_ =	sdelay $0x2  }
0xb8: {  	s31 =	sshll.u32 s1, $0xD;
	s1 =	sshrl.u32 s1, $0x2  }
0xb9: {  	s3 =	sand.u32 $0x4000, s31;
	s1 =	sadd.s32 s1, s30  }
0xba: {  	s0 =	sor.u32 s3, s0;
	s1 =	sshll.u32 s1, $0x11  }
0xbb: {  	s0 =	sor.u32 s1, s0  }
0xbc: {  	s0 =	sadd.s32 $0x8F2B, s0  }
0xbd: {  	[sflag:s0] =	ssyncadd.remote.s32 $0x1  }
0xbe: {  	_ =	sfence.sel $0xFFFF  }
0xbf: {  	[dreg:$0x0] =	wrdreg $0xFFFFFFFF;
	(pc) =	sbr.abs _section_cstart, $3  }
0xc0: {  	[dreg:$0x1] =	wrdreg $0xFFFFFFFF  }
0xc1: {  	_ =	task.clear_ibuf [dreg:s7], $0x2FFFF;
	_ =	strace $0x9FFFFFFF  }
0xc2: {  	(tm) =	ssettm $0x7FFFFFFF  }
0xc3: {  	_ =	shalt  }
tec
execute0_lowered:
.L_overlay_start_1:
0x0: {  	(tag) =	ssettag $0x1  }
0x1: {  	s0 =	rddreg [dreg:$0x0];
	s3 =	simm.s32 $0x0;
	s2 =	srdreg.scid  }
0x2: {  	s5 =	stileid.u32;
	[smem:$0x7FF] =	sst s3;
	s2 =	sand.u32 $0x1, s2  }
0x3: {  	s3 =	sshll.u32 s2, $0x2;
	s6 =	ssub.s32 $0x2, s2;
	s2 =	sshll.u32 s2, $0x6  }
0x4: {  	s4 =	sshll.u32 s5, $0x3;
	s5 =	sshll.u32 s5, $0xB;
	s2 =	sadd.s32 s2, s0  }
0x5: {  	s7 =	sshrl.u32 s6, $0x1;
	s2 =	sadd.s32 s5, s2  }
0x6: {  	s1 =	rddreg [dreg:$0x1];
	s9 =	ssub.s32 s6, s7;
	s31 =	sadd.s32 $0x78000, s2  }
0x7: {  	_ =	strace $0x80000047;
	s9 =	smax.u32 s9, $0x1;
	[dreg:$0x3] =	wrdreg s31  }
0x8: {  	s29 =	simm.s32 $0x80;
	s11 =	sadd.s32 $0xF8000, s2;
	[dreg:$0x5] =	wrdreg s9  }
0x9: {  	s30 =	simm.s32 $0x400;
	s12 =	sadd.s32 $0x178000, s2;
	[dreg:$0x6] =	wrdreg s11  }
0xa: {  	s1 =	sadd.s32 s5, s1;
	s13 =	sadd.s32 $0x1F8000, s2;
	[dreg:$0x7] =	wrdreg s12  }
0xb: {  	s4 =	sor.u32 s3, s4;
	s14 =	sadd.s32 $0x278000, s2;
	[dreg:$0x8] =	wrdreg s13  }
0xc: {  	s8 =	sor.u32 $0x781, s4;
	s15 =	sadd.s32 $0x2F8000, s2;
	[dreg:$0x9] =	wrdreg s14  }
0xd: {  	s25 =	sshll.u32 s8, $0x4;
	s16 =	sadd.s32 $0x378000, s2;
	[dreg:$0xa] =	wrdreg s15  }
0xe: {  	s26 =	sshll.u32 s8, $0x8;
	s17 =	sadd.s32 $0x3F8000, s2;
	[dreg:$0xb] =	wrdreg s16  }
0xf: {  	s18 =	sadd.s32 $0x478000, s2;
	s19 =	sadd.s32 $0x4F8000, s2;
	[dreg:$0xc] =	wrdreg s17  }
0x10: {  	s2 =	simm.s32 $0x1;
	s6 =	sand.u32 $0x50, s25;
	[dreg:$0xd] =	wrdreg s18  }
0x11: {  	s28 =	sand.u32 $0x7F800, s26;
	[dreg:$0xe] =	wrdreg s19;
	s13 =	simm.s32 $0x2  }
0x12: {  	s17 =	simm.s32 $0xF800;
	s18 =	simm.s32 $0x10000;
	s6 =	sadd.s32 s0, s6  }
0x13: {  	s19 =	simm.s32 $0x10800;
	s10 =	sadd.s32 s28, s6;
	s6 =	sor.u32 $0x782, s4  }
0x14: {  	s4 =	sor.u32 $0x783, s4;
	s20 =	sadd.s32 $0x80000, s10;
	[dreg:$0x4] =	wrdreg s10  }
0x15: {  	s7 =	sshll.u32 s6, $0x8;
	s21 =	sadd.s32 $0x100000, s10;
	[dreg:$0xf] =	wrdreg s20  }
0x16: {  	s5 =	sshll.u32 s6, $0x4;
	s22 =	sadd.s32 $0x180000, s10;
	[dreg:$0x10] =	wrdreg s21  }
0x17: {  	s8 =	sshll.u32 s4, $0x4;
	s23 =	sadd.s32 $0x200000, s10;
	[dreg:$0x11] =	wrdreg s22  }
0x18: {  	s4 =	sshll.u32 s4, $0x8;
	s24 =	sadd.s32 $0x280000, s10;
	[dreg:$0x12] =	wrdreg s23  }
0x19: {  	s25 =	sadd.s32 $0x300000, s10;
	s26 =	sadd.s32 $0x380000, s10;
	[dreg:$0x13] =	wrdreg s24  }
0x1a: {  	s28 =	sadd.s32 $0x400000, s10;
	s31 =	sadd.s32 $0x480000, s10;
	[dreg:$0x14] =	wrdreg s25  }
0x1b: {  	s6 =	sand.u32 $0x7F800, s7;
	s5 =	sand.u32 $0x60, s5;
	[dreg:$0x15] =	wrdreg s26  }
0x1c: {  	s7 =	sand.u32 $0x70, s8;
	s4 =	sand.u32 $0x7F800, s4;
	[dreg:$0x16] =	wrdreg s28  }
0x1d: {  	[dreg:$0x17] =	wrdreg s31;
	s20 =	simm.s32 $0x11000;
	s21 =	simm.s32 $0x11800  }
0x1e: {  	s5 =	sadd.s32 s0, s5;
	s0 =	sadd.s32 s0, s7;
	s7 =	sadd.s32 $0x400, s1  }
0x1f: {  	v0 =	vimm.s32 $0x0;
	s6 =	sadd.s32 s6, s5;
	s8 =	sadd.s32 s4, s0;
	s4 =	simm.s32 $0x0  }
.LBB2_1:
0x20: {  	[dreg:$0x18] =	wrdreg s4  }
0x21: {  	s0 =	simm.s32 $0x0;
	s1 =	rddreg [dreg:$0x3]  }
0x22: {  	[tilespmem:s0], [sflag:$0x1] =	stream.strided.gather [hbm4b:s1+s29], $0x800, s30, s29, $0x38;
	[tilespmem:$0x12000] =	vst v63  }
0x23: {  	s23 =	rddreg [dreg:$0x6];
	s24 =	simm.s32 $0x800  }
0x24: {  	[tilespmem:s24], [sflag:$0x1] =	stream.strided.gather [hbm4b:s23+s29], $0x800, s30, s29, $0x38;
	[tilespmem:$0x12000] =	vst v63  }
0x25: {  	s25 =	rddreg [dreg:$0x7];
	s26 =	simm.s32 $0x1000  }
0x26: {  	[tilespmem:s26], [sflag:$0x1] =	stream.strided.gather [hbm4b:s25+s29], $0x800, s30, s29, $0x38;
	[tilespmem:$0x12000] =	vst v63  }
0x27: {  	s28 =	rddreg [dreg:$0x8];
	s31 =	simm.s32 $0x1800  }
0x28: {  	[tilespmem:s31], [sflag:$0x1] =	stream.strided.gather [hbm4b:s28+s29], $0x800, s30, s29, $0x38;
	[tilespmem:$0x12000] =	vst v63  }
0x29: {  	s4 =	rddreg [dreg:$0x9];
	s5 =	simm.s32 $0x2000  }
0x2a: {  	[tilespmem:s5], [sflag:$0x1] =	stream.strided.gather [hbm4b:s4+s29], $0x800, s30, s29, $0x38;
	[tilespmem:$0x12000] =	vst v63  }
0x2b: {  	s9 =	rddreg [dreg:$0xa];
	s10 =	simm.s32 $0x2800  }
0x2c: {  	[tilespmem:s10], [sflag:$0x1] =	stream.strided.gather [hbm4b:s9+s29], $0x800, s30, s29, $0x38;
	[tilespmem:$0x12000] =	vst v63  }
0x2d: {  	s11 =	rddreg [dreg:$0xb];
	s12 =	simm.s32 $0x3000  }
0x2e: {  	[tilespmem:s12], [sflag:$0x1] =	stream.strided.gather [hbm4b:s11+s29], $0x800, s30, s29, $0x38;
	[tilespmem:$0x12000] =	vst v63  }
0x2f: {  	s14 =	rddreg [dreg:$0xc];
	s15 =	simm.s32 $0x3800  }
0x30: {  	[tilespmem:s15], [sflag:$0x1] =	stream.strided.gather [hbm4b:s14+s29], $0x800, s30, s29, $0x38;
	[tilespmem:$0x12000] =	vst v63  }
0x31: {  	s16 =	rddreg [dreg:$0xd];
	s22 =	simm.s32 $0x4000  }
0x32: {  	[tilespmem:s22], [sflag:$0x1] =	stream.strided.gather [hbm4b:s16+s29], $0x800, s30, s29, $0x38;
	[tilespmem:$0x12000] =	vst v63  }
0x33: {  	s23 =	rddreg [dreg:$0xe];
	s24 =	simm.s32 $0x4800  }
0x34: {  	[tilespmem:s24], [sflag:$0x1] =	stream.strided.gather [hbm4b:s23+s29], $0x800, s30, s29, $0x38;
	[tilespmem:$0x12000] =	vst v63  }
0x35: {  	s25 =	rddreg [dreg:$0x4];
	s26 =	simm.s32 $0x5000  }
0x36: {  	[tilespmem:s26], [sflag:$0x2] =	stream.strided.gather [hbm4b:s25+s29], $0x800, s30, s29, $0x38;
	[tilespmem:$0x12000] =	vst v63  }
0x37: {  	s28 =	rddreg [dreg:$0xf];
	s31 =	simm.s32 $0x5800  }
0x38: {  	[tilespmem:s31], [sflag:$0x2] =	stream.strided.gather [hbm4b:s28+s29], $0x800, s30, s29, $0x38;
	[tilespmem:$0x12000] =	vst v63  }
0x39: {  	s4 =	rddreg [dreg:$0x10];
	s5 =	simm.s32 $0x6000  }
0x3a: {  	[tilespmem:s5], [sflag:$0x2] =	stream.strided.gather [hbm4b:s4+s29], $0x800, s30, s29, $0x38;
	[tilespmem:$0x12000] =	vst v63  }
0x3b: {  	s9 =	rddreg [dreg:$0x11];
	s10 =	simm.s32 $0x6800  }
0x3c: {  	[tilespmem:s10], [sflag:$0x2] =	stream.strided.gather [hbm4b:s9+s29], $0x800, s30, s29, $0x38;
	[tilespmem:$0x12000] =	vst v63  }
0x3d: {  	s11 =	rddreg [dreg:$0x12];
	s12 =	simm.s32 $0x7000  }
0x3e: {  	[tilespmem:s12], [sflag:$0x2] =	stream.strided.gather [hbm4b:s11+s29], $0x800, s30, s29, $0x38;
	[tilespmem:$0x12000] =	vst v63  }
0x3f: {  	s14 =	rddreg [dreg:$0x13];
	s15 =	simm.s32 $0x7800  }
0x40: {  	[tilespmem:s15], [sflag:$0x2] =	stream.strided.gather [hbm4b:s14+s29], $0x800, s30, s29, $0x38;
	[tilespmem:$0x12000] =	vst v63  }
0x41: {  	s16 =	rddreg [dreg:$0x14];
	s22 =	simm.s32 $0x8000  }
0x42: {  	[tilespmem:s22], [sflag:$0x2] =	stream.strided.gather [hbm4b:s16+s29], $0x800, s30, s29, $0x38;
	[tilespmem:$0x12000] =	vst v63  }
0x43: {  	p2 =	por $0x1, $0x1;
	s23 =	rddreg [dreg:$0x15];
	s24 =	simm.s32 $0x8800  }
0x44: {  	[tilespmem:s24], [sflag:$0x2] =	stream.strided.gather [hbm4b:s23+s29], $0x800, s30, s29, $0x38;
	[tilespmem:$0x12000] =	vst v63  }
0x45: {  	p1 =	por $0x0, $0x0;
	s25 =	rddreg [dreg:$0x16];
	s26 =	simm.s32 $0x9000  }
0x46: {  	[tilespmem:s26], [sflag:$0x2] =	stream.strided.gather [hbm4b:s25+s29], $0x800, s30, s29, $0x38;
	[tilespmem:$0x12000] =	vst v63  }
0x47: {  	s28 =	rddreg [dreg:$0x17];
	s31 =	simm.s32 $0x9800;
	s25 =	simm.s32 $0x0  }
0x48: {  	[tilespmem:s31], [sflag:$0x2] =	stream.strided.gather [hbm4b:s28+s29], $0x800, s30, s29, $0x38;
	[tilespmem:$0x12000] =	vst v63  }
.LBB2_2:
0x49: {  	_ =	swait.ge [sflag:s2], $0x5000  }
0x4a: {  	[sflag:s2] =	ssyncset.done $0x0  }
0x4b: {  	s0 =	simm.s32 @p1 $0x3;
	[sflag:s2] =	ssyncadd.s32 $0xFFFFB000  }
0x4c: {  	_ =	swait.ge @p1 [sflag:s0], $0x4000  }
0x4d: {  	[sflag:s0] =	ssyncset.done @p1 $0x0  }
0x4e: {  	s1 =	simm.s32 $0x2000;
	[sflag:s0] =	ssyncadd.s32 @p1 $0xFFFFC000  }
0x4f: {  	v1 =	vld [tilespmem:s1+$0xFFFFE000]  }
0x50: {  	v2 =	vld [tilespmem:s1+$0xFFFFE800];
	_ =	sdelay $0x1  }
0x51: {  	v3 =	vld [tilespmem:s1+$0xFFFFF000];
	_ =	sdelay $0x1  }
0x52: {  	v4 =	vld [tilespmem:s1+$0xFFFFF800]  }
0x53: {  	vm0 =	vgt.f32 v2, v1  }
0x54: {  	v1 =	vsel vm0, v2, v1;
	v2 =	vld [tilespmem:s1+$0x0]  }
0x55: {  	vm1 =	vgt.f32 v3, v1  }
0x56: {  	v1 =	vsel vm1, v3, v1;
	v3 =	vld [tilespmem:s1+$0x800]  }
0x57: {  	vm2 =	vgt.f32 v4, v1  }
0x58: {  	v1 =	vsel vm2, v4, v1;
	v4 =	vld [tilespmem:s1+$0x1000]  }
0x59: {  	vm3 =	vgt.f32 v2, v1  }
0x5a: {  	s26 =	simm.s32 $0x0;
	v1 =	vsel vm3, v2, v1;
	v2 =	vld [tilespmem:s1+$0x1800]  }
0x5b: {  	s12 =	sand.u32 $0x780, s26;
	s5 =	sand.u32 $0x40, s26;
	vm4 =	vgt.f32 v3, v1  }
0x5c: {  	s14 =	sor.u32 $0x30, s5;
	s23 =	sor.u32 $0x4800, s12;
	v5 =	vsel vm0, $0x1, v0;
	v1 =	vsel vm4, v3, v1  }
0x5d: {  	s22 =	sor.u32 $0x4000, s12;
	s15 =	sor.u32 s14, s23;
	v5 =	vsel vm1, $0x2, v5;
	vm0 =	vgt.f32 v4, v1  }
0x5e: {  	s24 =	sor.u32 s14, s22;
	v6 =	vld [tilespmem:s15+$0x0];
	v5 =	vsel vm2, $0x3, v5;
	v1 =	vsel vm0, v4, v1  }
0x5f: {  	v5 =	vsel vm3, $0x4, v5;
	v3 =	vld [tilespmem:s24+$0x0];
	vm1 =	vgt.f32 v2, v1  }
0x60: {  	s28 =	sor.u32 s5, s22;
	v2 =	vsel vm4, $0x5, v5;
	vm7 =	vmneg vm1  }
0x61: {  	v7 =	vimm.s32 $0x0;
	s16 =	sor.u32 $0x10, s5;
	s31 =	sor.u32 s5, s23;
	v4 =	vld [tilespmem:s28+$0x0];
	v2 =	vsel vm0, $0x6, v2;
	vm0 =	vmand vm0, vm7  }
0x62: {  	s28 =	sor.u32 s16, s22;
	v1 =	vld [tilespmem:s31+$0x0];
	v7 =	vsel vm0, $0xFFFFFFFF, v7  }
0x63: {  	v10 =	vimm.s32 $0x0;
	s5 =	sor.u32 $0x20, s5;
	s31 =	sor.u32 s16, s23;
	v5 =	vld [tilespmem:s28+$0x0];
	v8 =	vnsel vm7, $0x7, v2;
	[tilespmem:$0x1FF90] =	vst v7  }
0x64: {  	s22 =	sor.u32 s5, s22;
	v2 =	vmul.f32 v3, v3;
	v3 =	vmul.f32 v6, v6;
	vm0 =	veq.s32 v8, $0x2;
	v7 =	vld [tilespmem:s31+$0x0]  }
0x65: {  	s23 =	sor.u32 s5, s23;
	v10 =	vsel vm0, $0xFFFFFFFF, v10;
	v9 =	vld [tilespmem:s22+$0x0]  }
0x66: {  	vm0 =	veq.s32 v8, $0x4;
	v6 =	vld [tilespmem:s23+$0x0];
	[tilespmem:$0x1FF70] =	vst v10;
	v10 =	vadd.f32 v3, v2;
	v2 =	vimm.s32 $0x0  }
0x67: {  	v4 =	vmul.f32 v4, v4;
	v1 =	vmul.f32 v1, v1;
	v2 =	vsel vm0, $0xFFFFFFFF, v2  }
0x68: {  	s28 =	sor.u32 s12, s5;
	s5 =	sor.u32 s12, s14;
	[tilespmem:$0x1FF80] =	vst v2  }
0x69: {  	vm6 =	veq.s32 v8, $0x0;
	vm3 =	veq.s32 v8, $0x1;
	v2 =	vadd.f32 v1, v4;
	v22 =	vld [tilespmem:s5+$0x0]  }
0x6a: {  	vm4 =	veq.s32 v8, $0x3;
	v3 =	vmul.f32 v5, v5;
	v4 =	vmax.f32 v10, $1.000000000e-30;
	v23 =	vld [tilespmem:s5+$0x800]  }
0x6b: {  	v12 =	vmax.f32 v2, $1.000000000e-30;
	v1 =	vmul.f32 v7, v7;
	v5 =	vmul.f32 v9, v9  }
0x6c: {  	s22 =	sor.u32 s12, s16;
	v28 =	vld [tilespmem:s5+$0x1000];
	v7 =	vshra.s32 v4, $0x1;
	v9 =	vmul.f32 $5.000000000e-01, v4;
	v14 =	vshra.s32 v12, $0x1  }
0x6d: {  	v11 =	vld [tilespmem:s22+$0x0];
	v3 =	vadd.f32 v1, v3;
	v1 =	vmul.f32 v6, v6;
	v6 =	vsub.s32 $0x5F3759DF, v7  }
0x6e: {  	vm5 =	veq.s32 v8, $0x5;
	v13 =	vld [tilespmem:s28+$0x0];
	v14 =	vsub.s32 $0x5F3759DF, v14;
	v8 =	vmul.f32 v6, v9  }
0x6f: {  	v7 =	vld [tilespmem:s22+$0x800];
	vm15 =	vgt.f32 v23, v22;
	v15 =	vmax.f32 v3, $1.000000000e-30;
	v4 =	vadd.f32 v1, v5  }
0x70: {  	v17 =	vld [tilespmem:s22+$0x1000];
	v5 =	vmul.f32 $5.000000000e-01, v12;
	v32 =	vsel vm15, v23, v22;
	v24 =	vshra.s32 v15, $0x1  }
0x71: {  	v1 =	vld [tilespmem:s28+$0x800];
	v8 =	vmul.f32 v6, v8;
	v15 =	vmul.f32 $5.000000000e-01, v15;
	vm12 =	vgt.f32 v28, v32  }
0x72: {  	v16 =	vmax.f32 v4, $1.000000000e-30;
	v20 =	vmul.f32 v14, v5;
	v12 =	vsub.s32 $0x5F3759DF, v24  }
0x73: {  	v18 =	vshra.s32 v16, $0x1;
	v16 =	vmul.f32 $5.000000000e-01, v16;
	v8 =	vsub.f32 $1.500000000e+00, v8  }
0x74: {  	v19 =	vld [tilespmem:s28+$0x1000];
	vm8 =	vgt.f32 v7, v11;
	v21 =	vmul.f32 v12, v15;
	v18 =	vsub.s32 $0x5F3759DF, v18  }
0x75: {  	v7 =	vsel vm8, v7, v11;
	v6 =	vmul.f32 v6, v8;
	v8 =	vmul.f32 v14, v20  }
0x76: {  	vm0 =	vgt.f32 v1, v13;
	v25 =	vmul.f32 v18, v16;
	vm14 =	vgt.f32 v17, v7  }
0x77: {  	v11 =	vmul.f32 v12, v21;
	v1 =	vsel vm0, v1, v13;
	v7 =	vsel vm14, v17, v7  }
0x78: {  	v42 =	vsel vm0, $0x1, v0;
	v26 =	vmul.f32 v6, v9;
	v8 =	vsub.f32 $1.500000000e+00, v8  }
0x79: {  	v29 =	vld [tilespmem:s5+$0x1800];
	v27 =	vmul.f32 v18, v25;
	v11 =	vsub.f32 $1.500000000e+00, v11;
	vm11 =	vgt.f32 v19, v1  }
0x7a: {  	v19 =	vsel vm11, v19, v1;
	v1 =	vsel vm8, $0x1, v0;
	v21 =	vmul.f32 v26, v6  }
0x7b: {  	v33 =	vld [tilespmem:s5+$0x2000];
	v46 =	vsel vm11, $0x2, v42;
	v8 =	vmul.f32 v14, v8;
	v13 =	vsub.f32 $1.500000000e+00, v27  }
0x7c: {  	v37 =	vld [tilespmem:s5+$0x2800];
	v11 =	vmul.f32 v12, v11;
	v44 =	vsel vm14, $0x2, v1;
	v30 =	vsub.f32 $1.500000000e+00, v21  }
0x7d: {  	v25 =	vld [tilespmem:s28+$0x1800];
	v31 =	vmul.f32 v8, v5;
	v13 =	vmul.f32 v18, v13;
	v18 =	vsel vm12, v28, v32  }
0x7e: {  	v34 =	vmul.f32 v11, v15;
	vm10 =	vgt.f32 v29, v18;
	v6 =	vmul.f32 v30, v6  }
0x7f: {  	v35 =	vmul.f32 v31, v8;
	v36 =	vmul.f32 v13, v16;
	v14 =	vsel vm10, v29, v18  }
0x80: {  	v38 =	vld [tilespmem:s5+$0x3000];
	v23 =	vmul.f32 v34, v11;
	vm9 =	vgt.f32 v33, v14;
	v9 =	vmul.f32 v6, v9  }
0x81: {  	v12 =	vsub.f32 $1.500000000e+00, v35;
	v21 =	vmul.f32 v36, v13;
	v14 =	vsel vm9, v33, v14  }
0x82: {  	v40 =	vld [tilespmem:s5+$0x3800];
	vm14 =	vgt.f32 v25, v19;
	v23 =	vsub.f32 $1.500000000e+00, v23;
	vm8 =	vgt.f32 v37, v14  }
0x83: {  	v24 =	vld [tilespmem:s22+$0x1800];
	v9 =	vmul.f32 v9, v6;
	v39 =	vsub.f32 $1.500000000e+00, v21;
	v8 =	vmul.f32 v12, v8  }
0x84: {  	v11 =	vmul.f32 v23, v11;
	v41 =	vsel vm8, v37, v14;
	v12 =	vsel vm14, $0x3, v46  }
0x85: {  	vm2 =	vgt.f32 v38, v41;
	v9 =	vsub.f32 $1.500000000e+00, v9;
	v13 =	vmul.f32 v39, v13  }
0x86: {  	v43 =	vld [tilespmem:s22+$0x2000];
	v1 =	vsel vm2, v38, v41;
	v5 =	vmul.f32 v8, v5;
	v15 =	vmul.f32 v11, v15  }
0x87: {  	v45 =	vld [tilespmem:s28+$0x2000];
	vm11 =	vgt.f32 v40, v1;
	v6 =	vmul.f32 v9, v6;
	v9 =	vsel vm15, $0x1, v0  }
0x88: {  	v47 =	vld [tilespmem:s22+$0x2800];
	vm15 =	vgt.f32 v24, v7;
	v16 =	vmul.f32 v13, v16;
	v5 =	vmul.f32 v5, v8  }
0x89: {  	v49 =	vld [tilespmem:s22+$0x3000];
	v15 =	vmul.f32 v15, v11;
	v7 =	vsel vm15, v24, v7;
	v9 =	vsel vm12, $0x2, v9  }
0x8a: {  	v20 =	vsel vm15, $0x3, v44;
	v1 =	vmul.f32 v6, v10;
	v6 =	vld [tilespmem:s28+$0x2800];
	v10 =	vsel vm14, v25, v19  }
0x8b: {  	v50 =	vld [tilespmem:s28+$0x3000];
	vm12 =	vgt.f32 v43, v7;
	v9 =	vsel vm10, $0x3, v9;
	v16 =	vmul.f32 v16, v13  }
0x8c: {  	v51 =	vld [tilespmem:s22+$0x3800];
	v5 =	vsub.f32 $1.500000000e+00, v5;
	vm15 =	vgt.f32 v45, v10;
	v7 =	vsel vm12, v43, v7  }
0x8d: {  	v9 =	vsel vm9, $0x4, v9;
	v10 =	vsel vm15, v45, v10;
	vm0 =	vgt.f32 v47, v7  }
0x8e: {  	v52 =	vld [tilespmem:s28+$0x3800];
	v54 =	vsub.f32 $1.500000000e+00, v16;
	v12 =	vsel vm15, $0x4, v12;
	v7 =	vsel vm0, v47, v7  }
0x8f: {  	v5 =	vmul.f32 v5, v8;
	vm14 =	vgt.f32 v49, v7;
	vm10 =	vgt.f32 v6, v10  }
0x90: {  	v9 =	vsel vm8, $0x5, v9;
	v7 =	vsel vm14, v49, v7;
	v6 =	vsel vm10, v6, v10  }
0x91: {  	v10 =	vsel vm12, $0x4, v20;
	vm9 =	vgt.f32 v51, v7;
	vm15 =	vgt.f32 v50, v6  }
0x92: {  	v8 =	vsel vm0, $0x5, v10;
	vm9 =	vmneg vm9;
	v6 =	vsel vm15, v50, v6  }
0x93: {  	v8 =	vsel vm14, $0x6, v8;
	vm0 =	vgt.f32 v52, v6;
	v6 =	vmul.f32 v54, v13  }
0x94: {  	v5 =	vmul.f32 v5, v2;
	v8 =	vnsel vm9, $0x7, v8;
	vm8 =	vmneg vm0  }
0x95: {  	vm0 =	veq.s32 v8, $0x1;
	v2 =	vmul.f32 v6, v4;
	v4 =	vimm.s32 $0x0  }
0x96: {  	v4 =	vsel vm0, $0xFFFFFFFF, v4  }
0x97: {  	v53 =	vsub.f32 $1.500000000e+00, v15;
	[tilespmem:$0x1FFA0] =	vst v4;
	v4 =	vld [tilespmem:$0x1FF70];
	_ =	sdelay $0x1  }
0x98: {  	v7 =	vmul.f32 v53, v11;
	_ =	sdelay $0x1  }
0x99: {  	vm11 =	vmneg vm11;
	v3 =	vmul.f32 v7, v3  }
0x9a: {  	v7 =	vsel vm2, $0x6, v9;
	vm0 =	vmand vm2, vm11;
	vm2 =	vnez.u8 v4;
	v4 =	vld [tilespmem:$0x1FF80];
	_ =	sdelay $0x4  }
0x9b: {  	v59 =	vnsel vm2, $0x0, v5;
	vm2 =	vnez.u8 v4;
	v4 =	vld [tilespmem:$0x1FF90];
	_ =	sdelay $0x2  }
0x9c: {  	v48 =	vsel vm11, $0x0, v1;
	v10 =	vsel vm10, $0x5, v12  }
0x9d: {  	v10 =	vsel vm15, $0x6, v10;
	[tilespmem:s5+$0xD800] =	vst v48  }
0x9e: {  	v55 =	vnsel vm8, $0x7, v10;
	v10 =	vnsel vm2, $0x0, v5;
	vm2 =	vnez.u8 v4;
	v4 =	vld [tilespmem:$0x1FFA0]  }
0x9f: {  	v57 =	vnsel vm6, $0x0, v5;
	v58 =	vnsel vm3, $0x0, v5  }
0xa0: {  	v11 =	vnsel vm4, $0x0, v5;
	v9 =	vnsel vm5, $0x0, v5;
	v56 =	vnsel vm11, $0x7, v7  }
0xa1: {  	vm1 =	veq.s32 v8, $0x0;
	vm13 =	veq.s32 v8, $0x2;
	vm10 =	veq.s32 v8, $0x3  }
0xa2: {  	vm12 =	veq.s32 v8, $0x5;
	v6 =	vsel vm7, $0x0, v5;
	v7 =	vnsel vm1, $0x0, v3  }
0xa3: {  	vm11 =	veq.s32 v8, $0x4;
	v8 =	vnsel vm2, $0x0, v5;
	vm1 =	vnez.u8 v4  }
0xa4: {  	v4 =	vimm.s32 $0x0;
	v5 =	vnsel vm1, $0x0, v3;
	vm1 =	veq.s32 v56, $0x0  }
0xa5: {  	v60 =	vimm.s32 $0x0;
	v4 =	vsel vm1, $0xFFFFFFFF, v4;
	vm1 =	veq.s32 v56, $0x1  }
0xa6: {  	[tilespmem:$0x1FFB0] =	vst v4;
	v12 =	vsel vm1, $0xFFFFFFFF, v60  }
0xa7: {  	v61 =	vimm.s32 $0x0;
	s23 =	simm.s32 $0xC000;
	[tilespmem:$0x1FFC0] =	vst v12  }
0xa8: {  	v62 =	vimm.s32 $0x0;
	v63 =	vimm.s32 $0x0;
	vm14 =	vmand vm14, vm9;
	[tilespmem:s23+$0xFFFFE000] =	vst v57  }
0xa9: {  	vm4 =	veq.s32 v55, $0x0;
	vm3 =	veq.s32 v55, $0x1;
	vm1 =	veq.s32 v56, $0x3;
	[tilespmem:s23+$0xFFFFE800] =	vst v58  }
0xaa: {  	vm5 =	veq.s32 v55, $0x2;
	v12 =	vsel vm1, $0xFFFFFFFF, v61;
	vm1 =	veq.s32 v56, $0x4;
	[tilespmem:s23+$0xFFFFF000] =	vst v59  }
0xab: {  	vm6 =	veq.s32 v55, $0x3;
	[tilespmem:$0x1FFD0] =	vst v12;
	v12 =	vsel vm1, $0xFFFFFFFF, v62;
	vm1 =	veq.s32 v56, $0x5  }
0xac: {  	vm7 =	veq.s32 v55, $0x5;
	vm2 =	veq.s32 v55, $0x4;
	[tilespmem:$0x1FFE0] =	vst v12;
	v12 =	vsel vm1, $0xFFFFFFFF, v63  }
0xad: {  	p0 =	por p2, p2;
	s24 =	simm.s32 $0x0;
	s31 =	simm.s32 $0x2040;
	v4 =	vnsel vm13, $0x0, v3;
	vm13 =	vmand vm15, vm8;
	vm15 =	veq.s32 v56, $0x2;
	[tilespmem:$0x1FFF0] =	vst v12  }
.LBB2_3:
0xae: {  	v12 =	vld [tilespmem:s31+$0xFFFFE000]  }
0xaf: {  	[tilespmem:s23+$0xFFFFF800] =	vst v11;
	v24 =	vld [tilespmem:$0x1FFD0]  }
0xb0: {  	v15 =	vld [tilespmem:s31+$0xFFFFE800];
	[tilespmem:s23+$0x0] =	vst v10  }
0xb1: {  	v25 =	vld [tilespmem:$0x1FFE0];
	[tilespmem:s23+$0x800] =	vst v9  }
0xb2: {  	v19 =	vld [tilespmem:s31+$0xFFFFF000]  }
0xb3: {  	[tilespmem:s23+$0x1800] =	vst v6;
	v6 =	vld [tilespmem:$0x1FFB0]  }
0xb4: {  	v22 =	vld [tilespmem:$0x1FFC0]  }
0xb5: {  	[tilespmem:s22+$0xA800] =	vst v5;
	v5 =	vld [tilespmem:$0x1FFF0]  }
0xb6: {  	[tilespmem:s22+$0xA000] =	vst v7  }
0xb7: {  	v7 =	vnsel vm15, $0x0, v1;
	[tilespmem:s23+$0x1000] =	vst v8;
	v8 =	vnsel vm2, $0x0, v2;
	vm1 =	vnez.u8 v24  }
0xb8: {  	v24 =	vnsel vm1, $0x0, v1;
	vm1 =	vnez.u8 v25;
	vm2 =	vnez.u8 v6  }
0xb9: {  	v23 =	vld [tilespmem:s31+$0xFFFFF800];
	v25 =	vnsel vm1, $0x0, v1;
	v6 =	vnsel vm2, $0x0, v1;
	vm2 =	vnez.u8 v22  }
0xba: {  	vm1 =	vgt.f32 v15, v12;
	v22 =	vnsel vm2, $0x0, v1;
	vm2 =	vnez.u8 v5  }
0xbb: {  	v26 =	vnsel vm0, $0x0, v1;
	v53 =	vld [tilespmem:s31+$0x0];
	v5 =	vnsel vm2, $0x0, v1;
	v1 =	vsel vm1, v15, v12  }
0xbc: {  	v11 =	vnsel vm10, $0x0, v3;
	[tilespmem:s22+$0xB000] =	vst v4;
	vm2 =	vgt.f32 v19, v1  }
0xbd: {  	v13 =	vnsel vm11, $0x0, v3;
	[tilespmem:s22+$0xB800] =	vst v11;
	v4 =	vld [tilespmem:s31+$0x800];
	v1 =	vsel vm2, v19, v1  }
0xbe: {  	v14 =	vnsel vm12, $0x0, v3;
	s26 =	sadd.s32 $0x40, s26;
	[tilespmem:s22+$0xC000] =	vst v13;
	vm0 =	vgt.f32 v23, v1  }
0xbf: {  	v10 =	vnsel vm14, $0x0, v3;
	[tilespmem:s22+$0xC800] =	vst v14;
	s0 =	sand.u32 $0x780, s26;
	s4 =	sand.u32 $0x40, s26;
	v1 =	vsel vm0, v23, v1  }
0xc0: {  	v3 =	vsel vm9, $0x0, v3;
	v9 =	vnsel vm3, $0x0, v2;
	[tilespmem:s22+$0xD000] =	vst v10;
	s1 =	sor.u32 $0x30, s4;
	s9 =	sor.u32 $0x4800, s0;
	vm3 =	vgt.f32 v53, v1  }
0xc1: {  	[tilespmem:s22+$0xD800] =	vst v3;
	s22 =	sor.u32 $0x4000, s0;
	s16 =	sor.u32 s1, s9;
	v1 =	vsel vm3, v53, v1  }
0xc2: {  	v16 =	vnsel vm4, $0x0, v2;
	s10 =	sor.u32 s1, s22;
	v10 =	vld [tilespmem:s16+$0x0];
	vm4 =	vgt.f32 v4, v1  }
0xc3: {  	v1 =	vsel vm4, v4, v1;
	v4 =	vld [tilespmem:s10+$0x0];
	[tilespmem:s5+$0xA000] =	vst v6  }
0xc4: {  	[tilespmem:s5+$0xA800] =	vst v22  }
0xc5: {  	[tilespmem:s5+$0xB000] =	vst v7  }
0xc6: {  	v11 =	vld [tilespmem:s31+$0x1000];
	[tilespmem:s5+$0xB800] =	vst v24  }
0xc7: {  	[tilespmem:s5+$0xC000] =	vst v25  }
0xc8: {  	v3 =	vld [tilespmem:s31+$0x1800];
	[tilespmem:s5+$0xC800] =	vst v5  }
0xc9: {  	v17 =	vnsel vm5, $0x0, v2;
	v18 =	vnsel vm6, $0x0, v2;
	[tilespmem:s5+$0xD000] =	vst v26;
	s5 =	sor.u32 s0, s1  }
0xca: {  	v20 =	vnsel vm7, $0x0, v2;
	v21 =	vnsel vm13, $0x0, v2;
	[tilespmem:s28+$0xA800] =	vst v9;
	v9 =	vsel vm1, $0x1, v0;
	v27 =	vld [tilespmem:s5+$0x0]  }
0xcb: {  	v57 =	vimm.s32 $0x0;
	[tilespmem:s28+$0xA000] =	vst v16;
	s14 =	sor.u32 s4, s22;
	v9 =	vsel vm2, $0x2, v9;
	vm1 =	vgt.f32 v11, v1;
	v28 =	vld [tilespmem:s5+$0x800]  }
0xcc: {  	[tilespmem:s28+$0xB000] =	vst v17;
	v2 =	vsel vm8, $0x0, v2;
	s11 =	sor.u32 $0x10, s4;
	s12 =	sor.u32 $0x20, s4;
	s4 =	sor.u32 s4, s9;
	v9 =	vsel vm0, $0x3, v9;
	v1 =	vsel vm1, v11, v1;
	v11 =	vld [tilespmem:s14+$0x0]  }
0xcd: {  	s15 =	sor.u32 s11, s22;
	[tilespmem:s28+$0xC000] =	vst v8;
	v8 =	vsel vm3, $0x4, v9;
	v9 =	vimm.s32 $0x0;
	s14 =	sor.u32 s12, s22;
	s22 =	sor.u32 s0, s11;
	vm0 =	vgt.f32 v3, v1;
	v1 =	vld [tilespmem:s4+$0x0]  }
0xce: {  	[tilespmem:s28+$0xB800] =	vst v18;
	v3 =	vsel vm4, $0x5, v8;
	v8 =	vimm.s32 $0x0;
	v13 =	vld [tilespmem:s22+$0x0];
	vm0 =	vmneg vm0  }
0xcf: {  	[tilespmem:s28+$0xC800] =	vst v20;
	v7 =	vld [tilespmem:s22+$0x800];
	v3 =	vsel vm1, $0x6, v3;
	v8 =	vsel vm0, $0xFFFFFFFF, v8;
	vm1 =	vmand vm1, vm0  }
0xd0: {  	[tilespmem:s28+$0xD800] =	vst v2;
	v47 =	vld [tilespmem:s5+$0x1000];
	v54 =	vnsel vm0, $0x7, v3;
	v2 =	vmul.f32 v4, v4;
	v4 =	vmul.f32 v10, v10  }
0xd1: {  	[tilespmem:s28+$0xD000] =	vst v21;
	v5 =	vld [tilespmem:s22+$0x1000];
	v10 =	vimm.s32 $0x0;
	v9 =	vsel vm1, $0xFFFFFFFF, v9;
	vm0 =	veq.s32 v54, $0x0  }
0xd2: {  	v3 =	vld [tilespmem:s14+$0x0];
	[tilespmem:$0x1FF30] =	vst v8;
	vm3 =	vgt.f32 v28, v27;
	v6 =	vmul.f32 v11, v11;
	v10 =	vsel vm0, $0xFFFFFFFF, v10  }
0xd3: {  	v8 =	vld [tilespmem:s15+$0x0];
	vm0 =	veq.s32 v54, $0x1;
	v50 =	vsel vm3, v28, v27;
	[tilespmem:$0x1FEB0] =	vst v10;
	v10 =	vimm.s32 $0x0  }
0xd4: {  	v60 =	vld [tilespmem:s22+$0x1800];
	v11 =	vmul.f32 v1, v1;
	v1 =	vimm.s32 $0x0;
	vm13 =	vgt.f32 v7, v13  }
0xd5: {  	vm5 =	vgt.f32 v47, v50;
	v10 =	vsel vm0, $0xFFFFFFFF, v10;
	vm0 =	veq.s32 v54, $0x2  }
0xd6: {  	s10 =	sor.u32 s11, s9;
	v36 =	vld [tilespmem:s22+$0x2000];
	[tilespmem:$0x1FF20] =	vst v9;
	v7 =	vsel vm13, v7, v13;
	v1 =	vsel vm0, $0xFFFFFFFF, v1;
	vm0 =	veq.s32 v54, $0x3  }
0xd7: {  	v9 =	vld [tilespmem:s10+$0x0];
	v55 =	vmul.f32 v3, v3;
	vm1 =	vgt.f32 v5, v7;
	[tilespmem:$0x1FEE0] =	vst v1;
	v1 =	vadd.f32 v4, v2  }
0xd8: {  	v2 =	vimm.s32 $0x0;
	v4 =	vmul.f32 v8, v8;
	v5 =	vsel vm1, v5, v7  }
0xd9: {  	s9 =	sor.u32 s12, s9;
	v41 =	vld [tilespmem:s22+$0x2800];
	[tilespmem:$0x1FEC0] =	vst v10;
	v2 =	vsel vm0, $0xFFFFFFFF, v2;
	vm0 =	veq.s32 v54, $0x4;
	vm10 =	vgt.f32 v60, v5  }
0xda: {  	v10 =	vld [tilespmem:s9+$0x0];
	[tilespmem:$0x1FEF0] =	vst v2;
	v2 =	vimm.s32 $0x0;
	v5 =	vsel vm10, v60, v5;
	v60 =	vimm.s32 $0x0  }
0xdb: {  	s16 =	sor.u32 s0, s12;
	v2 =	vsel vm0, $0xFFFFFFFF, v2;
	vm0 =	veq.s32 v54, $0x5;
	vm14 =	vgt.f32 v36, v5  }
0xdc: {  	s28 =	smov.u32 s16;
	[tilespmem:$0x1FF00] =	vst v2;
	v2 =	vadd.f32 v11, v6;
	v6 =	vmul.f32 v9, v9;
	v9 =	vmax.f32 v1, $1.000000000e-30  }
0xdd: {  	v8 =	vld [tilespmem:s28+$0x0];
	v12 =	vsel vm0, $0xFFFFFFFF, v57;
	v5 =	vsel vm14, v36, v5;
	v56 =	vshra.s32 v9, $0x1  }
0xde: {  	v11 =	vld [tilespmem:s28+$0x800];
	v9 =	vmul.f32 $5.000000000e-01, v9;
	vm8 =	vgt.f32 v41, v5;
	v3 =	vadd.f32 v6, v4  }
0xdf: {  	v4 =	vmul.f32 v10, v10;
	v6 =	vsub.s32 $0x5F3759DF, v56;
	v10 =	vmax.f32 v2, $1.000000000e-30  }
0xe0: {  	v5 =	vsel vm8, v41, v5;
	v15 =	vmul.f32 v6, v9;
	v59 =	vshra.s32 v10, $0x1  }
0xe1: {  	v10 =	vmul.f32 $5.000000000e-01, v10;
	v61 =	vmax.f32 v3, $1.000000000e-30;
	v4 =	vadd.f32 v4, v55  }
0xe2: {  	v16 =	vsub.s32 $0x5F3759DF, v59;
	v62 =	vshra.s32 v61, $0x1;
	v15 =	vmul.f32 v6, v15  }
0xe3: {  	v58 =	vld [tilespmem:s28+$0x1000];
	v18 =	vmul.f32 $5.000000000e-01, v61;
	v40 =	vmul.f32 v16, v10;
	vm15 =	vgt.f32 v11, v8  }
0xe4: {  	v37 =	vmax.f32 v4, $1.000000000e-30;
	v14 =	vsub.s32 $0x5F3759DF, v62;
	v15 =	vsub.f32 $1.500000000e+00, v15  }
0xe5: {  	v63 =	vld [tilespmem:s28+$0x1800];
	v8 =	vsel vm15, v11, v8;
	v61 =	vsel vm15, $0x1, v0;
	v62 =	vsel vm3, $0x1, v0  }
0xe6: {  	v39 =	vshra.s32 v37, $0x1;
	v21 =	vmul.f32 $5.000000000e-01, v37;
	v6 =	vmul.f32 v6, v15  }
0xe7: {  	v38 =	vld [tilespmem:s28+$0x2000];
	v42 =	vmul.f32 v14, v18;
	v43 =	vmul.f32 v16, v40;
	v23 =	vsub.s32 $0x5F3759DF, v39  }
0xe8: {  	vm2 =	vgt.f32 v58, v8;
	v44 =	vmul.f32 v23, v21;
	v29 =	vmul.f32 v6, v9  }
0xe9: {  	v46 =	vld [tilespmem:s28+$0x2800];
	v8 =	vsel vm2, v58, v8;
	v45 =	vmul.f32 v14, v42;
	v15 =	vsub.f32 $1.500000000e+00, v43  }
0xea: {  	vm11 =	vgt.f32 v63, v8;
	v11 =	vmul.f32 v23, v44;
	v29 =	vmul.f32 v29, v6  }
0xeb: {  	v49 =	vld [tilespmem:s28+$0x3000];
	v8 =	vsel vm11, v63, v8;
	v13 =	vsub.f32 $1.500000000e+00, v45;
	v15 =	vmul.f32 v16, v15  }
0xec: {  	v48 =	vld [tilespmem:s5+$0x1800];
	vm9 =	vgt.f32 v38, v8;
	v11 =	vsub.f32 $1.500000000e+00, v11;
	v29 =	vsub.f32 $1.500000000e+00, v29  }
0xed: {  	v8 =	vsel vm9, v38, v8;
	v13 =	vmul.f32 v14, v13;
	v31 =	vmul.f32 v15, v10  }
0xee: {  	v51 =	vld [tilespmem:s5+$0x2000];
	vm12 =	vgt.f32 v46, v8;
	v11 =	vmul.f32 v23, v11;
	v6 =	vmul.f32 v29, v6  }
0xef: {  	v8 =	vsel vm12, v46, v8;
	v32 =	vmul.f32 v13, v18;
	v53 =	vmul.f32 v31, v15  }
0xf0: {  	v55 =	vld [tilespmem:s5+$0x2800];
	v23 =	vsel vm5, v47, v50;
	vm15 =	vgt.f32 v49, v8;
	v9 =	vmul.f32 v6, v9  }
0xf1: {  	vm4 =	vgt.f32 v48, v23;
	v8 =	vsel vm15, v49, v8;
	v54 =	vmul.f32 v11, v21  }
0xf2: {  	v56 =	vld [tilespmem:s5+$0x3000];
	v32 =	vmul.f32 v32, v13;
	v16 =	vsel vm4, v48, v23;
	v9 =	vmul.f32 v9, v6  }
0xf3: {  	v29 =	vsub.f32 $1.500000000e+00, v53;
	vm7 =	vgt.f32 v51, v16;
	v31 =	vmul.f32 v54, v11  }
0xf4: {  	v57 =	vld [tilespmem:s5+$0x3800];
	v32 =	vsub.f32 $1.500000000e+00, v32;
	v16 =	vsel vm7, v51, v16;
	v9 =	vsub.f32 $1.500000000e+00, v9  }
0xf5: {  	v58 =	vmul.f32 v29, v15;
	vm6 =	vgt.f32 v55, v16;
	v7 =	vsub.f32 $1.500000000e+00, v31  }
0xf6: {  	v13 =	vmul.f32 v32, v13;
	v59 =	vsel vm6, v55, v16;
	v6 =	vmul.f32 v9, v6  }
0xf7: {  	vm0 =	vgt.f32 v56, v59;
	v7 =	vmul.f32 v7, v11;
	v11 =	vimm.s32 $0x0  }
0xf8: {  	v30 =	vld [tilespmem:s22+$0x3000];
	v9 =	vsel vm0, v56, v59;
	v1 =	vmul.f32 v6, v1;
	v6 =	vmul.f32 v58, v10  }
0xf9: {  	v11 =	vsel vm0, $0xFFFFFFFF, v11;
	vm0 =	vgt.f32 v57, v9;
	v9 =	vmul.f32 v13, v18  }
0xfa: {  	vm0 =	vmneg vm0;
	v10 =	vmul.f32 v7, v21;
	v6 =	vmul.f32 v6, v58  }
0xfb: {  	v16 =	vsel vm5, $0x2, v62;
	[tilespmem:$0x1FEA0] =	vst v11;
	v15 =	vsel vm0, $0xFFFFFFFF, v60;
	v9 =	vmul.f32 v9, v13  }
0xfc: {  	v52 =	vld [tilespmem:s22+$0x3800];
	v11 =	vsel vm0, $0x0, v1;
	[tilespmem:$0x1FED0] =	vst v15;
	v10 =	vmul.f32 v10, v7;
	v6 =	vsub.f32 $1.500000000e+00, v6  }
0xfd: {  	v15 =	vsel vm2, $0x2, v61;
	[tilespmem:s5+$0xD800] =	vst v11;
	v11 =	vsel vm13, $0x1, v0;
	vm13 =	vgt.f32 v30, v5  }
0xfe: {  	v33 =	vld [tilespmem:s28+$0x3800];
	v9 =	vsub.f32 $1.500000000e+00, v9;
	v11 =	vsel vm1, $0x2, v11;
	v6 =	vmul.f32 v6, v58  }
0xff: {  	v15 =	vsel vm11, $0x3, v15;
	v10 =	vsub.f32 $1.500000000e+00, v10;
	v11 =	vsel vm10, $0x3, v11  }
0x100: {  	v5 =	vsel vm13, v30, v5;
	v11 =	vsel vm14, $0x4, v11;
	v6 =	vmul.f32 v6, v2;
	v2 =	vld [tilespmem:$0x1FEA0]  }
0x101: {  	vm1 =	vgt.f32 v52, v5;
	v5 =	vmul.f32 v9, v13;
	v9 =	vsel vm8, $0x5, v11  }
0x102: {  	v15 =	vsel vm9, $0x4, v15;
	vm9 =	vmneg vm1;
	v9 =	vsel vm13, $0x6, v9  }
0x103: {  	vm2 =	vgt.f32 v33, v8;
	v7 =	vmul.f32 v10, v7;
	v9 =	vnsel vm9, $0x7, v9  }
0x104: {  	v63 =	vsel vm4, $0x3, v16;
	vm8 =	vmneg vm2;
	vm1 =	veq.s32 v9, $0x0  }
0x105: {  	vm2 =	vnez.u8 v2;
	v2 =	vmul.f32 v7, v4;
	v4 =	vimm.s32 $0x0  }
0x106: {  	v14 =	vsel vm7, $0x4, v63;
	v4 =	vsel vm1, $0xFFFFFFFF, v4  }
0x107: {  	v10 =	vsel vm6, $0x5, v14;
	vm1 =	veq.s32 v9, $0x1;
	[tilespmem:$0x1FF40] =	vst v4;
	v4 =	vimm.s32 $0x0  }
0x108: {  	v3 =	vmul.f32 v5, v3;
	v5 =	vsel vm2, $0x6, v10;
	v4 =	vsel vm1, $0xFFFFFFFF, v4  }
0x109: {  	[tilespmem:$0x1FF50] =	vst v4;
	v4 =	vnsel vm0, $0x7, v5;
	vm0 =	veq.s32 v9, $0x2;
	v5 =	vimm.s32 $0x0  }
0x10a: {  	v5 =	vsel vm0, $0xFFFFFFFF, v5  }
0x10b: {  	vm1 =	veq.s32 v4, $0x0;
	[tilespmem:$0x1FF60] =	vst v5;
	v5 =	vimm.s32 $0x0  }
0x10c: {  	v5 =	vsel vm1, $0xFFFFFFFF, v5  }
0x10d: {  	vm1 =	veq.s32 v4, $0x1;
	[tilespmem:$0x1FFB0] =	vst v5;
	v5 =	vimm.s32 $0x0  }
0x10e: {  	v5 =	vsel vm1, $0xFFFFFFFF, v5  }
0x10f: {  	vm14 =	veq.s32 v4, $0x3;
	[tilespmem:$0x1FFC0] =	vst v5;
	v5 =	vimm.s32 $0x0  }
0x110: {  	v8 =	vsel vm12, $0x5, v15;
	v5 =	vsel vm14, $0xFFFFFFFF, v5  }
0x111: {  	v8 =	vsel vm15, $0x6, v8;
	vm14 =	veq.s32 v4, $0x4;
	[tilespmem:$0x1FFD0] =	vst v5;
	v5 =	vimm.s32 $0x0  }
0x112: {  	vm1 =	veq.s32 v4, $0x2;
	v5 =	vsel vm14, $0xFFFFFFFF, v5;
	vm14 =	vmand vm13, vm9  }
0x113: {  	vm13 =	vmand vm15, vm8;
	vm15 =	veq.s32 v4, $0x5;
	v4 =	vimm.s32 $0x0  }
0x114: {  	v4 =	vsel vm15, $0xFFFFFFFF, v4  }
0x115: {  	[tilespmem:$0x1FFF0] =	vst v4;
	v4 =	vld [tilespmem:$0x1FEB0];
	_ =	sdelay $0x1  }
0x116: {  	[tilespmem:$0x1FFE0] =	vst v5;
	v5 =	vld [tilespmem:$0x1FEC0]  }
0x117: {  	v7 =	vld [tilespmem:$0x1FED0];
	_ =	sdelay $0x1  }
0x118: {  	vm15 =	vnez.u8 v4  }
0x119: {  	s23 =	sadd.s32 $0x40, s23;
	v4 =	vnsel vm15, $0x0, v6  }
0x11a: {  	vm15 =	vnez.u8 v5;
	[tilespmem:s23+$0xFFFFE000] =	vst v4;
	v4 =	vld [tilespmem:$0x1FEE0]  }
0x11b: {  	v5 =	vnsel vm15, $0x0, v6;
	vm15 =	vnez.u8 v7;
	v7 =	vld [tilespmem:$0x1FEF0]  }
0x11c: {  	v8 =	vnsel vm8, $0x7, v8  }
0x11d: {  	vm3 =	veq.s32 v8, $0x4  }
0x11e: {  	vm0 =	veq.s32 v8, $0x1;
	vm15 =	vmand vm2, vm15;
	vm2 =	vmmov vm3  }
0x11f: {  	vm3 =	vmmov vm0;
	vm0 =	vmmov vm15;
	vm15 =	vnez.u8 v4  }
0x120: {  	[tilespmem:$0x1FF10] =	vst v12;
	v4 =	vnsel vm15, $0x0, v6;
	vm15 =	vnez.u8 v7;
	v7 =	vld [tilespmem:$0x1FF00]  }
0x121: {  	[tilespmem:s23+$0xFFFFE800] =	vst v5;
	v5 =	vld [tilespmem:$0x1FF10];
	_ =	sdelay $0x3  }
0x122: {  	v11 =	vnsel vm15, $0x0, v6;
	vm15 =	vnez.u8 v7  }
0x123: {  	v10 =	vnsel vm15, $0x0, v6;
	vm15 =	vnez.u8 v5;
	v5 =	vld [tilespmem:$0x1FF20];
	_ =	sdelay $0x3  }
0x124: {  	vm10 =	veq.s32 v9, $0x3;
	vm11 =	veq.s32 v9, $0x4  }
0x125: {  	vm12 =	veq.s32 v9, $0x5;
	v9 =	vnsel vm15, $0x0, v6;
	vm15 =	vnez.u8 v5;
	v5 =	vld [tilespmem:$0x1FF30]  }
0x126: {  	[tilespmem:s23+$0xFFFFF000] =	vst v4;
	v4 =	vld [tilespmem:$0x1FF40];
	_ =	sdelay $0x2  }
0x127: {  	vm4 =	veq.s32 v8, $0x0;
	vm5 =	veq.s32 v8, $0x2;
	vm6 =	veq.s32 v8, $0x3  }
0x128: {  	vm7 =	veq.s32 v8, $0x5;
	v8 =	vnsel vm15, $0x0, v6;
	vm15 =	vnez.u8 v5  }
0x129: {  	v6 =	vsel vm15, $0x0, v6;
	vm15 =	vmmov vm1;
	vm1 =	vnez.u8 v4;
	v4 =	vld [tilespmem:$0x1FF50];
	_ =	sdelay $0x4  }
0x12a: {  	s24 =	sadd.s32 $0x4, s24;
	v7 =	vnsel vm1, $0x0, v3;
	vm1 =	vnez.u8 v4;
	v4 =	vld [tilespmem:$0x1FF60]  }
0x12b: {  	p2 =	slt.u32 s24, $0x7C  }
.Ltmp0:
0x12c: {  	_ = 	snop;
	(pc) =	sbr.rel @p2 .LBB2_3-.Ltmp0, $3  }
0x12d: {  	_ =	sdelay $0x1  }
0x12e: {  	v5 =	vnsel vm1, $0x0, v3;
	vm1 =	vnez.u8 v4  }
0x12f: {  	s31 =	sadd.s32 $0x40, s31;
	v4 =	vnsel vm1, $0x0, v3  }
0x130: {  	[tilespmem:s23+$0xFFFFF800] =	vst v11  }
0x131: {  	[tilespmem:s23+$0x0] =	vst v10  }
0x132: {  	[tilespmem:s23+$0x800] =	vst v9  }
0x133: {  	[tilespmem:s23+$0x1000] =	vst v8  }
0x134: {  	[tilespmem:s23+$0x1800] =	vst v6  }
0x135: {  	[tilespmem:s22+$0xA000] =	vst v7  }
0x136: {  	[tilespmem:s22+$0xA800] =	vst v5  }
0x137: {  	v5 =	vnsel vm10, $0x0, v3;
	[tilespmem:s22+$0xB000] =	vst v4  }
0x138: {  	v4 =	vnsel vm11, $0x0, v3;
	[tilespmem:s22+$0xB800] =	vst v5  }
0x139: {  	v5 =	vnsel vm12, $0x0, v3;
	[tilespmem:s22+$0xC000] =	vst v4  }
0x13a: {  	v4 =	vnsel vm14, $0x0, v3;
	[tilespmem:s22+$0xC800] =	vst v5  }
0x13b: {  	v3 =	vsel vm9, $0x0, v3;
	[tilespmem:s22+$0xD000] =	vst v4  }
0x13c: {  	v4 =	vnsel vm4, $0x0, v2;
	[tilespmem:s22+$0xD800] =	vst v3  }
0x13d: {  	v3 =	vnsel vm3, $0x0, v2;
	[tilespmem:s28+$0xA000] =	vst v4  }
0x13e: {  	v4 =	vnsel vm5, $0x0, v2;
	[tilespmem:s28+$0xA800] =	vst v3  }
0x13f: {  	v3 =	vnsel vm6, $0x0, v2;
	[tilespmem:s28+$0xB000] =	vst v4  }
0x140: {  	v4 =	vnsel vm2, $0x0, v2;
	[tilespmem:s28+$0xB800] =	vst v3  }
0x141: {  	v3 =	vnsel vm7, $0x0, v2;
	[tilespmem:s28+$0xC000] =	vst v4  }
0x142: {  	v4 =	vnsel vm13, $0x0, v2;
	[tilespmem:s28+$0xC800] =	vst v3  }
0x143: {  	v2 =	vsel vm8, $0x0, v2;
	[tilespmem:s28+$0xD000] =	vst v4  }
0x144: {  	v3 =	vld [tilespmem:$0x1FFB0];
	[tilespmem:s28+$0xD800] =	vst v2  }
0x145: {  	v2 =	vld [tilespmem:$0x1FFC0];
	_ =	sdelay $0x3  }
0x146: {  	vm2 =	vnez.u8 v3  }
0x147: {  	v3 =	vnsel vm2, $0x0, v1;
	vm2 =	vnez.u8 v2  }
0x148: {  	v2 =	vnsel vm2, $0x0, v1;
	[tilespmem:s5+$0xA000] =	vst v3  }
0x149: {  	[tilespmem:s5+$0xA800] =	vst v2  }
0x14a: {  	v2 =	vld [tilespmem:$0x1FFD0];
	_ =	sdelay $0x4  }
0x14b: {  	v3 =	vnsel vm15, $0x0, v1;
	vm1 =	vnez.u8 v2  }
0x14c: {  	[tilespmem:s5+$0xB000] =	vst v3;
	v2 =	vnsel vm1, $0x0, v1  }
0x14d: {  	v3 =	vld [tilespmem:$0x1FFE0];
	[tilespmem:s5+$0xB800] =	vst v2  }
0x14e: {  	v2 =	vld [tilespmem:$0x1FFF0];
	_ =	sdelay $0x3  }
0x14f: {  	vm1 =	vnez.u8 v3  }
0x150: {  	v3 =	vnsel vm1, $0x0, v1;
	vm1 =	vnez.u8 v2  }
0x151: {  	[tilespmem:s5+$0xC000] =	vst v3;
	v2 =	vnsel vm1, $0x0, v1  }
0x152: {  	v1 =	vnsel vm0, $0x0, v1;
	[tilespmem:s5+$0xC800] =	vst v2  }
0x153: {  	s0 =	simm.s32 @p0 $0x80;
	s1 =	simm.s32 @p0 $0x400;
	s4 =	simm.s32 @p0 $0x0;
	[tilespmem:s5+$0xD000] =	vst v1  }
0x154: {  	[tilespmem:s4], [sflag:$0x1] =	stream.strided.gather @p0 [hbm4b:s6+s0], $0x800, s1, s0, $0x38;
	[tilespmem:$0x12000] =	vst v63  }
0x155: {  	s5 =	simm.s32 @p0 $0x800;
	s4 =	sadd.s32 @p0 $0x80000, s6  }
0x156: {  	[tilespmem:s5], [sflag:$0x1] =	stream.strided.gather @p0 [hbm4b:s4+s0], $0x800, s1, s0, $0x38;
	[tilespmem:$0x12000] =	vst v63  }
0x157: {  	s4 =	sadd.s32 @p0 $0x100000, s6;
	s5 =	simm.s32 @p0 $0x1000  }
0x158: {  	[tilespmem:s5], [sflag:$0x1] =	stream.strided.gather @p0 [hbm4b:s4+s0], $0x800, s1, s0, $0x38;
	[tilespmem:$0x12000] =	vst v63  }
0x159: {  	s4 =	sadd.s32 @p0 $0x180000, s6;
	s5 =	simm.s32 @p0 $0x1800  }
0x15a: {  	[tilespmem:s5], [sflag:$0x1] =	stream.strided.gather @p0 [hbm4b:s4+s0], $0x800, s1, s0, $0x38;
	[tilespmem:$0x12000] =	vst v63  }
0x15b: {  	s4 =	sadd.s32 @p0 $0x200000, s6;
	s5 =	simm.s32 @p0 $0x2000  }
0x15c: {  	[tilespmem:s5], [sflag:$0x1] =	stream.strided.gather @p0 [hbm4b:s4+s0], $0x800, s1, s0, $0x38;
	[tilespmem:$0x12000] =	vst v63  }
0x15d: {  	s4 =	sadd.s32 @p0 $0x280000, s6;
	s5 =	simm.s32 @p0 $0x2800  }
0x15e: {  	[tilespmem:s5], [sflag:$0x1] =	stream.strided.gather @p0 [hbm4b:s4+s0], $0x800, s1, s0, $0x38;
	[tilespmem:$0x12000] =	vst v63  }
0x15f: {  	s4 =	sadd.s32 @p0 $0x300000, s6;
	s5 =	simm.s32 @p0 $0x3000  }
0x160: {  	[tilespmem:s5], [sflag:$0x1] =	stream.strided.gather @p0 [hbm4b:s4+s0], $0x800, s1, s0, $0x38;
	[tilespmem:$0x12000] =	vst v63  }
0x161: {  	s4 =	sadd.s32 @p0 $0x380000, s6;
	s5 =	simm.s32 @p0 $0x3800  }
0x162: {  	[tilespmem:s5], [sflag:$0x1] =	stream.strided.gather @p0 [hbm4b:s4+s0], $0x800, s1, s0, $0x38;
	[tilespmem:$0x12000] =	vst v63  }
0x163: {  	s4 =	sadd.s32 @p0 $0x400000, s6;
	s5 =	simm.s32 @p0 $0x4000  }
0x164: {  	[tilespmem:s5], [sflag:$0x1] =	stream.strided.gather @p0 [hbm4b:s4+s0], $0x800, s1, s0, $0x38;
	[tilespmem:$0x12000] =	vst v63  }
0x165: {  	s22 =	sor.u32 s3, s25;
	s4 =	sadd.s32 @p0 $0x480000, s6;
	s5 =	simm.s32 @p0 $0x4800  }
0x166: {  	[tilespmem:s5], [sflag:$0x1] =	stream.strided.gather @p0 [hbm4b:s4+s0], $0x800, s1, s0, $0x38;
	[tilespmem:$0x12000] =	vst v63  }
0x167: {  	s0 =	sshll.u32 s22, $0x4  }
0x168: {  	s23 =	simm.s32 $0xA000;
	s25 =	sadd.s32 s0, s7  }
0x169: {  	[hbm4b:s25+s29] =	stream.strided.scatter [tilespmem:s23], [sflag:$0x3], $0x800, s30, s29, $0x38;
	[tilespmem:$0x12000] =	vst v63  }
0x16a: {  	s26 =	simm.s32 $0xA800;
	s24 =	sadd.s32 $0x8000, s25  }
0x16b: {  	[hbm4b:s24+s29] =	stream.strided.scatter [tilespmem:s26], [sflag:$0x3], $0x800, s30, s29, $0x38;
	[tilespmem:$0x12000] =	vst v63  }
0x16c: {  	s4 =	simm.s32 $0xB000;
	s1 =	sadd.s32 $0x10000, s25  }
0x16d: {  	[hbm4b:s1+s29] =	stream.strided.scatter [tilespmem:s4], [sflag:$0x3], $0x800, s30, s29, $0x38;
	[tilespmem:$0x12000] =	vst v63  }
0x16e: {  	s9 =	simm.s32 $0xB800;
	s5 =	sadd.s32 $0x18000, s25  }
0x16f: {  	[hbm4b:s5+s29] =	stream.strided.scatter [tilespmem:s9], [sflag:$0x3], $0x800, s30, s29, $0x38;
	[tilespmem:$0x12000] =	vst v63  }
0x170: {  	s11 =	simm.s32 $0xC000;
	s10 =	sadd.s32 $0x20000, s25  }
0x171: {  	[hbm4b:s10+s29] =	stream.strided.scatter [tilespmem:s11], [sflag:$0x3], $0x800, s30, s29, $0x38;
	[tilespmem:$0x12000] =	vst v63  }
0x172: {  	s14 =	simm.s32 $0xC800;
	s12 =	sadd.s32 $0x28000, s25  }
0x173: {  	[hbm4b:s12+s29] =	stream.strided.scatter [tilespmem:s14], [sflag:$0x3], $0x800, s30, s29, $0x38;
	[tilespmem:$0x12000] =	vst v63  }
0x174: {  	s16 =	simm.s32 $0xD000;
	s15 =	sadd.s32 $0x30000, s25  }
0x175: {  	[hbm4b:s15+s29] =	stream.strided.scatter [tilespmem:s16], [sflag:$0x3], $0x800, s30, s29, $0x38;
	[tilespmem:$0x12000] =	vst v63  }
0x176: {  	s22 =	sadd.s32 $0x38000, s25;
	s23 =	simm.s32 $0xD800  }
0x177: {  	[hbm4b:s22+s29] =	stream.strided.scatter [tilespmem:s23], [sflag:$0x3], $0x800, s30, s29, $0x38;
	[tilespmem:$0x12000] =	vst v63  }
0x178: {  	_ =	swait.ge [sflag:s13], $0x5000  }
0x179: {  	[sflag:s13] =	ssyncset.done $0x0  }
0x17a: {  	s0 =	simm.s32 @p1 $0x4;
	[sflag:s13] =	ssyncadd.s32 $0xFFFFB000  }
0x17b: {  	_ =	swait.ge @p1 [sflag:s0], $0x4000  }
0x17c: {  	[sflag:s0] =	ssyncset.done @p1 $0x0  }
0x17d: {  	s26 =	simm.s32 $0x0;
	[sflag:s0] =	ssyncadd.s32 @p1 $0xFFFFC000  }
0x17e: {  	v1 =	vld [tilespmem:s26+$0x5000]  }
0x17f: {  	v2 =	vld [tilespmem:s26+$0x5800];
	_ =	sdelay $0x1  }
0x180: {  	v3 =	vld [tilespmem:s26+$0x6000];
	_ =	sdelay $0x1  }
0x181: {  	v4 =	vld [tilespmem:s26+$0x6800]  }
0x182: {  	vm0 =	vgt.f32 v2, v1  }
0x183: {  	v1 =	vsel vm0, v2, v1;
	v2 =	vld [tilespmem:s26+$0x7000]  }
0x184: {  	vm1 =	vgt.f32 v3, v1  }
0x185: {  	v1 =	vsel vm1, v3, v1;
	v3 =	vld [tilespmem:s26+$0x7800]  }
0x186: {  	vm2 =	vgt.f32 v4, v1  }
0x187: {  	v1 =	vsel vm2, v4, v1;
	v4 =	vld [tilespmem:s26+$0x8000]  }
0x188: {  	s28 =	simm.s32 $0x0;
	vm3 =	vgt.f32 v2, v1  }
0x189: {  	s24 =	sand.u32 $0x40, s28;
	s0 =	sand.u32 $0x780, s28;
	v1 =	vsel vm3, v2, v1;
	v2 =	vld [tilespmem:s26+$0x8800]  }
0x18a: {  	s12 =	sor.u32 $0x30, s24;
	s9 =	sor.u32 $0x9800, s0;
	vm4 =	vgt.f32 v3, v1  }
0x18b: {  	s1 =	sor.u32 $0x9000, s0;
	s14 =	sor.u32 s12, s9;
	v5 =	vsel vm0, $0x1, v0;
	v1 =	vsel vm4, v3, v1  }
0x18c: {  	s10 =	sor.u32 s12, s1;
	v6 =	vld [tilespmem:s14+$0x0];
	v5 =	vsel vm1, $0x2, v5;
	vm0 =	vgt.f32 v4, v1  }
0x18d: {  	s11 =	sor.u32 s24, s1;
	v5 =	vsel vm2, $0x3, v5;
	v3 =	vld [tilespmem:s10+$0x0];
	v1 =	vsel vm0, v4, v1  }
0x18e: {  	s15 =	sor.u32 $0x10, s24;
	s16 =	sor.u32 s24, s9;
	v7 =	vld [tilespmem:s11+$0x0];
	v5 =	vsel vm3, $0x4, v5;
	vm1 =	vgt.f32 v2, v1  }
0x18f: {  	s22 =	sor.u32 s15, s1;
	v4 =	vld [tilespmem:s16+$0x0];
	v2 =	vsel vm4, $0x5, v5;
	vm10 =	vmneg vm1  }
0x190: {  	v8 =	vimm.s32 $0x0;
	s23 =	sor.u32 s15, s9;
	v1 =	vld [tilespmem:s22+$0x0];
	v2 =	vsel vm0, $0x6, v2;
	vm0 =	vmand vm0, vm10  }
0x191: {  	v10 =	vimm.s32 $0x0;
	s4 =	sor.u32 $0x20, s24;
	v5 =	vld [tilespmem:s23+$0x0];
	v9 =	vnsel vm10, $0x7, v2;
	v8 =	vsel vm0, $0xFFFFFFFF, v8  }
0x192: {  	s5 =	sor.u32 s4, s1;
	v2 =	vmul.f32 v3, v3;
	v3 =	vmul.f32 v6, v6;
	vm0 =	veq.s32 v9, $0x2;
	[tilespmem:$0x1FE80] =	vst v8  }
0x193: {  	s24 =	sor.u32 s4, s9;
	v6 =	vmul.f32 v7, v7;
	v10 =	vsel vm0, $0xFFFFFFFF, v10;
	v8 =	vld [tilespmem:s5+$0x0]  }
0x194: {  	vm0 =	veq.s32 v9, $0x4;
	v7 =	vld [tilespmem:s24+$0x0];
	[tilespmem:$0x1FE50] =	vst v10;
	v10 =	vadd.f32 v3, v2;
	v2 =	vimm.s32 $0x0  }
0x195: {  	v4 =	vmul.f32 v4, v4;
	v2 =	vsel vm0, $0xFFFFFFFF, v2  }
0x196: {  	s23 =	sor.u32 s0, s15;
	vm6 =	veq.s32 v9, $0x0;
	v1 =	vmul.f32 v1, v1;
	v3 =	vmul.f32 v5, v5;
	[tilespmem:$0x1FE70] =	vst v2  }
0x197: {  	s22 =	sor.u32 s0, s12;
	vm15 =	veq.s32 v9, $0x1;
	v2 =	vadd.f32 v4, v6;
	v4 =	vmax.f32 v10, $1.000000000e-30;
	v11 =	vld [tilespmem:s23+$0x5000]  }
0x198: {  	vm4 =	veq.s32 v9, $0x3;
	v3 =	vadd.f32 v3, v1;
	v6 =	vshra.s32 v4, $0x1;
	v22 =	vld [tilespmem:s22+$0x5000]  }
0x199: {  	vm5 =	veq.s32 v9, $0x5;
	s5 =	sor.u32 s0, s4;
	v23 =	vld [tilespmem:s22+$0x5800];
	v6 =	vsub.s32 $0x5F3759DF, v6;
	v12 =	vmax.f32 v2, $1.000000000e-30  }
0x19a: {  	v13 =	vld [tilespmem:s5+$0x5000];
	v15 =	vmax.f32 v3, $1.000000000e-30;
	v5 =	vmul.f32 v8, v8;
	v8 =	vmul.f32 $5.000000000e-01, v4  }
0x19b: {  	v1 =	vmul.f32 v7, v7;
	v7 =	vld [tilespmem:s23+$0x5800];
	v14 =	vshra.s32 v12, $0x1;
	v30 =	vshra.s32 v15, $0x1  }
0x19c: {  	v34 =	vld [tilespmem:s22+$0x6000];
	v15 =	vmul.f32 $5.000000000e-01, v15;
	v14 =	vsub.s32 $0x5F3759DF, v14;
	v9 =	vmul.f32 v6, v8  }
0x19d: {  	v4 =	vadd.f32 v1, v5;
	v1 =	vld [tilespmem:s5+$0x5800];
	v5 =	vmul.f32 $5.000000000e-01, v12;
	v12 =	vsub.s32 $0x5F3759DF, v30  }
0x19e: {  	v17 =	vld [tilespmem:s23+$0x6000];
	v21 =	vmul.f32 v12, v15;
	vm2 =	vgt.f32 v23, v22;
	v9 =	vmul.f32 v6, v9  }
0x19f: {  	v16 =	vmax.f32 v4, $1.000000000e-30;
	v20 =	vmul.f32 v14, v5;
	v38 =	vsel vm2, v23, v22  }
0x1a0: {  	v18 =	vshra.s32 v16, $0x1;
	v16 =	vmul.f32 $5.000000000e-01, v16;
	vm1 =	vgt.f32 v7, v11  }
0x1a1: {  	v19 =	vld [tilespmem:s5+$0x6000];
	vm11 =	vgt.f32 v34, v38;
	v9 =	vsub.f32 $1.500000000e+00, v9;
	v18 =	vsub.s32 $0x5F3759DF, v18  }
0x1a2: {  	v7 =	vsel vm1, v7, v11;
	v11 =	vmul.f32 v12, v21;
	vm0 =	vgt.f32 v1, v13  }
0x1a3: {  	v31 =	vmul.f32 v18, v16;
	vm13 =	vgt.f32 v17, v7;
	v6 =	vmul.f32 v6, v9  }
0x1a4: {  	v25 =	vld [tilespmem:s5+$0x6800];
	v9 =	vmul.f32 v14, v20;
	v1 =	vsel vm0, v1, v13;
	v11 =	vsub.f32 $1.500000000e+00, v11  }
0x1a5: {  	v7 =	vsel vm13, v17, v7;
	v48 =	vsel vm0, $0x1, v0;
	v33 =	vmul.f32 v18, v31  }
0x1a6: {  	v35 =	vld [tilespmem:s22+$0x6800];
	vm12 =	vgt.f32 v19, v1;
	v32 =	vmul.f32 v6, v8;
	v9 =	vsub.f32 $1.500000000e+00, v9  }
0x1a7: {  	v11 =	vmul.f32 v12, v11;
	v19 =	vsel vm12, v19, v1;
	v1 =	vsel vm1, $0x1, v0  }
0x1a8: {  	v39 =	vld [tilespmem:s22+$0x7000];
	v52 =	vsel vm12, $0x2, v48;
	v13 =	vsub.f32 $1.500000000e+00, v33;
	v50 =	vsel vm13, $0x2, v1  }
0x1a9: {  	vm7 =	vgt.f32 v25, v19;
	v21 =	vmul.f32 v32, v6;
	v9 =	vmul.f32 v14, v9  }
0x1aa: {  	v43 =	vld [tilespmem:s22+$0x7800];
	v40 =	vmul.f32 v11, v15;
	v13 =	vmul.f32 v18, v13;
	v18 =	vsel vm11, v34, v38  }
0x1ab: {  	v36 =	vsub.f32 $1.500000000e+00, v21;
	v37 =	vmul.f32 v9, v5;
	vm9 =	vgt.f32 v35, v18  }
0x1ac: {  	v44 =	vld [tilespmem:s22+$0x8000];
	v23 =	vmul.f32 v40, v11;
	v42 =	vmul.f32 v13, v16;
	v14 =	vsel vm9, v35, v18  }
0x1ad: {  	v6 =	vmul.f32 v36, v6;
	v41 =	vmul.f32 v37, v9;
	vm8 =	vgt.f32 v39, v14  }
0x1ae: {  	v46 =	vld [tilespmem:s22+$0x8800];
	v23 =	vsub.f32 $1.500000000e+00, v23;
	v21 =	vmul.f32 v42, v13;
	v14 =	vsel vm8, v39, v14  }
0x1af: {  	v8 =	vmul.f32 v6, v8;
	v12 =	vsub.f32 $1.500000000e+00, v41;
	vm1 =	vgt.f32 v43, v14  }
0x1b0: {  	v11 =	vmul.f32 v23, v11;
	v45 =	vsub.f32 $1.500000000e+00, v21;
	v47 =	vsel vm1, v43, v14  }
0x1b1: {  	v24 =	vld [tilespmem:s23+$0x6800];
	v8 =	vmul.f32 v8, v6;
	v9 =	vmul.f32 v12, v9;
	vm3 =	vgt.f32 v44, v47  }
0x1b2: {  	v15 =	vmul.f32 v11, v15;
	v12 =	vsel vm7, $0x3, v52;
	v1 =	vsel vm3, v44, v47  }
0x1b3: {  	v49 =	vld [tilespmem:s23+$0x7000];
	v13 =	vmul.f32 v45, v13;
	v8 =	vsub.f32 $1.500000000e+00, v8;
	vm12 =	vgt.f32 v46, v1  }
0x1b4: {  	v51 =	vld [tilespmem:s5+$0x7000];
	v5 =	vmul.f32 v9, v5;
	v15 =	vmul.f32 v15, v11;
	vm13 =	vmneg vm12  }
0x1b5: {  	v53 =	vld [tilespmem:s23+$0x7800];
	v16 =	vmul.f32 v13, v16;
	v6 =	vmul.f32 v8, v6;
	v8 =	vsel vm2, $0x1, v0  }
0x1b6: {  	vm2 =	vgt.f32 v24, v7;
	v5 =	vmul.f32 v5, v9;
	v59 =	vsub.f32 $1.500000000e+00, v15  }
0x1b7: {  	v55 =	vld [tilespmem:s23+$0x8000];
	v7 =	vsel vm2, v24, v7;
	v8 =	vsel vm11, $0x2, v8;
	v20 =	vsel vm2, $0x3, v50  }
0x1b8: {  	v16 =	vmul.f32 v16, v13;
	v1 =	vmul.f32 v6, v10;
	v6 =	vld [tilespmem:s5+$0x7800];
	vm11 =	vgt.f32 v49, v7  }
0x1b9: {  	v57 =	vld [tilespmem:s23+$0x8800];
	v10 =	vsel vm7, v25, v19;
	v8 =	vsel vm9, $0x3, v8;
	v7 =	vsel vm11, v49, v7  }
0x1ba: {  	v56 =	vld [tilespmem:s5+$0x8000];
	v5 =	vsub.f32 $1.500000000e+00, v5;
	vm12 =	vgt.f32 v51, v10;
	vm14 =	vgt.f32 v53, v7  }
0x1bb: {  	v60 =	vsub.f32 $1.500000000e+00, v16;
	v8 =	vsel vm8, $0x4, v8;
	v7 =	vsel vm14, v53, v7  }
0x1bc: {  	v58 =	vld [tilespmem:s5+$0x8800];
	v10 =	vsel vm12, v51, v10;
	v12 =	vsel vm12, $0x4, v12;
	vm2 =	vgt.f32 v55, v7  }
0x1bd: {  	v5 =	vmul.f32 v5, v9;
	vm0 =	vgt.f32 v6, v10;
	v7 =	vsel vm2, v55, v7  }
0x1be: {  	v6 =	vsel vm0, v6, v10;
	v10 =	vsel vm11, $0x4, v20;
	vm8 =	vgt.f32 v57, v7  }
0x1bf: {  	v7 =	vmul.f32 v59, v11;
	v11 =	vmul.f32 v5, v2;
	vm7 =	vgt.f32 v56, v6  }
0x1c0: {  	v9 =	vsel vm14, $0x5, v10;
	vm9 =	vmneg vm8;
	v6 =	vsel vm7, v56, v6  }
0x1c1: {  	v9 =	vsel vm2, $0x6, v9;
	vm11 =	vgt.f32 v58, v6;
	v6 =	vmul.f32 v60, v13  }
0x1c2: {  	v10 =	vsel vm0, $0x5, v12;
	v3 =	vmul.f32 v7, v3;
	v7 =	vnsel vm9, $0x7, v9  }
0x1c3: {  	vm0 =	veq.s32 v7, $0x0;
	v2 =	vmul.f32 v6, v4;
	v4 =	vimm.s32 $0x0  }
0x1c4: {  	v4 =	vsel vm0, $0xFFFFFFFF, v4  }
0x1c5: {  	vm0 =	veq.s32 v7, $0x1;
	[tilespmem:$0x1FDF0] =	vst v4;
	v4 =	vimm.s32 $0x0  }
0x1c6: {  	v4 =	vsel vm0, $0xFFFFFFFF, v4  }
0x1c7: {  	vm0 =	veq.s32 v7, $0x2;
	[tilespmem:$0x1FE00] =	vst v4;
	v4 =	vimm.s32 $0x0  }
0x1c8: {  	v4 =	vsel vm0, $0xFFFFFFFF, v4  }
0x1c9: {  	vm0 =	veq.s32 v7, $0x3;
	[tilespmem:$0x1FE10] =	vst v4;
	v4 =	vimm.s32 $0x0  }
0x1ca: {  	v4 =	vsel vm0, $0xFFFFFFFF, v4  }
0x1cb: {  	vm0 =	vmand vm3, vm13;
	[tilespmem:$0x1FE20] =	vst v4;
	v4 =	vimm.s32 $0x0  }
0x1cc: {  	v4 =	vsel vm0, $0xFFFFFFFF, v4  }
0x1cd: {  	vm0 =	veq.s32 v7, $0x4;
	[tilespmem:$0x1FE30] =	vst v4;
	v4 =	vimm.s32 $0x0  }
0x1ce: {  	v4 =	vsel vm0, $0xFFFFFFFF, v4  }
0x1cf: {  	[tilespmem:$0x1FE40] =	vst v4;
	v4 =	vld [tilespmem:$0x1FE50];
	_ =	sdelay $0x4  }
0x1d0: {  	vm0 =	vnez.u8 v4  }
0x1d1: {  	v4 =	vimm.s32 $0x0;
	v9 =	vnsel vm0, $0x0, v11;
	vm0 =	veq.s32 v7, $0x5  }
0x1d2: {  	v4 =	vsel vm0, $0xFFFFFFFF, v4  }
0x1d3: {  	[tilespmem:$0x1FE60] =	vst v4;
	v4 =	vld [tilespmem:$0x1FE70];
	_ =	sdelay $0x3  }
0x1d4: {  	v8 =	vsel vm1, $0x5, v8  }
0x1d5: {  	v5 =	vsel vm3, $0x6, v8;
	vm0 =	vnez.u8 v4;
	v4 =	vld [tilespmem:$0x1FE80]  }
0x1d6: {  	v54 =	vsel vm13, $0x0, v1;
	v61 =	vnsel vm13, $0x7, v5  }
0x1d7: {  	v10 =	vsel vm7, $0x6, v10;
	v62 =	vnsel vm6, $0x0, v11;
	v63 =	vnsel vm15, $0x0, v11  }
0x1d8: {  	v8 =	vnsel vm4, $0x0, v11;
	vm2 =	vmand vm2, vm9;
	vm6 =	veq.s32 v61, $0x3  }
0x1d9: {  	vm4 =	veq.s32 v61, $0x5;
	vm8 =	vmneg vm11;
	v6 =	vnsel vm5, $0x0, v11  }
0x1da: {  	v7 =	vnsel vm0, $0x0, v11;
	vm0 =	vnez.u8 v4;
	v4 =	vsel vm10, $0x0, v11  }
0x1db: {  	v5 =	vnsel vm0, $0x0, v11;
	vm0 =	vmand vm7, vm8;
	v11 =	vimm.s32 $0x0  }
0x1dc: {  	v10 =	vnsel vm8, $0x7, v10;
	vm5 =	veq.s32 v61, $0x4;
	[tilespmem:s22+$0x11800] =	vst v54;
	v11 =	vsel vm0, $0xFFFFFFFF, v11  }
0x1dd: {  	vm15 =	veq.s32 v10, $0x0;
	vm12 =	veq.s32 v10, $0x1;
	vm14 =	veq.s32 v10, $0x3;
	[tilespmem:$0x1FE90] =	vst v11  }
0x1de: {  	vm11 =	veq.s32 v10, $0x4;
	vm1 =	veq.s32 v10, $0x5;
	vm13 =	veq.s32 v10, $0x2;
	[tilespmem:s26+$0xE000] =	vst v62  }
0x1df: {  	s31 =	simm.s32 $0x100;
	s24 =	simm.s32 $0x0;
	vm3 =	veq.s32 v61, $0x1;
	vm7 =	veq.s32 v61, $0x0;
	vm0 =	veq.s32 v61, $0x2;
	[tilespmem:s26+$0xE800] =	vst v63  }
.LBB2_5:
0x1e0: {  	[tilespmem:s26+$0xF000] =	vst v9;
	v9 =	vld [tilespmem:$0x1FDF0]  }
0x1e1: {  	v10 =	vld [tilespmem:$0x1FE00]  }
0x1e2: {  	v11 =	vld [tilespmem:$0x1FE10]  }
0x1e3: {  	v21 =	vld [tilespmem:$0x1FE90]  }
0x1e4: {  	s0 =	sshra.s32 s31, $0x2;
	v26 =	vld [tilespmem:$0x1FE30]  }
0x1e5: {  	v12 =	vld [tilespmem:s0+$0x5000];
	[tilespmem:s26+$0xF800] =	vst v8  }
0x1e6: {  	v15 =	vld [tilespmem:s0+$0x5800]  }
0x1e7: {  	v20 =	vnsel vm1, $0x0, v2;
	v22 =	vnsel vm3, $0x0, v1;
	v24 =	vnsel vm6, $0x0, v1;
	v8 =	vld [tilespmem:$0x1FE20];
	[tilespmem:s26+$0x10000] =	vst v7  }
0x1e8: {  	v25 =	vnsel vm5, $0x0, v1;
	v7 =	vnsel vm2, $0x0, v3;
	[tilespmem:s26+$0x10800] =	vst v6;
	vm10 =	vnez.u8 v9  }
0x1e9: {  	v19 =	vld [tilespmem:s0+$0x6000];
	[tilespmem:s26+$0x11000] =	vst v5;
	vm1 =	vnez.u8 v21;
	v9 =	vnsel vm10, $0x0, v3;
	vm10 =	vnez.u8 v10  }
0x1ea: {  	v13 =	vld [tilespmem:$0x1FE40];
	[tilespmem:s26+$0x11800] =	vst v4;
	v4 =	vnsel vm7, $0x0, v1;
	s26 =	smov.u32 s0;
	v21 =	vnsel vm1, $0x0, v2;
	v10 =	vnsel vm10, $0x0, v3  }
0x1eb: {  	v23 =	vld [tilespmem:s26+$0x6800];
	vm10 =	vnez.u8 v11;
	[tilespmem:s23+$0xE000] =	vst v9;
	v9 =	vnsel vm0, $0x0, v1;
	vm1 =	vgt.f32 v15, v12  }
0x1ec: {  	v14 =	vld [tilespmem:$0x1FE60];
	vm0 =	vnez.u8 v26;
	v11 =	vnsel vm10, $0x0, v3;
	vm10 =	vnez.u8 v8  }
0x1ed: {  	v53 =	vld [tilespmem:s26+$0x7000];
	[tilespmem:s23+$0xE800] =	vst v10;
	v10 =	vnsel vm4, $0x0, v1;
	v26 =	vnsel vm0, $0x0, v1;
	v1 =	vsel vm1, v15, v12  }
0x1ee: {  	[tilespmem:s23+$0x11000] =	vst v7;
	v8 =	vnsel vm10, $0x0, v3;
	vm2 =	vgt.f32 v19, v1  }
0x1ef: {  	v6 =	vnsel vm12, $0x0, v2;
	[tilespmem:s23+$0xF800] =	vst v8;
	v1 =	vsel vm2, v19, v1;
	v8 =	vld [tilespmem:s26+$0x7800]  }
0x1f0: {  	s28 =	sadd.s32 $0x40, s28;
	[tilespmem:s5+$0xE800] =	vst v6;
	vm10 =	vnez.u8 v13;
	vm0 =	vgt.f32 v23, v1  }
0x1f1: {  	s4 =	sand.u32 $0x40, s28;
	s0 =	sand.u32 $0x780, s28;
	[tilespmem:s23+$0xF000] =	vst v11;
	v13 =	vnsel vm10, $0x0, v3;
	vm10 =	vnez.u8 v14;
	v1 =	vsel vm0, v23, v1  }
0x1f2: {  	s1 =	sor.u32 $0x30, s4;
	s9 =	sor.u32 $0x9000, s0;
	v14 =	vnsel vm10, $0x0, v3;
	[tilespmem:s23+$0x10000] =	vst v13;
	vm3 =	vgt.f32 v53, v1  }
0x1f3: {  	s10 =	sor.u32 $0x9800, s0;
	s11 =	sor.u32 s1, s9;
	v3 =	vsel vm9, $0x0, v3;
	[tilespmem:s23+$0x10800] =	vst v14;
	v1 =	vsel vm3, v53, v1  }
0x1f4: {  	v7 =	vld [tilespmem:s11+$0x0];
	[tilespmem:s23+$0x11800] =	vst v3;
	s23 =	sor.u32 s1, s10;
	vm4 =	vgt.f32 v8, v1  }
0x1f5: {  	v1 =	vsel vm4, v8, v1;
	v8 =	vld [tilespmem:s23+$0x0];
	[tilespmem:s22+$0xE000] =	vst v4  }
0x1f6: {  	[tilespmem:s22+$0xE800] =	vst v22  }
0x1f7: {  	v11 =	vld [tilespmem:s26+$0x8000];
	[tilespmem:s22+$0xF000] =	vst v9  }
0x1f8: {  	[tilespmem:s22+$0xF800] =	vst v24  }
0x1f9: {  	v3 =	vld [tilespmem:s26+$0x8800];
	[tilespmem:s22+$0x10000] =	vst v25  }
0x1fa: {  	v16 =	vnsel vm15, $0x0, v2;
	[tilespmem:s22+$0x10800] =	vst v10  }
0x1fb: {  	v17 =	vnsel vm13, $0x0, v2;
	v18 =	vnsel vm14, $0x0, v2;
	v6 =	vsel vm1, $0x1, v0;
	[tilespmem:s22+$0x11000] =	vst v26;
	s22 =	sor.u32 s0, s1  }
0x1fc: {  	[tilespmem:s5+$0xE000] =	vst v16;
	v5 =	vnsel vm11, $0x0, v2;
	v6 =	vsel vm2, $0x2, v6;
	vm1 =	vgt.f32 v11, v1;
	v27 =	vld [tilespmem:s22+$0x5000]  }
0x1fd: {  	[tilespmem:s5+$0x10000] =	vst v5;
	s15 =	sor.u32 s4, s9;
	v2 =	vsel vm8, $0x0, v2;
	v6 =	vsel vm0, $0x3, v6;
	v28 =	vld [tilespmem:s22+$0x5800];
	v1 =	vsel vm1, v11, v1  }
0x1fe: {  	s12 =	sor.u32 $0x10, s4;
	s14 =	sor.u32 $0x20, s4;
	s4 =	sor.u32 s4, s10;
	[tilespmem:s5+$0x11800] =	vst v2;
	v2 =	vmul.f32 v7, v7;
	v5 =	vsel vm3, $0x4, v6;
	v11 =	vld [tilespmem:s15+$0x0];
	vm0 =	vgt.f32 v3, v1  }
0x1ff: {  	[tilespmem:s5+$0xF000] =	vst v17;
	v1 =	vld [tilespmem:s4+$0x0];
	v3 =	vsel vm4, $0x5, v5;
	v5 =	vimm.s32 $0x0;
	vm0 =	vmneg vm0  }
0x200: {  	[tilespmem:s5+$0xF800] =	vst v18;
	v6 =	vimm.s32 $0x0;
	v3 =	vsel vm1, $0x6, v3;
	v5 =	vsel vm0, $0xFFFFFFFF, v5  }
0x201: {  	[tilespmem:s5+$0x10800] =	vst v20;
	s23 =	sor.u32 s0, s12;
	vm1 =	vmand vm1, vm0;
	v54 =	vnsel vm0, $0x7, v3;
	v7 =	vmul.f32 v8, v8  }
0x202: {  	[tilespmem:s5+$0x11000] =	vst v21;
	v13 =	vld [tilespmem:s23+$0x5000];
	v8 =	vimm.s32 $0x0;
	v6 =	vsel vm1, $0xFFFFFFFF, v6;
	vm0 =	veq.s32 v54, $0x0  }
0x203: {  	s16 =	sor.u32 s12, s9;
	s9 =	sor.u32 s14, s9;
	v47 =	vld [tilespmem:s22+$0x6000];
	[tilespmem:$0x1FDC0] =	vst v5;
	vm4 =	vgt.f32 v28, v27;
	v4 =	vmul.f32 v11, v11;
	v8 =	vsel vm0, $0xFFFFFFFF, v8  }
0x204: {  	v3 =	vld [tilespmem:s9+$0x0];
	vm0 =	veq.s32 v54, $0x1;
	[tilespmem:$0x1FD40] =	vst v8;
	v8 =	vimm.s32 $0x0;
	v11 =	vmul.f32 v1, v1  }
0x205: {  	s11 =	sor.u32 s12, s10;
	v5 =	vld [tilespmem:s16+$0x0];
	[tilespmem:$0x1FDB0] =	vst v6;
	v1 =	vimm.s32 $0x0;
	v8 =	vsel vm0, $0xFFFFFFFF, v8;
	vm0 =	veq.s32 v54, $0x2  }
0x206: {  	s10 =	sor.u32 s14, s10;
	v6 =	vld [tilespmem:s11+$0x0];
	v50 =	vsel vm4, v28, v27;
	[tilespmem:$0x1FD50] =	vst v8;
	v1 =	vsel vm0, $0xFFFFFFFF, v1  }
0x207: {  	v8 =	vld [tilespmem:s10+$0x0];
	vm0 =	veq.s32 v54, $0x3;
	[tilespmem:$0x1FD70] =	vst v1;
	v1 =	vadd.f32 v7, v2;
	v2 =	vimm.s32 $0x0  }
0x208: {  	v57 =	vimm.s32 $0x0;
	vm6 =	vgt.f32 v47, v50;
	v7 =	vld [tilespmem:s23+$0x5800];
	v2 =	vsel vm0, $0xFFFFFFFF, v2  }
0x209: {  	v55 =	vmul.f32 v3, v3;
	vm0 =	veq.s32 v54, $0x4;
	[tilespmem:$0x1FD80] =	vst v2;
	v2 =	vimm.s32 $0x0  }
0x20a: {  	v5 =	vmul.f32 v5, v5;
	v9 =	vmax.f32 v1, $1.000000000e-30;
	v2 =	vsel vm0, $0xFFFFFFFF, v2  }
0x20b: {  	v10 =	vld [tilespmem:s23+$0x6000];
	s15 =	sor.u32 s0, s14;
	vm0 =	veq.s32 v54, $0x5;
	[tilespmem:$0x1FD90] =	vst v2;
	v2 =	vadd.f32 v11, v4;
	v4 =	vmul.f32 v6, v6  }
0x20c: {  	v60 =	vld [tilespmem:s23+$0x6800];
	s5 =	smov.u32 s15;
	v56 =	vshra.s32 v9, $0x1;
	v9 =	vmul.f32 $5.000000000e-01, v9;
	v12 =	vsel vm0, $0xFFFFFFFF, v57  }
0x20d: {  	v6 =	vld [tilespmem:s5+$0x5000];
	vm8 =	vgt.f32 v7, v13;
	v3 =	vadd.f32 v4, v5;
	v4 =	vmul.f32 v8, v8  }
0x20e: {  	v11 =	vld [tilespmem:s5+$0x5800];
	v5 =	vsub.s32 $0x5F3759DF, v56;
	v8 =	vmax.f32 v2, $1.000000000e-30;
	v7 =	vsel vm8, v7, v13  }
0x20f: {  	v15 =	vmul.f32 v5, v9;
	v59 =	vshra.s32 v8, $0x1;
	v8 =	vmul.f32 $5.000000000e-01, v8  }
0x210: {  	vm2 =	vgt.f32 v10, v7;
	v61 =	vmax.f32 v3, $1.000000000e-30;
	v4 =	vadd.f32 v4, v55  }
0x211: {  	v16 =	vsub.s32 $0x5F3759DF, v59;
	v7 =	vsel vm2, v10, v7;
	v15 =	vmul.f32 v5, v15  }
0x212: {  	v58 =	vld [tilespmem:s5+$0x6000];
	v62 =	vshra.s32 v61, $0x1;
	v18 =	vmul.f32 $5.000000000e-01, v61;
	v40 =	vmul.f32 v16, v8  }
0x213: {  	v36 =	vld [tilespmem:s23+$0x7000];
	vm1 =	vgt.f32 v11, v6;
	vm10 =	vgt.f32 v60, v7;
	v37 =	vmax.f32 v4, $1.000000000e-30  }
0x214: {  	v14 =	vsub.s32 $0x5F3759DF, v62;
	v6 =	vsel vm1, v11, v6;
	v7 =	vsel vm10, v60, v7  }
0x215: {  	v63 =	vld [tilespmem:s5+$0x6800];
	v60 =	vimm.s32 $0x0;
	v61 =	vsel vm1, $0x1, v0;
	v62 =	vsel vm4, $0x1, v0  }
0x216: {  	v41 =	vld [tilespmem:s23+$0x7800];
	v39 =	vshra.s32 v37, $0x1;
	v21 =	vmul.f32 $5.000000000e-01, v37;
	v15 =	vsub.f32 $1.500000000e+00, v15  }
0x217: {  	v42 =	vmul.f32 v14, v18;
	v43 =	vmul.f32 v16, v40;
	vm3 =	vgt.f32 v58, v6  }
0x218: {  	v38 =	vld [tilespmem:s5+$0x7000];
	vm13 =	vgt.f32 v36, v7;
	v23 =	vsub.s32 $0x5F3759DF, v39;
	v5 =	vmul.f32 v5, v15  }
0x219: {  	v6 =	vsel vm3, v58, v6;
	v7 =	vsel vm13, v36, v7;
	v44 =	vmul.f32 v23, v21  }
0x21a: {  	v46 =	vld [tilespmem:s5+$0x7800];
	v45 =	vmul.f32 v14, v42;
	vm11 =	vgt.f32 v63, v6;
	v29 =	vmul.f32 v5, v9  }
0x21b: {  	v15 =	vsub.f32 $1.500000000e+00, v43;
	vm14 =	vgt.f32 v41, v7;
	v6 =	vsel vm11, v63, v6  }
0x21c: {  	v7 =	vsel vm14, v41, v7;
	v11 =	vmul.f32 v23, v44;
	v29 =	vmul.f32 v29, v5  }
0x21d: {  	v48 =	vld [tilespmem:s22+$0x6800];
	v13 =	vsub.f32 $1.500000000e+00, v45;
	v15 =	vmul.f32 v16, v15;
	vm15 =	vgt.f32 v38, v6  }
0x21e: {  	v6 =	vsel vm15, v38, v6;
	v11 =	vsub.f32 $1.500000000e+00, v11;
	v29 =	vsub.f32 $1.500000000e+00, v29  }
0x21f: {  	v51 =	vld [tilespmem:s22+$0x7000];
	v13 =	vmul.f32 v14, v13;
	v31 =	vmul.f32 v15, v8;
	vm12 =	vgt.f32 v46, v6  }
0x220: {  	v6 =	vsel vm12, v46, v6;
	v11 =	vmul.f32 v23, v11;
	v5 =	vmul.f32 v29, v5  }
0x221: {  	v55 =	vld [tilespmem:s22+$0x7800];
	v32 =	vmul.f32 v13, v18;
	v53 =	vmul.f32 v31, v15;
	v23 =	vsel vm6, v47, v50  }
0x222: {  	vm5 =	vgt.f32 v48, v23;
	v54 =	vmul.f32 v11, v21;
	v9 =	vmul.f32 v5, v9  }
0x223: {  	v56 =	vld [tilespmem:s22+$0x8000];
	v32 =	vmul.f32 v32, v13;
	v29 =	vsub.f32 $1.500000000e+00, v53;
	v16 =	vsel vm5, v48, v23  }
0x224: {  	vm9 =	vgt.f32 v51, v16;
	v31 =	vmul.f32 v54, v11;
	v9 =	vmul.f32 v9, v5  }
0x225: {  	v32 =	vsub.f32 $1.500000000e+00, v32;
	v16 =	vsel vm9, v51, v16;
	v58 =	vmul.f32 v29, v15  }
0x226: {  	v57 =	vld [tilespmem:s22+$0x8800];
	vm7 =	vgt.f32 v55, v16;
	v10 =	vsub.f32 $1.500000000e+00, v31;
	v9 =	vsub.f32 $1.500000000e+00, v9  }
0x227: {  	v13 =	vmul.f32 v32, v13;
	v59 =	vsel vm7, v55, v16;
	v16 =	vsel vm6, $0x2, v62  }
0x228: {  	vm0 =	vgt.f32 v56, v59;
	v63 =	vsel vm5, $0x3, v16;
	v5 =	vmul.f32 v9, v5  }
0x229: {  	v10 =	vmul.f32 v10, v11;
	v11 =	vimm.s32 $0x0;
	v14 =	vsel vm9, $0x4, v63  }
0x22a: {  	v30 =	vld [tilespmem:s23+$0x8000];
	v9 =	vsel vm0, v56, v59;
	v1 =	vmul.f32 v5, v1;
	v5 =	vmul.f32 v58, v8  }
0x22b: {  	v52 =	vld [tilespmem:s23+$0x8800];
	v11 =	vsel vm0, $0xFFFFFFFF, v11;
	vm0 =	vgt.f32 v57, v9;
	v8 =	vmul.f32 v13, v18  }
0x22c: {  	v49 =	vld [tilespmem:s5+$0x8000];
	v9 =	vmul.f32 v10, v21;
	vm0 =	vmneg vm0;
	v5 =	vmul.f32 v5, v58  }
0x22d: {  	[tilespmem:$0x1FD30] =	vst v11;
	v15 =	vsel vm0, $0xFFFFFFFF, v60;
	v11 =	vsel vm0, $0x0, v1;
	v8 =	vmul.f32 v8, v13  }
0x22e: {  	v9 =	vmul.f32 v9, v10;
	[tilespmem:s22+$0x11800] =	vst v11;
	v11 =	vsel vm8, $0x1, v0;
	v5 =	vsub.f32 $1.500000000e+00, v5  }
0x22f: {  	v33 =	vld [tilespmem:s5+$0x8800];
	v11 =	vsel vm2, $0x2, v11;
	vm2 =	vgt.f32 v30, v7;
	v8 =	vsub.f32 $1.500000000e+00, v8  }
0x230: {  	v11 =	vsel vm10, $0x3, v11;
	v7 =	vsel vm2, v30, v7;
	v5 =	vmul.f32 v5, v58  }
0x231: {  	vm10 =	vgt.f32 v49, v6;
	v11 =	vsel vm13, $0x4, v11;
	vm1 =	vgt.f32 v52, v7  }
0x232: {  	v7 =	vmul.f32 v8, v13;
	v8 =	vsel vm14, $0x5, v11;
	v11 =	vmul.f32 v5, v2;
	v2 =	vld [tilespmem:$0x1FD30]  }
0x233: {  	[tilespmem:$0x1FD60] =	vst v15;
	v15 =	vsel vm3, $0x2, v61;
	v9 =	vsub.f32 $1.500000000e+00, v9;
	v6 =	vsel vm10, v49, v6  }
0x234: {  	vm3 =	vgt.f32 v33, v6;
	vm9 =	vmneg vm1;
	v8 =	vsel vm2, $0x6, v8  }
0x235: {  	v6 =	vmul.f32 v9, v10;
	v3 =	vmul.f32 v7, v3;
	v7 =	vnsel vm9, $0x7, v8  }
0x236: {  	v15 =	vsel vm11, $0x3, v15;
	vm1 =	veq.s32 v7, $0x0  }
0x237: {  	vm11 =	vnez.u8 v2;
	v2 =	vmul.f32 v6, v4;
	v4 =	vimm.s32 $0x0  }
0x238: {  	v4 =	vsel vm1, $0xFFFFFFFF, v4  }
0x239: {  	v10 =	vsel vm7, $0x5, v14;
	vm1 =	veq.s32 v7, $0x1;
	[tilespmem:$0x1FDF0] =	vst v4;
	v4 =	vimm.s32 $0x0  }
0x23a: {  	v5 =	vsel vm11, $0x6, v10;
	v4 =	vsel vm1, $0xFFFFFFFF, v4  }
0x23b: {  	[tilespmem:$0x1FE00] =	vst v4;
	v4 =	vnsel vm0, $0x7, v5;
	vm0 =	veq.s32 v7, $0x2;
	v5 =	vimm.s32 $0x0  }
0x23c: {  	v5 =	vsel vm0, $0xFFFFFFFF, v5  }
0x23d: {  	vm0 =	veq.s32 v7, $0x3;
	[tilespmem:$0x1FE10] =	vst v5;
	v5 =	vimm.s32 $0x0  }
0x23e: {  	v15 =	vsel vm15, $0x4, v15;
	v5 =	vsel vm0, $0xFFFFFFFF, v5  }
0x23f: {  	v9 =	vsel vm12, $0x5, v15;
	vm0 =	veq.s32 v7, $0x4;
	[tilespmem:$0x1FE20] =	vst v5;
	v5 =	vimm.s32 $0x0  }
0x240: {  	v9 =	vsel vm10, $0x6, v9;
	vm8 =	vmneg vm3;
	v5 =	vsel vm0, $0xFFFFFFFF, v5  }
0x241: {  	v8 =	vnsel vm8, $0x7, v9;
	vm0 =	veq.s32 v7, $0x5;
	[tilespmem:$0x1FE40] =	vst v5;
	v5 =	vimm.s32 $0x0  }
0x242: {  	vm12 =	veq.s32 v4, $0x0;
	vm3 =	veq.s32 v4, $0x1;
	v5 =	vsel vm0, $0xFFFFFFFF, v5  }
0x243: {  	vm7 =	veq.s32 v4, $0x2;
	vm0 =	veq.s32 v8, $0x1;
	[tilespmem:$0x1FE60] =	vst v5;
	v5 =	vimm.s32 $0x0  }
0x244: {  	vm6 =	veq.s32 v4, $0x3;
	vm5 =	veq.s32 v4, $0x4;
	v5 =	vsel vm0, $0xFFFFFFFF, v5  }
0x245: {  	vm4 =	veq.s32 v4, $0x5;
	v4 =	vld [tilespmem:$0x1FD40];
	vm0 =	veq.s32 v8, $0x3;
	[tilespmem:$0x1FDD0] =	vst v5;
	v5 =	vimm.s32 $0x0  }
0x246: {  	v5 =	vsel vm0, $0xFFFFFFFF, v5  }
0x247: {  	vm0 =	vmand vm10, vm8;
	[tilespmem:$0x1FDE0] =	vst v5;
	v5 =	vimm.s32 $0x0  }
0x248: {  	v5 =	vsel vm0, $0xFFFFFFFF, v5  }
0x249: {  	[tilespmem:$0x1FE90] =	vst v5;
	v5 =	vld [tilespmem:$0x1FD50]  }
0x24a: {  	v6 =	vld [tilespmem:$0x1FD60];
	vm0 =	vnez.u8 v4  }
0x24b: {  	v4 =	vnsel vm0, $0x0, v11  }
0x24c: {  	[tilespmem:s26+$0xE000] =	vst v4;
	v4 =	vld [tilespmem:$0x1FD70];
	_ =	sdelay $0x1  }
0x24d: {  	vm0 =	vnez.u8 v5  }
0x24e: {  	v5 =	vnsel vm0, $0x0, v11;
	vm0 =	vnez.u8 v6  }
0x24f: {  	v6 =	vimm.s32 $0x0;
	vm0 =	vmand vm11, vm0  }
0x250: {  	v6 =	vsel vm0, $0xFFFFFFFF, v6;
	vm0 =	vnez.u8 v4;
	v4 =	vld [tilespmem:$0x1FD80];
	_ =	sdelay $0x4  }
0x251: {  	v9 =	vnsel vm0, $0x0, v11;
	vm0 =	vnez.u8 v4;
	v4 =	vld [tilespmem:$0x1FD90];
	_ =	sdelay $0x3  }
0x252: {  	[tilespmem:$0x1FDA0] =	vst v12;
	vm15 =	veq.s32 v8, $0x2;
	vm13 =	veq.s32 v8, $0x4;
	vm14 =	veq.s32 v8, $0x5  }
0x253: {  	vm1 =	veq.s32 v8, $0x0;
	v8 =	vnsel vm0, $0x0, v11;
	vm0 =	vnez.u8 v4;
	v4 =	vld [tilespmem:$0x1FDA0];
	_ =	sdelay $0x4  }
0x254: {  	v7 =	vnsel vm0, $0x0, v11;
	vm0 =	vnez.u8 v4;
	v4 =	vld [tilespmem:$0x1FDB0];
	_ =	sdelay $0x4  }
0x255: {  	[tilespmem:$0x1FE30] =	vst v6;
	v6 =	vnsel vm0, $0x0, v11;
	vm0 =	vnez.u8 v4;
	v4 =	vld [tilespmem:$0x1FDC0];
	_ =	sdelay $0x1  }
0x256: {  	v10 =	vld [tilespmem:$0x1FDD0];
	_ =	sdelay $0x2  }
0x257: {  	[tilespmem:s26+$0xE800] =	vst v5;
	v5 =	vnsel vm0, $0x0, v11;
	vm0 =	vnez.u8 v4  }
0x258: {  	s24 =	sadd.s32 $0x4, s24;
	v4 =	vsel vm0, $0x0, v11  }
0x259: {  	p1 =	slt.u32 s24, $0x7C;
	vm0 =	vmmov vm7;
	vm7 =	vmmov vm12;
	vm12 =	vnez.u8 v10;
	v10 =	vld [tilespmem:$0x1FDE0]  }
.Ltmp1:
0x25a: {  	_ = 	snop;
	(pc) =	sbr.rel @p1 .LBB2_5-.Ltmp1, $3  }
0x25b: {  	_ =	sdelay $0x1  }
0x25c: {  	vm2 =	vmand vm2, vm9;
	vm11 =	vmmov vm13;
	vm13 =	vmmov vm15  }
0x25d: {  	s31 =	sadd.s32 $0x100, s31;
	vm15 =	vmmov vm1;
	vm1 =	vmmov vm14;
	vm14 =	vnez.u8 v10  }
0x25e: {  	[tilespmem:s26+$0xF000] =	vst v9  }
0x25f: {  	[tilespmem:s26+$0xF800] =	vst v8  }
0x260: {  	[tilespmem:s26+$0x10000] =	vst v7  }
0x261: {  	[tilespmem:s26+$0x10800] =	vst v6  }
0x262: {  	[tilespmem:s26+$0x11000] =	vst v5  }
0x263: {  	v5 =	vld [tilespmem:$0x1FDF0];
	[tilespmem:s26+$0x11800] =	vst v4  }
0x264: {  	v4 =	vld [tilespmem:$0x1FE00];
	_ =	sdelay $0x3  }
0x265: {  	vm10 =	vnez.u8 v5  }
0x266: {  	v5 =	vnsel vm10, $0x0, v3;
	vm10 =	vnez.u8 v4  }
0x267: {  	v4 =	vnsel vm10, $0x0, v3;
	[tilespmem:s23+$0xE000] =	vst v5  }
0x268: {  	v5 =	vld [tilespmem:$0x1FE10];
	[tilespmem:s23+$0xE800] =	vst v4  }
0x269: {  	v4 =	vld [tilespmem:$0x1FE20];
	_ =	sdelay $0x3  }
0x26a: {  	vm10 =	vnez.u8 v5  }
0x26b: {  	v5 =	vnsel vm10, $0x0, v3;
	vm10 =	vnez.u8 v4  }
0x26c: {  	v4 =	vnsel vm10, $0x0, v3;
	[tilespmem:s23+$0xF000] =	vst v5  }
0x26d: {  	v5 =	vld [tilespmem:$0x1FE40];
	[tilespmem:s23+$0xF800] =	vst v4  }
0x26e: {  	v4 =	vld [tilespmem:$0x1FE60]  }
0x26f: {  	v60 =	vnsel vm2, $0x0, v3  }
0x270: {  	v61 =	vnsel vm15, $0x0, v2;
	[tilespmem:s23+$0x11000] =	vst v60  }
0x271: {  	v62 =	vnsel vm13, $0x0, v2;
	[tilespmem:s5+$0xE000] =	vst v61  }
0x272: {  	v63 =	vnsel vm11, $0x0, v2;
	[tilespmem:s5+$0xF000] =	vst v62;
	vm10 =	vnez.u8 v5  }
0x273: {  	[tilespmem:s5+$0x10000] =	vst v63;
	v5 =	vnsel vm10, $0x0, v3;
	vm10 =	vnez.u8 v4  }
0x274: {  	v4 =	vnsel vm10, $0x0, v3;
	[tilespmem:s23+$0x10000] =	vst v5  }
0x275: {  	v3 =	vsel vm9, $0x0, v3;
	[tilespmem:s23+$0x10800] =	vst v4  }
0x276: {  	[tilespmem:s23+$0x11800] =	vst v3;
	v3 =	vnsel vm12, $0x0, v2  }
0x277: {  	[tilespmem:s5+$0xE800] =	vst v3;
	v3 =	vnsel vm14, $0x0, v2  }
0x278: {  	[tilespmem:s5+$0xF800] =	vst v3  }
0x279: {  	v4 =	vld [tilespmem:$0x1FE90];
	_ =	sdelay $0x1  }
0x27a: {  	v3 =	vnsel vm1, $0x0, v2  }
0x27b: {  	[tilespmem:s5+$0x10800] =	vst v3;
	v3 =	vnsel vm7, $0x0, v1  }
0x27c: {  	[tilespmem:s22+$0xE000] =	vst v3;
	v3 =	vnsel vm0, $0x0, v1  }
0x27d: {  	[tilespmem:s22+$0xF000] =	vst v3;
	v3 =	vnsel vm5, $0x0, v1;
	vm14 =	vnez.u8 v4  }
0x27e: {  	[tilespmem:s22+$0x10000] =	vst v3;
	v4 =	vnsel vm14, $0x0, v2  }
0x27f: {  	v2 =	vsel vm8, $0x0, v2;
	[tilespmem:s5+$0x11000] =	vst v4  }
0x280: {  	[tilespmem:s5+$0x11800] =	vst v2;
	v2 =	vnsel vm3, $0x0, v1  }
0x281: {  	[tilespmem:s22+$0xE800] =	vst v2;
	v2 =	vnsel vm6, $0x0, v1  }
0x282: {  	[tilespmem:s22+$0xF800] =	vst v2  }
0x283: {  	v3 =	vld [tilespmem:$0x1FE30];
	_ =	sdelay $0x4  }
0x284: {  	v2 =	vnsel vm4, $0x0, v1;
	vm15 =	vnez.u8 v3  }
0x285: {  	[tilespmem:s22+$0x10800] =	vst v2;
	v1 =	vnsel vm15, $0x0, v1  }
0x286: {  	s0 =	simm.s32 @p0 $0x80;
	s1 =	simm.s32 @p0 $0x400;
	s4 =	simm.s32 @p0 $0x5000;
	[tilespmem:s22+$0x11000] =	vst v1  }
0x287: {  	[tilespmem:s4], [sflag:$0x2] =	stream.strided.gather @p0 [hbm4b:s8+s0], $0x800, s1, s0, $0x38;
	[tilespmem:$0x12000] =	vst v63  }
0x288: {  	s5 =	simm.s32 @p0 $0x5800;
	s4 =	sadd.s32 @p0 $0x80000, s8  }
0x289: {  	[tilespmem:s5], [sflag:$0x2] =	stream.strided.gather @p0 [hbm4b:s4+s0], $0x800, s1, s0, $0x38;
	[tilespmem:$0x12000] =	vst v63  }
0x28a: {  	s4 =	sadd.s32 @p0 $0x100000, s8;
	s5 =	simm.s32 @p0 $0x6000  }
0x28b: {  	[tilespmem:s5], [sflag:$0x2] =	stream.strided.gather @p0 [hbm4b:s4+s0], $0x800, s1, s0, $0x38;
	[tilespmem:$0x12000] =	vst v63  }
0x28c: {  	s4 =	sadd.s32 @p0 $0x180000, s8;
	s5 =	simm.s32 @p0 $0x6800  }
0x28d: {  	[tilespmem:s5], [sflag:$0x2] =	stream.strided.gather @p0 [hbm4b:s4+s0], $0x800, s1, s0, $0x38;
	[tilespmem:$0x12000] =	vst v63  }
0x28e: {  	s4 =	sadd.s32 @p0 $0x200000, s8;
	s5 =	simm.s32 @p0 $0x7000  }
0x28f: {  	[tilespmem:s5], [sflag:$0x2] =	stream.strided.gather @p0 [hbm4b:s4+s0], $0x800, s1, s0, $0x38;
	[tilespmem:$0x12000] =	vst v63  }
0x290: {  	s4 =	sadd.s32 @p0 $0x280000, s8;
	s5 =	simm.s32 @p0 $0x7800  }
0x291: {  	[tilespmem:s5], [sflag:$0x2] =	stream.strided.gather @p0 [hbm4b:s4+s0], $0x800, s1, s0, $0x38;
	[tilespmem:$0x12000] =	vst v63  }
0x292: {  	s4 =	sadd.s32 @p0 $0x300000, s8;
	s5 =	simm.s32 @p0 $0x8000  }
0x293: {  	[tilespmem:s5], [sflag:$0x2] =	stream.strided.gather @p0 [hbm4b:s4+s0], $0x800, s1, s0, $0x38;
	[tilespmem:$0x12000] =	vst v63  }
0x294: {  	s4 =	sadd.s32 @p0 $0x380000, s8;
	s5 =	simm.s32 @p0 $0x8800  }
0x295: {  	[tilespmem:s5], [sflag:$0x2] =	stream.strided.gather @p0 [hbm4b:s4+s0], $0x800, s1, s0, $0x38;
	[tilespmem:$0x12000] =	vst v63  }
0x296: {  	s4 =	sadd.s32 @p0 $0x400000, s8;
	s5 =	simm.s32 @p0 $0x9000  }
0x297: {  	[tilespmem:s5], [sflag:$0x2] =	stream.strided.gather @p0 [hbm4b:s4+s0], $0x800, s1, s0, $0x38;
	[tilespmem:$0x12000] =	vst v63  }
0x298: {  	s4 =	sadd.s32 @p0 $0x480000, s8;
	s5 =	simm.s32 @p0 $0x9800  }
0x299: {  	[tilespmem:s5], [sflag:$0x2] =	stream.strided.gather @p0 [hbm4b:s4+s0], $0x800, s1, s0, $0x38;
	[tilespmem:$0x12000] =	vst v63  }
0x29a: {  	s11 =	sadd.s32 $0x10, s25;
	s12 =	simm.s32 $0xE000  }
0x29b: {  	[hbm4b:s11+s29] =	stream.strided.scatter [tilespmem:s12], [sflag:$0x4], $0x800, s30, s29, $0x38;
	[tilespmem:$0x12000] =	vst v63  }
0x29c: {  	s14 =	sadd.s32 $0x8010, s25;
	s15 =	simm.s32 $0xE800  }
0x29d: {  	[hbm4b:s14+s29] =	stream.strided.scatter [tilespmem:s15], [sflag:$0x4], $0x800, s30, s29, $0x38;
	[tilespmem:$0x12000] =	vst v63  }
0x29e: {  	s16 =	sadd.s32 $0x10010, s25;
	s22 =	simm.s32 $0xF000  }
0x29f: {  	[hbm4b:s16+s29] =	stream.strided.scatter [tilespmem:s22], [sflag:$0x4], $0x800, s30, s29, $0x38;
	[tilespmem:$0x12000] =	vst v63  }
0x2a0: {  	s23 =	sadd.s32 $0x18010, s25  }
0x2a1: {  	[hbm4b:s23+s29] =	stream.strided.scatter [tilespmem:s17], [sflag:$0x4], $0x800, s30, s29, $0x38;
	[tilespmem:$0x12000] =	vst v63  }
0x2a2: {  	s24 =	sadd.s32 $0x20010, s25  }
0x2a3: {  	[hbm4b:s24+s29] =	stream.strided.scatter [tilespmem:s18], [sflag:$0x4], $0x800, s30, s29, $0x38;
	[tilespmem:$0x12000] =	vst v63  }
0x2a4: {  	s26 =	sadd.s32 $0x28010, s25  }
0x2a5: {  	[hbm4b:s26+s29] =	stream.strided.scatter [tilespmem:s19], [sflag:$0x4], $0x800, s30, s29, $0x38;
	[tilespmem:$0x12000] =	vst v63  }
.Ltmp2:
0x2a6: {  	_ = 	snop;
	(pc) =	sbr.rel @p0 .LBB2_2-.Ltmp2, $4  }
0x2a7: {  	s28 =	sadd.s32 $0x30010, s25;
	s31 =	sadd.s32 $0x38010, s25  }
0x2a8: {  	[hbm4b:s28+s29] =	stream.strided.scatter [tilespmem:s20], [sflag:$0x4], $0x800, s30, s29, $0x38;
	[tilespmem:$0x12000] =	vst v63  }
0x2a9: {  	p2 =	por $0x0, $0x0;
	p1 =	por $0x1, $0x1;
	s25 =	simm.s32 $0x2  }
0x2aa: {  	[hbm4b:s31+s29] =	stream.strided.scatter [tilespmem:s21], [sflag:$0x4], $0x800, s30, s29, $0x38;
	[tilespmem:$0x12000] =	vst v63  }
0x2ab: {  	s0 =	simm.s32 $0x3  }
0x2ac: {  	_ =	swait.ge [sflag:s0], $0x4000  }
0x2ad: {  	[sflag:s0] =	ssyncset.done $0x0  }
0x2ae: {  	s1 =	simm.s32 $0x4;
	[sflag:s0] =	ssyncadd.s32 $0xFFFFC000  }
0x2af: {  	_ =	swait.ge [sflag:s1], $0x4000  }
0x2b0: {  	s4 =	rddreg [dreg:$0x18]  }
0x2b1: {  	s31 =	rddreg [dreg:$0x5];
	s4 =	sadd.s32 $0x1, s4  }
0x2b2: {  	p0 =	sne.s32 s4, s31  }
.Ltmp3:
0x2b3: {  	_ = 	snop;
	(pc) =	sbr.rel @p0 .LBB2_1-.Ltmp3, $3  }
0x2b4: {  	_ =	sdelay $0x1  }
0x2b5: {  	[sflag:s1] =	ssyncset.done $0x0  }
0x2b6: {  	[sflag:s1] =	ssyncadd.s32 $0xFFFFC000  }
0x2b7: {  	_ =	sfence.sel $0x180000  }
0x2b8: {  	[bflag:$0x0] =	sbarrier.arrive $0xFFFF  }
0x2b9: {  	_ =	strace $0x90000047  }
0x2ba: {  	s0 =	stileid.u32;
	[bflag:$0x2] =	sbarrier.arrive $0xFFFF  }
0x2bb: {  	p0 =	sne.s32 s0, $0x0;
	s0 =	rddreg [dreg:$0x2]  }
0x2bc: {  	s0 =	sadd.s32 @!p0 $0x100000, s0  }
0x2bd: {  	[sflag:s0] =	ssyncadd.tile.s32 @!p0 $0x1;
	_ =	shalt  }
.Lfunc_end2:
_tile_overlayer_lowered:
.L_overlay_start_2:
0x2be: {  	(tag) =	ssettag $0x2  }
0x2bf: {  	s0 =	rddreg [dreg:$0x0];
	s2 =	stileid.u32  }
0x2c0: {  	s1 =	rddreg [dreg:$0x1];
	p0 =	sne.s32 s2, $0x0  }
0x2c1: {  	s3 =	rddreg [dreg:$0x2];
	[bflag:$0x3] =	sbarrier.arrive $0xFFFF;
	s2 =	simm.s32 @!p0 $0x1C05  }
0x2c2: {  	[timem:s3], [sflag:s2] =	dma.local @!p0 [hbm:s0], s1  }
0x2c3: {  	s0 =	simm.s32 @!p0 $0x5  }
0x2c4: {  	_ =	swait.ge @!p0 [sflag:s0], s1  }
0x2c5: {  	s1 =	ssub.s32 @!p0 $0x0, s1;
	[sflag:s0] =	ssyncset.done @!p0 $0x0  }
0x2c6: {  	[sflag:s0] =	ssyncadd.s32 @!p0 s1  }
0x2c7: {  	[bflag:$0x3] =	sbarrier.arrive $0xFFFF  }
0x2c8: {  	_ =	shalt  }

</sc_bundles>
